<compile_context>
chip_gen: v7x
topology: tpu7x:2x2x1
jax: 0.10.2.dev20260603
libtpu: 0.0.44.dev20260713+nightly
codegen_flags: <defaults>
</compile_context>

<pallas_src>
import functools

import jax
import jax.numpy as jnp
from jax import lax
from jax.experimental import pallas as pl
from jax.experimental.pallas import tpu as pltpu
from jax.experimental.pallas import tpu_sc as plsc

_NWORDS = 1000000
_EMB = 64
_NEG = 64
_CTX = 50

_NSTEP = 16
_BLK = 65536
_BR = _BLK // 128


def _gather_body(vtab, utab, idx_all, out, idx_sm, sem):
    cid = lax.axis_index("c")
    pltpu.sync_copy(idx_all, idx_sm)

    @pl.when(cid == 0)
    def _():
        copies = [
            pltpu.async_copy(vtab.at[pl.ds(idx_sm[i], 1)],
                             out.at[pl.ds(i, 1)], sem)
            for i in range(_CTX)
        ]
        for c in copies:
            c.wait()

    @pl.when(cid == 1)
    def _():
        pltpu.async_copy(utab.at[pl.ds(idx_sm[_CTX], 1)],
                         out.at[pl.ds(_CTX, 1)], sem).wait()


_gather_ctx = functools.partial(
    pl.kernel,
    mesh=plsc.ScalarSubcoreMesh(axis_name="c", num_cores=2),
    out_type=jax.ShapeDtypeStruct((_EMB, _EMB), jnp.float32),
    scratch_types=[
        pltpu.SMEM((128,), jnp.int32),
        pltpu.SemaphoreType.DMA,
    ],
)(_gather_body)


def _fused_body(cw_ref, w_ref, c_ref, u_any, out_ref, cand_ref, cand_sm,
                us_ref, sem):
    pid = pl.program_id(0)
    pltpu.prng_seed(pid * 7919 + 42)
    w = w_ref[...].reshape(_BR, 128)
    bits = pltpu.bitcast(pltpu.prng_random_bits((_BR, 128)), jnp.uint32)
    b24 = (bits >> jnp.uint32(8)).astype(jnp.int32)
    u = (b24.astype(jnp.float32) + 0.5) * (1.0 / 16777216.0)
    row = lax.broadcasted_iota(jnp.int32, (_BR, 128), 0)
    col = lax.broadcasted_iota(jnp.int32, (_BR, 128), 1)
    gidx = pid * _BLK + row * 128 + col
    valid = (gidx < _NWORDS) & (w > 0.0) & (gidx != cw_ref[0, 0])
    key = jnp.where(valid, w / -jnp.log(u), -1.0)
    lane4 = lax.broadcasted_iota(jnp.int32, (4, 128), 1)
    row4 = lax.broadcasted_iota(jnp.int32, (4, 128), 0)
    x = key
    for t in range(4):
        m = jnp.max(x)
        sel = jnp.min(jnp.where(x >= m, gidx, jnp.int32(2**30)))
        cand_ref[...] = jnp.where((lane4 == pid) & (row4 == t),
                                  sel, cand_ref[...])
        x = jnp.where(gidx == sel, -2.0, x)

    @pl.when(pid == _NSTEP - 1)
    def _():
        pltpu.make_async_copy(cand_ref, cand_sm, sem).start()
        pltpu.make_async_copy(cand_ref, cand_sm, sem).wait()
        copies = [
            pltpu.make_async_copy(
                u_any.at[pl.ds(cand_sm[k % 4, k // 4], 1)],
                us_ref.at[pl.ds(k, 1)], sem)
            for k in range(_NEG)
        ]
        for c in copies:
            c.start()
        for c in copies:
            c.wait()
        us_ref[_NEG:_NEG + 1, :] = c_ref[_CTX:_CTX + 1, :]
        s = lax.dot_general(us_ref[...], c_ref[...], (((1,), (1,)), ((), ())),
                            preferred_element_type=jnp.float32)
        rowm = lax.broadcasted_iota(jnp.int32, (128, _EMB), 0)
        colm = lax.broadcasted_iota(jnp.int32, (128, _EMB), 1)
        ctxm = colm < _CTX
        sig = 1.0 / (1.0 + jnp.exp(-s))
        pos_t = jnp.where(ctxm & (rowm == _NEG), jnp.log(sig), 0.0)
        neg_t = jnp.where(ctxm & (rowm < _NEG), jnp.log(1.0 - sig), 0.0)
        out_ref[0, 0] = jnp.sum(pos_t) + jnp.sum(neg_t)


def _sample_and_loss(cw, weights, crows, u_emb):
    return pl.pallas_call(
        _fused_body,
        grid=(_NSTEP,),
        in_specs=[
            pl.BlockSpec(memory_space=pltpu.SMEM),
            pl.BlockSpec((_BLK,), lambda i: (i,)),
            pl.BlockSpec((_EMB, _EMB), lambda i: (0, 0)),
            pl.BlockSpec(memory_space=pltpu.HBM),
        ],
        out_specs=pl.BlockSpec(memory_space=pltpu.SMEM),
        out_shape=jax.ShapeDtypeStruct((1, 1), jnp.float32),
        scratch_shapes=[
            pltpu.VMEM((4, 128), jnp.int32),
            pltpu.SMEM((4, 128), jnp.int32),
            pltpu.VMEM((128, _EMB), jnp.float32),
            pltpu.SemaphoreType.DMA,
        ],
    )(cw, weights, crows, u_emb)


def kernel(c_word, context, u_emb, v_emb, weights):
    cw1 = jnp.asarray(c_word, jnp.int32).reshape(1)
    idx_all = jnp.concatenate(
        [context.astype(jnp.int32), cw1, jnp.zeros((128 - _CTX - 1,), jnp.int32)])
    crows = _gather_ctx(v_emb, u_emb, idx_all)
    loss = _sample_and_loss(cw1.reshape(1, 1), weights, crows, u_emb)
    return loss[0, 0]

# --- scband reference (transcript-rebuilt; emitter-appended) ---
"""Pipeline reference for scband-neg-spl-sg-48619029790895 (READ-ONLY COPY).

The authoritative reference and input builder live on the scoring server;
editing this copy changes nothing except your own understanding.
"""

import jax, jax.numpy as jnp
import numpy as np

NWORDS = 1000000
EMB = 64
NEG = 64
CTX = 50


def _gumbel_topk_sample(weights, widx, neg_size, key):
    # torch.multinomial(weights_with_widx_zeroed, neg_size) without replacement
    w = weights.at[widx].set(0.0)
    u = jax.random.uniform(key, w.shape, minval=1e-10, maxval=1.0)
    g = -jnp.log(-jnp.log(u))
    logits = jnp.where(w > 0, jnp.log(w), -jnp.inf) + g
    _, idx = jax.lax.top_k(logits, neg_size)
    return idx


def setup_inputs(seed: int = 0) -> dict:
    key = jax.random.key(seed)
    k1, k2, k3, k4 = jax.random.split(key, 4)
    # xavier_normal-style init: std = sqrt(2 / (fan_in + fan_out))
    std = (2.0 / (NWORDS + EMB)) ** 0.5
    u_emb = jax.random.normal(k1, (NWORDS, EMB), dtype=jnp.float32) * std
    v_emb = jax.random.normal(k2, (NWORDS, EMB), dtype=jnp.float32) * std
    # unigram frequency weights -> w^0.75 normalized, as in __init__
    raw = jax.random.uniform(k3, (NWORDS,), dtype=jnp.float32, minval=1e-3, maxval=1.0)
    wt = jnp.power(raw, 0.75)
    wt = wt / wt.sum()
    context = jax.random.randint(k4, (CTX,), 0, NWORDS, dtype=jnp.int64 if jax.config.read('jax_enable_x64') else jnp.int32)
    return {"c_word": 12345, "context": context, "u_emb": u_emb, "v_emb": v_emb, "weights": wt}


def reference(c_word, context, u_emb, v_emb, weights):
    xw = jnp.take(u_emb, c_word, axis=0)          # [emb]
    xs = jnp.take(v_emb, context, axis=0).T       # [emb, ctx]
    neg_idx = _gumbel_topk_sample(weights, c_word, NEG, jax.random.key(42))
    xneg = jnp.take(u_emb, neg_idx, axis=0)       # [neg, emb]
    pos = jnp.log(jax.nn.sigmoid(jnp.matmul(xw, xs))).sum()
    neg = jnp.log(1.0 - jax.nn.sigmoid(jnp.matmul(xneg, xs))).sum()
    return pos + neg

if __name__ == "__main__":
    import jax
    _d = setup_inputs()
    print(jax.jit(kernel)(*tuple(_d.values())))

</pallas_src>

<mosaic_0001>
#map = affine_map<(d0) -> (0, 0)>
#map1 = affine_map<(d0) -> (0)>
module attributes {stable_mosaic.version = 14 : i64} {
  func.func @_gather_body(%arg0: i32, %arg1: memref<1000000x64xf32, #tpu.memory_space<hbm>>, %arg2: memref<1000000x64xf32, #tpu.memory_space<hbm>>, %arg3: memref<128xi32, #tpu.memory_space<hbm>>, %arg4: memref<64x64xf32, #tpu.memory_space<hbm>>, %arg5: memref<128xi32, #tpu.memory_space<smem>>, %arg6: memref<!tpu.dma_semaphore, #tpu.memory_space<semaphore_mem>>) attributes {dimension_semantics = [#tpu.dimension_semantics<core_parallel>], iteration_bounds = array<i64: 2>, scalar_prefetch = 0 : i64, scratch_operands = 2 : i64, tpu.core_type = #tpu.core_type<sc_scalar_subcore>, window_params = [{transform_indices = #map}, {transform_indices = #map}, {transform_indices = #map1}, {transform_indices = #map}]} {
    "tpu.region"() ({
      %run_scoped3A = tpu.sem_alloc : memref<!tpu.dma_semaphore, #tpu.memory_space<semaphore_mem>>
      tpu.enqueue_dma source(%arg3 : memref<128xi32, #tpu.memory_space<hbm>>) target(%arg5 : memref<128xi32, #tpu.memory_space<smem>>) target_semaphore(%run_scoped3A : memref<!tpu.dma_semaphore, #tpu.memory_space<semaphore_mem>>)
      tpu.wait_dma2 semaphore(%run_scoped3A : memref<!tpu.dma_semaphore, #tpu.memory_space<semaphore_mem>>) src(%arg3 : memref<128xi32, #tpu.memory_space<hbm>>) dst(%arg5 : memref<128xi32, #tpu.memory_space<smem>>)
      tpu.yield
    }) : () -> ()
    %eq3A = arith.constant 0 : i32
    %eq3A_0 = arith.cmpi eq, %arg0, %eq3A : i32
    %convert_element_type3A = arith.extui %eq3A_0 : i1 to i32
    %cond3A = arith.constant 0 : i32
    %cond3A_1 = arith.cmpi ne, %convert_element_type3A, %cond3A : i32
    scf.if %cond3A_1 {
      %get3A = arith.constant 0 : i32
      %get3A_7 = arith.index_cast %get3A : i32 to index
      %get3A_8 = memref.load %arg5[%get3A_7] : memref<128xi32, #tpu.memory_space<smem>>
      %dma_start3A = arith.constant 0 : i32
      %dma_start3A_9 = arith.constant 0 : i32
      %dma_start3A_10 = tpu.memref_slice %arg4[%dma_start3A, %dma_start3A_9] : memref<64x64xf32, #tpu.memory_space<hbm>> -> memref<1x64xf32, #tpu.memory_space<hbm>>
      %dma_start3A_11 = arith.constant 0 : i32
      %dma_start3A_12 = tpu.memref_slice %arg1[%get3A_8, %dma_start3A_11] : memref<1000000x64xf32, #tpu.memory_space<hbm>> -> memref<1x64xf32, #tpu.memory_space<hbm>>
      tpu.enqueue_dma source(%dma_start3A_12 : memref<1x64xf32, #tpu.memory_space<hbm>>) target(%dma_start3A_10 : memref<1x64xf32, #tpu.memory_space<hbm>>) target_semaphore(%arg6 : memref<!tpu.dma_semaphore, #tpu.memory_space<semaphore_mem>>)
      %get3A_13 = arith.constant 1 : i32
      %get3A_14 = arith.index_cast %get3A_13 : i32 to index
      %get3A_15 = memref.load %arg5[%get3A_14] : memref<128xi32, #tpu.memory_space<smem>>
      %dma_start3A_16 = arith.constant 1 : i32
      %dma_start3A_17 = arith.constant 0 : i32
      %dma_start3A_18 = tpu.memref_slice %arg4[%dma_start3A_16, %dma_start3A_17] : memref<64x64xf32, #tpu.memory_space<hbm>> -> memref<1x64xf32, #tpu.memory_space<hbm>>
      %dma_start3A_19 = arith.constant 0 : i32
      %dma_start3A_20 = tpu.memref_slice %arg1[%get3A_15, %dma_start3A_19] : memref<1000000x64xf32, #tpu.memory_space<hbm>> -> memref<1x64xf32, #tpu.memory_space<hbm>>
      tpu.enqueue_dma source(%dma_start3A_20 : memref<1x64xf32, #tpu.memory_space<hbm>>) target(%dma_start3A_18 : memref<1x64xf32, #tpu.memory_space<hbm>>) target_semaphore(%arg6 : memref<!tpu.dma_semaphore, #tpu.memory_space<semaphore_mem>>)
      %get3A_21 = arith.constant 2 : i32
      %get3A_22 = arith.index_cast %get3A_21 : i32 to index
      %get3A_23 = memref.load %arg5[%get3A_22] : memref<128xi32, #tpu.memory_space<smem>>
      %dma_start3A_24 = arith.constant 2 : i32
      %dma_start3A_25 = arith.constant 0 : i32
      %dma_start3A_26 = tpu.memref_slice %arg4[%dma_start3A_24, %dma_start3A_25] : memref<64x64xf32, #tpu.memory_space<hbm>> -> memref<1x64xf32, #tpu.memory_space<hbm>>
      %dma_start3A_27 = arith.constant 0 : i32
      %dma_start3A_28 = tpu.memref_slice %arg1[%get3A_23, %dma_start3A_27] : memref<1000000x64xf32, #tpu.memory_space<hbm>> -> memref<1x64xf32, #tpu.memory_space<hbm>>
      tpu.enqueue_dma source(%dma_start3A_28 : memref<1x64xf32, #tpu.memory_space<hbm>>) target(%dma_start3A_26 : memref<1x64xf32, #tpu.memory_space<hbm>>) target_semaphore(%arg6 : memref<!tpu.dma_semaphore, #tpu.memory_space<semaphore_mem>>)
      %get3A_29 = arith.constant 3 : i32
      %get3A_30 = arith.index_cast %get3A_29 : i32 to index
      %get3A_31 = memref.load %arg5[%get3A_30] : memref<128xi32, #tpu.memory_space<smem>>
      %dma_start3A_32 = arith.constant 3 : i32
      %dma_start3A_33 = arith.constant 0 : i32
      %dma_start3A_34 = tpu.memref_slice %arg4[%dma_start3A_32, %dma_start3A_33] : memref<64x64xf32, #tpu.memory_space<hbm>> -> memref<1x64xf32, #tpu.memory_space<hbm>>
      %dma_start3A_35 = arith.constant 0 : i32
      %dma_start3A_36 = tpu.memref_slice %arg1[%get3A_31, %dma_start3A_35] : memref<1000000x64xf32, #tpu.memory_space<hbm>> -> memref<1x64xf32, #tpu.memory_space<hbm>>
      tpu.enqueue_dma source(%dma_start3A_36 : memref<1x64xf32, #tpu.memory_space<hbm>>) target(%dma_start3A_34 : memref<1x64xf32, #tpu.memory_space<hbm>>) target_semaphore(%arg6 : memref<!tpu.dma_semaphore, #tpu.memory_space<semaphore_mem>>)
      %get3A_37 = arith.constant 4 : i32
      %get3A_38 = arith.index_cast %get3A_37 : i32 to index
      %get3A_39 = memref.load %arg5[%get3A_38] : memref<128xi32, #tpu.memory_space<smem>>
      %dma_start3A_40 = arith.constant 4 : i32
      %dma_start3A_41 = arith.constant 0 : i32
      %dma_start3A_42 = tpu.memref_slice %arg4[%dma_start3A_40, %dma_start3A_41] : memref<64x64xf32, #tpu.memory_space<hbm>> -> memref<1x64xf32, #tpu.memory_space<hbm>>
      %dma_start3A_43 = arith.constant 0 : i32
      %dma_start3A_44 = tpu.memref_slice %arg1[%get3A_39, %dma_start3A_43] : memref<1000000x64xf32, #tpu.memory_space<hbm>> -> memref<1x64xf32, #tpu.memory_space<hbm>>
      tpu.enqueue_dma source(%dma_start3A_44 : memref<1x64xf32, #tpu.memory_space<hbm>>) target(%dma_start3A_42 : memref<1x64xf32, #tpu.memory_space<hbm>>) target_semaphore(%arg6 : memref<!tpu.dma_semaphore, #tpu.memory_space<semaphore_mem>>)
      %get3A_45 = arith.constant 5 : i32
      %get3A_46 = arith.index_cast %get3A_45 : i32 to index
      %get3A_47 = memref.load %arg5[%get3A_46] : memref<128xi32, #tpu.memory_space<smem>>
      %dma_start3A_48 = arith.constant 5 : i32
      %dma_start3A_49 = arith.constant 0 : i32
      %dma_start3A_50 = tpu.memref_slice %arg4[%dma_start3A_48, %dma_start3A_49] : memref<64x64xf32, #tpu.memory_space<hbm>> -> memref<1x64xf32, #tpu.memory_space<hbm>>
      %dma_start3A_51 = arith.constant 0 : i32
      %dma_start3A_52 = tpu.memref_slice %arg1[%get3A_47, %dma_start3A_51] : memref<1000000x64xf32, #tpu.memory_space<hbm>> -> memref<1x64xf32, #tpu.memory_space<hbm>>
      tpu.enqueue_dma source(%dma_start3A_52 : memref<1x64xf32, #tpu.memory_space<hbm>>) target(%dma_start3A_50 : memref<1x64xf32, #tpu.memory_space<hbm>>) target_semaphore(%arg6 : memref<!tpu.dma_semaphore, #tpu.memory_space<semaphore_mem>>)
      %get3A_53 = arith.constant 6 : i32
      %get3A_54 = arith.index_cast %get3A_53 : i32 to index
      %get3A_55 = memref.load %arg5[%get3A_54] : memref<128xi32, #tpu.memory_space<smem>>
      %dma_start3A_56 = arith.constant 6 : i32
      %dma_start3A_57 = arith.constant 0 : i32
      %dma_start3A_58 = tpu.memref_slice %arg4[%dma_start3A_56, %dma_start3A_57] : memref<64x64xf32, #tpu.memory_space<hbm>> -> memref<1x64xf32, #tpu.memory_space<hbm>>
      %dma_start3A_59 = arith.constant 0 : i32
      %dma_start3A_60 = tpu.memref_slice %arg1[%get3A_55, %dma_start3A_59] : memref<1000000x64xf32, #tpu.memory_space<hbm>> -> memref<1x64xf32, #tpu.memory_space<hbm>>
      tpu.enqueue_dma source(%dma_start3A_60 : memref<1x64xf32, #tpu.memory_space<hbm>>) target(%dma_start3A_58 : memref<1x64xf32, #tpu.memory_space<hbm>>) target_semaphore(%arg6 : memref<!tpu.dma_semaphore, #tpu.memory_space<semaphore_mem>>)
      %get3A_61 = arith.constant 7 : i32
      %get3A_62 = arith.index_cast %get3A_61 : i32 to index
      %get3A_63 = memref.load %arg5[%get3A_62] : memref<128xi32, #tpu.memory_space<smem>>
      %dma_start3A_64 = arith.constant 7 : i32
      %dma_start3A_65 = arith.constant 0 : i32
      %dma_start3A_66 = tpu.memref_slice %arg4[%dma_start3A_64, %dma_start3A_65] : memref<64x64xf32, #tpu.memory_space<hbm>> -> memref<1x64xf32, #tpu.memory_space<hbm>>
      %dma_start3A_67 = arith.constant 0 : i32
      %dma_start3A_68 = tpu.memref_slice %arg1[%get3A_63, %dma_start3A_67] : memref<1000000x64xf32, #tpu.memory_space<hbm>> -> memref<1x64xf32, #tpu.memory_space<hbm>>
      tpu.enqueue_dma source(%dma_start3A_68 : memref<1x64xf32, #tpu.memory_space<hbm>>) target(%dma_start3A_66 : memref<1x64xf32, #tpu.memory_space<hbm>>) target_semaphore(%arg6 : memref<!tpu.dma_semaphore, #tpu.memory_space<semaphore_mem>>)
      %get3A_69 = arith.constant 8 : i32
      %get3A_70 = arith.index_cast %get3A_69 : i32 to index
      %get3A_71 = memref.load %arg5[%get3A_70] : memref<128xi32, #tpu.memory_space<smem>>
      %dma_start3A_72 = arith.constant 8 : i32
      %dma_start3A_73 = arith.constant 0 : i32
      %dma_start3A_74 = tpu.memref_slice %arg4[%dma_start3A_72, %dma_start3A_73] : memref<64x64xf32, #tpu.memory_space<hbm>> -> memref<1x64xf32, #tpu.memory_space<hbm>>
      %dma_start3A_75 = arith.constant 0 : i32
      %dma_start3A_76 = tpu.memref_slice %arg1[%get3A_71, %dma_start3A_75] : memref<1000000x64xf32, #tpu.memory_space<hbm>> -> memref<1x64xf32, #tpu.memory_space<hbm>>
      tpu.enqueue_dma source(%dma_start3A_76 : memref<1x64xf32, #tpu.memory_space<hbm>>) target(%dma_start3A_74 : memref<1x64xf32, #tpu.memory_space<hbm>>) target_semaphore(%arg6 : memref<!tpu.dma_semaphore, #tpu.memory_space<semaphore_mem>>)
      %get3A_77 = arith.constant 9 : i32
      %get3A_78 = arith.index_cast %get3A_77 : i32 to index
      %get3A_79 = memref.load %arg5[%get3A_78] : memref<128xi32, #tpu.memory_space<smem>>
      %dma_start3A_80 = arith.constant 9 : i32
      %dma_start3A_81 = arith.constant 0 : i32
      %dma_start3A_82 = tpu.memref_slice %arg4[%dma_start3A_80, %dma_start3A_81] : memref<64x64xf32, #tpu.memory_space<hbm>> -> memref<1x64xf32, #tpu.memory_space<hbm>>
      %dma_start3A_83 = arith.constant 0 : i32
      %dma_start3A_84 = tpu.memref_slice %arg1[%get3A_79, %dma_start3A_83] : memref<1000000x64xf32, #tpu.memory_space<hbm>> -> memref<1x64xf32, #tpu.memory_space<hbm>>
      tpu.enqueue_dma source(%dma_start3A_84 : memref<1x64xf32, #tpu.memory_space<hbm>>) target(%dma_start3A_82 : memref<1x64xf32, #tpu.memory_space<hbm>>) target_semaphore(%arg6 : memref<!tpu.dma_semaphore, #tpu.memory_space<semaphore_mem>>)
      %get3A_85 = arith.constant 10 : i32
      %get3A_86 = arith.index_cast %get3A_85 : i32 to index
      %get3A_87 = memref.load %arg5[%get3A_86] : memref<128xi32, #tpu.memory_space<smem>>
      %dma_start3A_88 = arith.constant 10 : i32
      %dma_start3A_89 = arith.constant 0 : i32
      %dma_start3A_90 = tpu.memref_slice %arg4[%dma_start3A_88, %dma_start3A_89] : memref<64x64xf32, #tpu.memory_space<hbm>> -> memref<1x64xf32, #tpu.memory_space<hbm>>
      %dma_start3A_91 = arith.constant 0 : i32
      %dma_start3A_92 = tpu.memref_slice %arg1[%get3A_87, %dma_start3A_91] : memref<1000000x64xf32, #tpu.memory_space<hbm>> -> memref<1x64xf32, #tpu.memory_space<hbm>>
      tpu.enqueue_dma source(%dma_start3A_92 : memref<1x64xf32, #tpu.memory_space<hbm>>) target(%dma_start3A_90 : memref<1x64xf32, #tpu.memory_space<hbm>>) target_semaphore(%arg6 : memref<!tpu.dma_semaphore, #tpu.memory_space<semaphore_mem>>)
      %get3A_93 = arith.constant 11 : i32
      %get3A_94 = arith.index_cast %get3A_93 : i32 to index
      %get3A_95 = memref.load %arg5[%get3A_94] : memref<128xi32, #tpu.memory_space<smem>>
      %dma_start3A_96 = arith.constant 11 : i32
      %dma_start3A_97 = arith.constant 0 : i32
      %dma_start3A_98 = tpu.memref_slice %arg4[%dma_start3A_96, %dma_start3A_97] : memref<64x64xf32, #tpu.memory_space<hbm>> -> memref<1x64xf32, #tpu.memory_space<hbm>>
      %dma_start3A_99 = arith.constant 0 : i32
      %dma_start3A_100 = tpu.memref_slice %arg1[%get3A_95, %dma_start3A_99] : memref<1000000x64xf32, #tpu.memory_space<hbm>> -> memref<1x64xf32, #tpu.memory_space<hbm>>
      tpu.enqueue_dma source(%dma_start3A_100 : memref<1x64xf32, #tpu.memory_space<hbm>>) target(%dma_start3A_98 : memref<1x64xf32, #tpu.memory_space<hbm>>) target_semaphore(%arg6 : memref<!tpu.dma_semaphore, #tpu.memory_space<semaphore_mem>>)
      %get3A_101 = arith.constant 12 : i32
      %get3A_102 = arith.index_cast %get3A_101 : i32 to index
      %get3A_103 = memref.load %arg5[%get3A_102] : memref<128xi32, #tpu.memory_space<smem>>
      %dma_start3A_104 = arith.constant 12 : i32
      %dma_start3A_105 = arith.constant 0 : i32
      %dma_start3A_106 = tpu.memref_slice %arg4[%dma_start3A_104, %dma_start3A_105] : memref<64x64xf32, #tpu.memory_space<hbm>> -> memref<1x64xf32, #tpu.memory_space<hbm>>
      %dma_start3A_107 = arith.constant 0 : i32
      %dma_start3A_108 = tpu.memref_slice %arg1[%get3A_103, %dma_start3A_107] : memref<1000000x64xf32, #tpu.memory_space<hbm>> -> memref<1x64xf32, #tpu.memory_space<hbm>>
      tpu.enqueue_dma source(%dma_start3A_108 : memref<1x64xf32, #tpu.memory_space<hbm>>) target(%dma_start3A_106 : memref<1x64xf32, #tpu.memory_space<hbm>>) target_semaphore(%arg6 : memref<!tpu.dma_semaphore, #tpu.memory_space<semaphore_mem>>)
      %get3A_109 = arith.constant 13 : i32
      %get3A_110 = arith.index_cast %get3A_109 : i32 to index
      %get3A_111 = memref.load %arg5[%get3A_110] : memref<128xi32, #tpu.memory_space<smem>>
      %dma_start3A_112 = arith.constant 13 : i32
      %dma_start3A_113 = arith.constant 0 : i32
      %dma_start3A_114 = tpu.memref_slice %arg4[%dma_start3A_112, %dma_start3A_113] : memref<64x64xf32, #tpu.memory_space<hbm>> -> memref<1x64xf32, #tpu.memory_space<hbm>>
      %dma_start3A_115 = arith.constant 0 : i32
      %dma_start3A_116 = tpu.memref_slice %arg1[%get3A_111, %dma_start3A_115] : memref<1000000x64xf32, #tpu.memory_space<hbm>> -> memref<1x64xf32, #tpu.memory_space<hbm>>
      tpu.enqueue_dma source(%dma_start3A_116 : memref<1x64xf32, #tpu.memory_space<hbm>>) target(%dma_start3A_114 : memref<1x64xf32, #tpu.memory_space<hbm>>) target_semaphore(%arg6 : memref<!tpu.dma_semaphore, #tpu.memory_space<semaphore_mem>>)
      %get3A_117 = arith.constant 14 : i32
      %get3A_118 = arith.index_cast %get3A_117 : i32 to index
      %get3A_119 = memref.load %arg5[%get3A_118] : memref<128xi32, #tpu.memory_space<smem>>
      %dma_start3A_120 = arith.constant 14 : i32
      %dma_start3A_121 = arith.constant 0 : i32
      %dma_start3A_122 = tpu.memref_slice %arg4[%dma_start3A_120, %dma_start3A_121] : memref<64x64xf32, #tpu.memory_space<hbm>> -> memref<1x64xf32, #tpu.memory_space<hbm>>
      %dma_start3A_123 = arith.constant 0 : i32
      %dma_start3A_124 = tpu.memref_slice %arg1[%get3A_119, %dma_start3A_123] : memref<1000000x64xf32, #tpu.memory_space<hbm>> -> memref<1x64xf32, #tpu.memory_space<hbm>>
      tpu.enqueue_dma source(%dma_start3A_124 : memref<1x64xf32, #tpu.memory_space<hbm>>) target(%dma_start3A_122 : memref<1x64xf32, #tpu.memory_space<hbm>>) target_semaphore(%arg6 : memref<!tpu.dma_semaphore, #tpu.memory_space<semaphore_mem>>)
      %get3A_125 = arith.constant 15 : i32
      %get3A_126 = arith.index_cast %get3A_125 : i32 to index
      %get3A_127 = memref.load %arg5[%get3A_126] : memref<128xi32, #tpu.memory_space<smem>>
      %dma_start3A_128 = arith.constant 15 : i32
      %dma_start3A_129 = arith.constant 0 : i32
      %dma_start3A_130 = tpu.memref_slice %arg4[%dma_start3A_128, %dma_start3A_129] : memref<64x64xf32, #tpu.memory_space<hbm>> -> memref<1x64xf32, #tpu.memory_space<hbm>>
      %dma_start3A_131 = arith.constant 0 : i32
      %dma_start3A_132 = tpu.memref_slice %arg1[%get3A_127, %dma_start3A_131] : memref<1000000x64xf32, #tpu.memory_space<hbm>> -> memref<1x64xf32, #tpu.memory_space<hbm>>
      tpu.enqueue_dma source(%dma_start3A_132 : memref<1x64xf32, #tpu.memory_space<hbm>>) target(%dma_start3A_130 : memref<1x64xf32, #tpu.memory_space<hbm>>) target_semaphore(%arg6 : memref<!tpu.dma_semaphore, #tpu.memory_space<semaphore_mem>>)
      %get3A_133 = arith.constant 16 : i32
      %get3A_134 = arith.index_cast %get3A_133 : i32 to index
      %get3A_135 = memref.load %arg5[%get3A_134] : memref<128xi32, #tpu.memory_space<smem>>
      %dma_start3A_136 = arith.constant 16 : i32
      %dma_start3A_137 = arith.constant 0 : i32
      %dma_start3A_138 = tpu.memref_slice %arg4[%dma_start3A_136, %dma_start3A_137] : memref<64x64xf32, #tpu.memory_space<hbm>> -> memref<1x64xf32, #tpu.memory_space<hbm>>
      %dma_start3A_139 = arith.constant 0 : i32
      %dma_start3A_140 = tpu.memref_slice %arg1[%get3A_135, %dma_start3A_139] : memref<1000000x64xf32, #tpu.memory_space<hbm>> -> memref<1x64xf32, #tpu.memory_space<hbm>>
      tpu.enqueue_dma source(%dma_start3A_140 : memref<1x64xf32, #tpu.memory_space<hbm>>) target(%dma_start3A_138 : memref<1x64xf32, #tpu.memory_space<hbm>>) target_semaphore(%arg6 : memref<!tpu.dma_semaphore, #tpu.memory_space<semaphore_mem>>)
      %get3A_141 = arith.constant 17 : i32
      %get3A_142 = arith.index_cast %get3A_141 : i32 to index
      %get3A_143 = memref.load %arg5[%get3A_142] : memref<128xi32, #tpu.memory_space<smem>>
      %dma_start3A_144 = arith.constant 17 : i32
      %dma_start3A_145 = arith.constant 0 : i32
      %dma_start3A_146 = tpu.memref_slice %arg4[%dma_start3A_144, %dma_start3A_145] : memref<64x64xf32, #tpu.memory_space<hbm>> -> memref<1x64xf32, #tpu.memory_space<hbm>>
      %dma_start3A_147 = arith.constant 0 : i32
      %dma_start3A_148 = tpu.memref_slice %arg1[%get3A_143, %dma_start3A_147] : memref<1000000x64xf32, #tpu.memory_space<hbm>> -> memref<1x64xf32, #tpu.memory_space<hbm>>
      tpu.enqueue_dma source(%dma_start3A_148 : memref<1x64xf32, #tpu.memory_space<hbm>>) target(%dma_start3A_146 : memref<1x64xf32, #tpu.memory_space<hbm>>) target_semaphore(%arg6 : memref<!tpu.dma_semaphore, #tpu.memory_space<semaphore_mem>>)
      %get3A_149 = arith.constant 18 : i32
      %get3A_150 = arith.index_cast %get3A_149 : i32 to index
      %get3A_151 = memref.load %arg5[%get3A_150] : memref<128xi32, #tpu.memory_space<smem>>
      %dma_start3A_152 = arith.constant 18 : i32
      %dma_start3A_153 = arith.constant 0 : i32
      %dma_start3A_154 = tpu.memref_slice %arg4[%dma_start3A_152, %dma_start3A_153] : memref<64x64xf32, #tpu.memory_space<hbm>> -> memref<1x64xf32, #tpu.memory_space<hbm>>
      %dma_start3A_155 = arith.constant 0 : i32
      %dma_start3A_156 = tpu.memref_slice %arg1[%get3A_151, %dma_start3A_155] : memref<1000000x64xf32, #tpu.memory_space<hbm>> -> memref<1x64xf32, #tpu.memory_space<hbm>>
      tpu.enqueue_dma source(%dma_start3A_156 : memref<1x64xf32, #tpu.memory_space<hbm>>) target(%dma_start3A_154 : memref<1x64xf32, #tpu.memory_space<hbm>>) target_semaphore(%arg6 : memref<!tpu.dma_semaphore, #tpu.memory_space<semaphore_mem>>)
      %get3A_157 = arith.constant 19 : i32
      %get3A_158 = arith.index_cast %get3A_157 : i32 to index
      %get3A_159 = memref.load %arg5[%get3A_158] : memref<128xi32, #tpu.memory_space<smem>>
      %dma_start3A_160 = arith.constant 19 : i32
      %dma_start3A_161 = arith.constant 0 : i32
      %dma_start3A_162 = tpu.memref_slice %arg4[%dma_start3A_160, %dma_start3A_161] : memref<64x64xf32, #tpu.memory_space<hbm>> -> memref<1x64xf32, #tpu.memory_space<hbm>>
      %dma_start3A_163 = arith.constant 0 : i32
      %dma_start3A_164 = tpu.memref_slice %arg1[%get3A_159, %dma_start3A_163] : memref<1000000x64xf32, #tpu.memory_space<hbm>> -> memref<1x64xf32, #tpu.memory_space<hbm>>
      tpu.enqueue_dma source(%dma_start3A_164 : memref<1x64xf32, #tpu.memory_space<hbm>>) target(%dma_start3A_162 : memref<1x64xf32, #tpu.memory_space<hbm>>) target_semaphore(%arg6 : memref<!tpu.dma_semaphore, #tpu.memory_space<semaphore_mem>>)
      %get3A_165 = arith.constant 20 : i32
      %get3A_166 = arith.index_cast %get3A_165 : i32 to index
      %get3A_167 = memref.load %arg5[%get3A_166] : memref<128xi32, #tpu.memory_space<smem>>
      %dma_start3A_168 = arith.constant 20 : i32
      %dma_start3A_169 = arith.constant 0 : i32
      %dma_start3A_170 = tpu.memref_slice %arg4[%dma_start3A_168, %dma_start3A_169] : memref<64x64xf32, #tpu.memory_space<hbm>> -> memref<1x64xf32, #tpu.memory_space<hbm>>
      %dma_start3A_171 = arith.constant 0 : i32
      %dma_start3A_172 = tpu.memref_slice %arg1[%get3A_167, %dma_start3A_171] : memref<1000000x64xf32, #tpu.memory_space<hbm>> -> memref<1x64xf32, #tpu.memory_space<hbm>>
      tpu.enqueue_dma source(%dma_start3A_172 : memref<1x64xf32, #tpu.memory_space<hbm>>) target(%dma_start3A_170 : memref<1x64xf32, #tpu.memory_space<hbm>>) target_semaphore(%arg6 : memref<!tpu.dma_semaphore, #tpu.memory_space<semaphore_mem>>)
      %get3A_173 = arith.constant 21 : i32
      %get3A_174 = arith.index_cast %get3A_173 : i32 to index
      %get3A_175 = memref.load %arg5[%get3A_174] : memref<128xi32, #tpu.memory_space<smem>>
      %dma_start3A_176 = arith.constant 21 : i32
      %dma_start3A_177 = arith.constant 0 : i32
      %dma_start3A_178 = tpu.memref_slice %arg4[%dma_start3A_176, %dma_start3A_177] : memref<64x64xf32, #tpu.memory_space<hbm>> -> memref<1x64xf32, #tpu.memory_space<hbm>>
      %dma_start3A_179 = arith.constant 0 : i32
      %dma_start3A_180 = tpu.memref_slice %arg1[%get3A_175, %dma_start3A_179] : memref<1000000x64xf32, #tpu.memory_space<hbm>> -> memref<1x64xf32, #tpu.memory_space<hbm>>
      tpu.enqueue_dma source(%dma_start3A_180 : memref<1x64xf32, #tpu.memory_space<hbm>>) target(%dma_start3A_178 : memref<1x64xf32, #tpu.memory_space<hbm>>) target_semaphore(%arg6 : memref<!tpu.dma_semaphore, #tpu.memory_space<semaphore_mem>>)
      %get3A_181 = arith.constant 22 : i32
      %get3A_182 = arith.index_cast %get3A_181 : i32 to index
      %get3A_183 = memref.load %arg5[%get3A_182] : memref<128xi32, #tpu.memory_space<smem>>
      %dma_start3A_184 = arith.constant 22 : i32
      %dma_start3A_185 = arith.constant 0 : i32
      %dma_start3A_186 = tpu.memref_slice %arg4[%dma_start3A_184, %dma_start3A_185] : memref<64x64xf32, #tpu.memory_space<hbm>> -> memref<1x64xf32, #tpu.memory_space<hbm>>
      %dma_start3A_187 = arith.constant 0 : i32
      %dma_start3A_188 = tpu.memref_slice %arg1[%get3A_183, %dma_start3A_187] : memref<1000000x64xf32, #tpu.memory_space<hbm>> -> memref<1x64xf32, #tpu.memory_space<hbm>>
      tpu.enqueue_dma source(%dma_start3A_188 : memref<1x64xf32, #tpu.memory_space<hbm>>) target(%dma_start3A_186 : memref<1x64xf32, #tpu.memory_space<hbm>>) target_semaphore(%arg6 : memref<!tpu.dma_semaphore, #tpu.memory_space<semaphore_mem>>)
      %get3A_189 = arith.constant 23 : i32
      %get3A_190 = arith.index_cast %get3A_189 : i32 to index
      %get3A_191 = memref.load %arg5[%get3A_190] : memref<128xi32, #tpu.memory_space<smem>>
      %dma_start3A_192 = arith.constant 23 : i32
      %dma_start3A_193 = arith.constant 0 : i32
      %dma_start3A_194 = tpu.memref_slice %arg4[%dma_start3A_192, %dma_start3A_193] : memref<64x64xf32, #tpu.memory_space<hbm>> -> memref<1x64xf32, #tpu.memory_space<hbm>>
      %dma_start3A_195 = arith.constant 0 : i32
      %dma_start3A_196 = tpu.memref_slice %arg1[%get3A_191, %dma_start3A_195] : memref<1000000x64xf32, #tpu.memory_space<hbm>> -> memref<1x64xf32, #tpu.memory_space<hbm>>
      tpu.enqueue_dma source(%dma_start3A_196 : memref<1x64xf32, #tpu.memory_space<hbm>>) target(%dma_start3A_194 : memref<1x64xf32, #tpu.memory_space<hbm>>) target_semaphore(%arg6 : memref<!tpu.dma_semaphore, #tpu.memory_space<semaphore_mem>>)
      %get3A_197 = arith.constant 24 : i32
      %get3A_198 = arith.index_cast %get3A_197 : i32 to index
      %get3A_199 = memref.load %arg5[%get3A_198] : memref<128xi32, #tpu.memory_space<smem>>
      %dma_start3A_200 = arith.constant 24 : i32
      %dma_start3A_201 = arith.constant 0 : i32
      %dma_start3A_202 = tpu.memref_slice %arg4[%dma_start3A_200, %dma_start3A_201] : memref<64x64xf32, #tpu.memory_space<hbm>> -> memref<1x64xf32, #tpu.memory_space<hbm>>
      %dma_start3A_203 = arith.constant 0 : i32
      %dma_start3A_204 = tpu.memref_slice %arg1[%get3A_199, %dma_start3A_203] : memref<1000000x64xf32, #tpu.memory_space<hbm>> -> memref<1x64xf32, #tpu.memory_space<hbm>>
      tpu.enqueue_dma source(%dma_start3A_204 : memref<1x64xf32, #tpu.memory_space<hbm>>) target(%dma_start3A_202 : memref<1x64xf32, #tpu.memory_space<hbm>>) target_semaphore(%arg6 : memref<!tpu.dma_semaphore, #tpu.memory_space<semaphore_mem>>)
      %get3A_205 = arith.constant 25 : i32
      %get3A_206 = arith.index_cast %get3A_205 : i32 to index
      %get3A_207 = memref.load %arg5[%get3A_206] : memref<128xi32, #tpu.memory_space<smem>>
      %dma_start3A_208 = arith.constant 25 : i32
      %dma_start3A_209 = arith.constant 0 : i32
      %dma_start3A_210 = tpu.memref_slice %arg4[%dma_start3A_208, %dma_start3A_209] : memref<64x64xf32, #tpu.memory_space<hbm>> -> memref<1x64xf32, #tpu.memory_space<hbm>>
      %dma_start3A_211 = arith.constant 0 : i32
      %dma_start3A_212 = tpu.memref_slice %arg1[%get3A_207, %dma_start3A_211] : memref<1000000x64xf32, #tpu.memory_space<hbm>> -> memref<1x64xf32, #tpu.memory_space<hbm>>
      tpu.enqueue_dma source(%dma_start3A_212 : memref<1x64xf32, #tpu.memory_space<hbm>>) target(%dma_start3A_210 : memref<1x64xf32, #tpu.memory_space<hbm>>) target_semaphore(%arg6 : memref<!tpu.dma_semaphore, #tpu.memory_space<semaphore_mem>>)
      %get3A_213 = arith.constant 26 : i32
      %get3A_214 = arith.index_cast %get3A_213 : i32 to index
      %get3A_215 = memref.load %arg5[%get3A_214] : memref<128xi32, #tpu.memory_space<smem>>
      %dma_start3A_216 = arith.constant 26 : i32
      %dma_start3A_217 = arith.constant 0 : i32
      %dma_start3A_218 = tpu.memref_slice %arg4[%dma_start3A_216, %dma_start3A_217] : memref<64x64xf32, #tpu.memory_space<hbm>> -> memref<1x64xf32, #tpu.memory_space<hbm>>
      %dma_start3A_219 = arith.constant 0 : i32
      %dma_start3A_220 = tpu.memref_slice %arg1[%get3A_215, %dma_start3A_219] : memref<1000000x64xf32, #tpu.memory_space<hbm>> -> memref<1x64xf32, #tpu.memory_space<hbm>>
      tpu.enqueue_dma source(%dma_start3A_220 : memref<1x64xf32, #tpu.memory_space<hbm>>) target(%dma_start3A_218 : memref<1x64xf32, #tpu.memory_space<hbm>>) target_semaphore(%arg6 : memref<!tpu.dma_semaphore, #tpu.memory_space<semaphore_mem>>)
      %get3A_221 = arith.constant 27 : i32
      %get3A_222 = arith.index_cast %get3A_221 : i32 to index
      %get3A_223 = memref.load %arg5[%get3A_222] : memref<128xi32, #tpu.memory_space<smem>>
      %dma_start3A_224 = arith.constant 27 : i32
      %dma_start3A_225 = arith.constant 0 : i32
      %dma_start3A_226 = tpu.memref_slice %arg4[%dma_start3A_224, %dma_start3A_225] : memref<64x64xf32, #tpu.memory_space<hbm>> -> memref<1x64xf32, #tpu.memory_space<hbm>>
      %dma_start3A_227 = arith.constant 0 : i32
      %dma_start3A_228 = tpu.memref_slice %arg1[%get3A_223, %dma_start3A_227] : memref<1000000x64xf32, #tpu.memory_space<hbm>> -> memref<1x64xf32, #tpu.memory_space<hbm>>
      tpu.enqueue_dma source(%dma_start3A_228 : memref<1x64xf32, #tpu.memory_space<hbm>>) target(%dma_start3A_226 : memref<1x64xf32, #tpu.memory_space<hbm>>) target_semaphore(%arg6 : memref<!tpu.dma_semaphore, #tpu.memory_space<semaphore_mem>>)
      %get3A_229 = arith.constant 28 : i32
      %get3A_230 = arith.index_cast %get3A_229 : i32 to index
      %get3A_231 = memref.load %arg5[%get3A_230] : memref<128xi32, #tpu.memory_space<smem>>
      %dma_start3A_232 = arith.constant 28 : i32
      %dma_start3A_233 = arith.constant 0 : i32
      %dma_start3A_234 = tpu.memref_slice %arg4[%dma_start3A_232, %dma_start3A_233] : memref<64x64xf32, #tpu.memory_space<hbm>> -> memref<1x64xf32, #tpu.memory_space<hbm>>
      %dma_start3A_235 = arith.constant 0 : i32
      %dma_start3A_236 = tpu.memref_slice %arg1[%get3A_231, %dma_start3A_235] : memref<1000000x64xf32, #tpu.memory_space<hbm>> -> memref<1x64xf32, #tpu.memory_space<hbm>>
      tpu.enqueue_dma source(%dma_start3A_236 : memref<1x64xf32, #tpu.memory_space<hbm>>) target(%dma_start3A_234 : memref<1x64xf32, #tpu.memory_space<hbm>>) target_semaphore(%arg6 : memref<!tpu.dma_semaphore, #tpu.memory_space<semaphore_mem>>)
      %get3A_237 = arith.constant 29 : i32
      %get3A_238 = arith.index_cast %get3A_237 : i32 to index
      %get3A_239 = memref.load %arg5[%get3A_238] : memref<128xi32, #tpu.memory_space<smem>>
      %dma_start3A_240 = arith.constant 29 : i32
      %dma_start3A_241 = arith.constant 0 : i32
      %dma_start3A_242 = tpu.memref_slice %arg4[%dma_start3A_240, %dma_start3A_241] : memref<64x64xf32, #tpu.memory_space<hbm>> -> memref<1x64xf32, #tpu.memory_space<hbm>>
      %dma_start3A_243 = arith.constant 0 : i32
      %dma_start3A_244 = tpu.memref_slice %arg1[%get3A_239, %dma_start3A_243] : memref<1000000x64xf32, #tpu.memory_space<hbm>> -> memref<1x64xf32, #tpu.memory_space<hbm>>
      tpu.enqueue_dma source(%dma_start3A_244 : memref<1x64xf32, #tpu.memory_space<hbm>>) target(%dma_start3A_242 : memref<1x64xf32, #tpu.memory_space<hbm>>) target_semaphore(%arg6 : memref<!tpu.dma_semaphore, #tpu.memory_space<semaphore_mem>>)
      %get3A_245 = arith.constant 30 : i32
      %get3A_246 = arith.index_cast %get3A_245 : i32 to index
      %get3A_247 = memref.load %arg5[%get3A_246] : memref<128xi32, #tpu.memory_space<smem>>
      %dma_start3A_248 = arith.constant 30 : i32
      %dma_start3A_249 = arith.constant 0 : i32
      %dma_start3A_250 = tpu.memref_slice %arg4[%dma_start3A_248, %dma_start3A_249] : memref<64x64xf32, #tpu.memory_space<hbm>> -> memref<1x64xf32, #tpu.memory_space<hbm>>
      %dma_start3A_251 = arith.constant 0 : i32
      %dma_start3A_252 = tpu.memref_slice %arg1[%get3A_247, %dma_start3A_251] : memref<1000000x64xf32, #tpu.memory_space<hbm>> -> memref<1x64xf32, #tpu.memory_space<hbm>>
      tpu.enqueue_dma source(%dma_start3A_252 : memref<1x64xf32, #tpu.memory_space<hbm>>) target(%dma_start3A_250 : memref<1x64xf32, #tpu.memory_space<hbm>>) target_semaphore(%arg6 : memref<!tpu.dma_semaphore, #tpu.memory_space<semaphore_mem>>)
      %get3A_253 = arith.constant 31 : i32
      %get3A_254 = arith.index_cast %get3A_253 : i32 to index
      %get3A_255 = memref.load %arg5[%get3A_254] : memref<128xi32, #tpu.memory_space<smem>>
      %dma_start3A_256 = arith.constant 31 : i32
      %dma_start3A_257 = arith.constant 0 : i32
      %dma_start3A_258 = tpu.memref_slice %arg4[%dma_start3A_256, %dma_start3A_257] : memref<64x64xf32, #tpu.memory_space<hbm>> -> memref<1x64xf32, #tpu.memory_space<hbm>>
      %dma_start3A_259 = arith.constant 0 : i32
      %dma_start3A_260 = tpu.memref_slice %arg1[%get3A_255, %dma_start3A_259] : memref<1000000x64xf32, #tpu.memory_space<hbm>> -> memref<1x64xf32, #tpu.memory_space<hbm>>
      tpu.enqueue_dma source(%dma_start3A_260 : memref<1x64xf32, #tpu.memory_space<hbm>>) target(%dma_start3A_258 : memref<1x64xf32, #tpu.memory_space<hbm>>) target_semaphore(%arg6 : memref<!tpu.dma_semaphore, #tpu.memory_space<semaphore_mem>>)
      %get3A_261 = arith.constant 32 : i32
      %get3A_262 = arith.index_cast %get3A_261 : i32 to index
      %get3A_263 = memref.load %arg5[%get3A_262] : memref<128xi32, #tpu.memory_space<smem>>
      %dma_start3A_264 = arith.constant 32 : i32
      %dma_start3A_265 = arith.constant 0 : i32
      %dma_start3A_266 = tpu.memref_slice %arg4[%dma_start3A_264, %dma_start3A_265] : memref<64x64xf32, #tpu.memory_space<hbm>> -> memref<1x64xf32, #tpu.memory_space<hbm>>
      %dma_start3A_267 = arith.constant 0 : i32
      %dma_start3A_268 = tpu.memref_slice %arg1[%get3A_263, %dma_start3A_267] : memref<1000000x64xf32, #tpu.memory_space<hbm>> -> memref<1x64xf32, #tpu.memory_space<hbm>>
      tpu.enqueue_dma source(%dma_start3A_268 : memref<1x64xf32, #tpu.memory_space<hbm>>) target(%dma_start3A_266 : memref<1x64xf32, #tpu.memory_space<hbm>>) target_semaphore(%arg6 : memref<!tpu.dma_semaphore, #tpu.memory_space<semaphore_mem>>)
      %get3A_269 = arith.constant 33 : i32
      %get3A_270 = arith.index_cast %get3A_269 : i32 to index
      %get3A_271 = memref.load %arg5[%get3A_270] : memref<128xi32, #tpu.memory_space<smem>>
      %dma_start3A_272 = arith.constant 33 : i32
      %dma_start3A_273 = arith.constant 0 : i32
      %dma_start3A_274 = tpu.memref_slice %arg4[%dma_start3A_272, %dma_start3A_273] : memref<64x64xf32, #tpu.memory_space<hbm>> -> memref<1x64xf32, #tpu.memory_space<hbm>>
      %dma_start3A_275 = arith.constant 0 : i32
      %dma_start3A_276 = tpu.memref_slice %arg1[%get3A_271, %dma_start3A_275] : memref<1000000x64xf32, #tpu.memory_space<hbm>> -> memref<1x64xf32, #tpu.memory_space<hbm>>
      tpu.enqueue_dma source(%dma_start3A_276 : memref<1x64xf32, #tpu.memory_space<hbm>>) target(%dma_start3A_274 : memref<1x64xf32, #tpu.memory_space<hbm>>) target_semaphore(%arg6 : memref<!tpu.dma_semaphore, #tpu.memory_space<semaphore_mem>>)
      %get3A_277 = arith.constant 34 : i32
      %get3A_278 = arith.index_cast %get3A_277 : i32 to index
      %get3A_279 = memref.load %arg5[%get3A_278] : memref<128xi32, #tpu.memory_space<smem>>
      %dma_start3A_280 = arith.constant 34 : i32
      %dma_start3A_281 = arith.constant 0 : i32
      %dma_start3A_282 = tpu.memref_slice %arg4[%dma_start3A_280, %dma_start3A_281] : memref<64x64xf32, #tpu.memory_space<hbm>> -> memref<1x64xf32, #tpu.memory_space<hbm>>
      %dma_start3A_283 = arith.constant 0 : i32
      %dma_start3A_284 = tpu.memref_slice %arg1[%get3A_279, %dma_start3A_283] : memref<1000000x64xf32, #tpu.memory_space<hbm>> -> memref<1x64xf32, #tpu.memory_space<hbm>>
      tpu.enqueue_dma source(%dma_start3A_284 : memref<1x64xf32, #tpu.memory_space<hbm>>) target(%dma_start3A_282 : memref<1x64xf32, #tpu.memory_space<hbm>>) target_semaphore(%arg6 : memref<!tpu.dma_semaphore, #tpu.memory_space<semaphore_mem>>)
      %get3A_285 = arith.constant 35 : i32
      %get3A_286 = arith.index_cast %get3A_285 : i32 to index
      %get3A_287 = memref.load %arg5[%get3A_286] : memref<128xi32, #tpu.memory_space<smem>>
      %dma_start3A_288 = arith.constant 35 : i32
      %dma_start3A_289 = arith.constant 0 : i32
      %dma_start3A_290 = tpu.memref_slice %arg4[%dma_start3A_288, %dma_start3A_289] : memref<64x64xf32, #tpu.memory_space<hbm>> -> memref<1x64xf32, #tpu.memory_space<hbm>>
      %dma_start3A_291 = arith.constant 0 : i32
      %dma_start3A_292 = tpu.memref_slice %arg1[%get3A_287, %dma_start3A_291] : memref<1000000x64xf32, #tpu.memory_space<hbm>> -> memref<1x64xf32, #tpu.memory_space<hbm>>
      tpu.enqueue_dma source(%dma_start3A_292 : memref<1x64xf32, #tpu.memory_space<hbm>>) target(%dma_start3A_290 : memref<1x64xf32, #tpu.memory_space<hbm>>) target_semaphore(%arg6 : memref<!tpu.dma_semaphore, #tpu.memory_space<semaphore_mem>>)
      %get3A_293 = arith.constant 36 : i32
      %get3A_294 = arith.index_cast %get3A_293 : i32 to index
      %get3A_295 = memref.load %arg5[%get3A_294] : memref<128xi32, #tpu.memory_space<smem>>
      %dma_start3A_296 = arith.constant 36 : i32
      %dma_start3A_297 = arith.constant 0 : i32
      %dma_start3A_298 = tpu.memref_slice %arg4[%dma_start3A_296, %dma_start3A_297] : memref<64x64xf32, #tpu.memory_space<hbm>> -> memref<1x64xf32, #tpu.memory_space<hbm>>
      %dma_start3A_299 = arith.constant 0 : i32
      %dma_start3A_300 = tpu.memref_slice %arg1[%get3A_295, %dma_start3A_299] : memref<1000000x64xf32, #tpu.memory_space<hbm>> -> memref<1x64xf32, #tpu.memory_space<hbm>>
      tpu.enqueue_dma source(%dma_start3A_300 : memref<1x64xf32, #tpu.memory_space<hbm>>) target(%dma_start3A_298 : memref<1x64xf32, #tpu.memory_space<hbm>>) target_semaphore(%arg6 : memref<!tpu.dma_semaphore, #tpu.memory_space<semaphore_mem>>)
      %get3A_301 = arith.constant 37 : i32
      %get3A_302 = arith.index_cast %get3A_301 : i32 to index
      %get3A_303 = memref.load %arg5[%get3A_302] : memref<128xi32, #tpu.memory_space<smem>>
      %dma_start3A_304 = arith.constant 37 : i32
      %dma_start3A_305 = arith.constant 0 : i32
      %dma_start3A_306 = tpu.memref_slice %arg4[%dma_start3A_304, %dma_start3A_305] : memref<64x64xf32, #tpu.memory_space<hbm>> -> memref<1x64xf32, #tpu.memory_space<hbm>>
      %dma_start3A_307 = arith.constant 0 : i32
      %dma_start3A_308 = tpu.memref_slice %arg1[%get3A_303, %dma_start3A_307] : memref<1000000x64xf32, #tpu.memory_space<hbm>> -> memref<1x64xf32, #tpu.memory_space<hbm>>
      tpu.enqueue_dma source(%dma_start3A_308 : memref<1x64xf32, #tpu.memory_space<hbm>>) target(%dma_start3A_306 : memref<1x64xf32, #tpu.memory_space<hbm>>) target_semaphore(%arg6 : memref<!tpu.dma_semaphore, #tpu.memory_space<semaphore_mem>>)
      %get3A_309 = arith.constant 38 : i32
      %get3A_310 = arith.index_cast %get3A_309 : i32 to index
      %get3A_311 = memref.load %arg5[%get3A_310] : memref<128xi32, #tpu.memory_space<smem>>
      %dma_start3A_312 = arith.constant 38 : i32
      %dma_start3A_313 = arith.constant 0 : i32
      %dma_start3A_314 = tpu.memref_slice %arg4[%dma_start3A_312, %dma_start3A_313] : memref<64x64xf32, #tpu.memory_space<hbm>> -> memref<1x64xf32, #tpu.memory_space<hbm>>
      %dma_start3A_315 = arith.constant 0 : i32
      %dma_start3A_316 = tpu.memref_slice %arg1[%get3A_311, %dma_start3A_315] : memref<1000000x64xf32, #tpu.memory_space<hbm>> -> memref<1x64xf32, #tpu.memory_space<hbm>>
      tpu.enqueue_dma source(%dma_start3A_316 : memref<1x64xf32, #tpu.memory_space<hbm>>) target(%dma_start3A_314 : memref<1x64xf32, #tpu.memory_space<hbm>>) target_semaphore(%arg6 : memref<!tpu.dma_semaphore, #tpu.memory_space<semaphore_mem>>)
      %get3A_317 = arith.constant 39 : i32
      %get3A_318 = arith.index_cast %get3A_317 : i32 to index
      %get3A_319 = memref.load %arg5[%get3A_318] : memref<128xi32, #tpu.memory_space<smem>>
      %dma_start3A_320 = arith.constant 39 : i32
      %dma_start3A_321 = arith.constant 0 : i32
      %dma_start3A_322 = tpu.memref_slice %arg4[%dma_start3A_320, %dma_start3A_321] : memref<64x64xf32, #tpu.memory_space<hbm>> -> memref<1x64xf32, #tpu.memory_space<hbm>>
      %dma_start3A_323 = arith.constant 0 : i32
      %dma_start3A_324 = tpu.memref_slice %arg1[%get3A_319, %dma_start3A_323] : memref<1000000x64xf32, #tpu.memory_space<hbm>> -> memref<1x64xf32, #tpu.memory_space<hbm>>
      tpu.enqueue_dma source(%dma_start3A_324 : memref<1x64xf32, #tpu.memory_space<hbm>>) target(%dma_start3A_322 : memref<1x64xf32, #tpu.memory_space<hbm>>) target_semaphore(%arg6 : memref<!tpu.dma_semaphore, #tpu.memory_space<semaphore_mem>>)
      %get3A_325 = arith.constant 40 : i32
      %get3A_326 = arith.index_cast %get3A_325 : i32 to index
      %get3A_327 = memref.load %arg5[%get3A_326] : memref<128xi32, #tpu.memory_space<smem>>
      %dma_start3A_328 = arith.constant 40 : i32
      %dma_start3A_329 = arith.constant 0 : i32
      %dma_start3A_330 = tpu.memref_slice %arg4[%dma_start3A_328, %dma_start3A_329] : memref<64x64xf32, #tpu.memory_space<hbm>> -> memref<1x64xf32, #tpu.memory_space<hbm>>
      %dma_start3A_331 = arith.constant 0 : i32
      %dma_start3A_332 = tpu.memref_slice %arg1[%get3A_327, %dma_start3A_331] : memref<1000000x64xf32, #tpu.memory_space<hbm>> -> memref<1x64xf32, #tpu.memory_space<hbm>>
      tpu.enqueue_dma source(%dma_start3A_332 : memref<1x64xf32, #tpu.memory_space<hbm>>) target(%dma_start3A_330 : memref<1x64xf32, #tpu.memory_space<hbm>>) target_semaphore(%arg6 : memref<!tpu.dma_semaphore, #tpu.memory_space<semaphore_mem>>)
      %get3A_333 = arith.constant 41 : i32
      %get3A_334 = arith.index_cast %get3A_333 : i32 to index
      %get3A_335 = memref.load %arg5[%get3A_334] : memref<128xi32, #tpu.memory_space<smem>>
      %dma_start3A_336 = arith.constant 41 : i32
      %dma_start3A_337 = arith.constant 0 : i32
      %dma_start3A_338 = tpu.memref_slice %arg4[%dma_start3A_336, %dma_start3A_337] : memref<64x64xf32, #tpu.memory_space<hbm>> -> memref<1x64xf32, #tpu.memory_space<hbm>>
      %dma_start3A_339 = arith.constant 0 : i32
      %dma_start3A_340 = tpu.memref_slice %arg1[%get3A_335, %dma_start3A_339] : memref<1000000x64xf32, #tpu.memory_space<hbm>> -> memref<1x64xf32, #tpu.memory_space<hbm>>
      tpu.enqueue_dma source(%dma_start3A_340 : memref<1x64xf32, #tpu.memory_space<hbm>>) target(%dma_start3A_338 : memref<1x64xf32, #tpu.memory_space<hbm>>) target_semaphore(%arg6 : memref<!tpu.dma_semaphore, #tpu.memory_space<semaphore_mem>>)
      %get3A_341 = arith.constant 42 : i32
      %get3A_342 = arith.index_cast %get3A_341 : i32 to index
      %get3A_343 = memref.load %arg5[%get3A_342] : memref<128xi32, #tpu.memory_space<smem>>
      %dma_start3A_344 = arith.constant 42 : i32
      %dma_start3A_345 = arith.constant 0 : i32
      %dma_start3A_346 = tpu.memref_slice %arg4[%dma_start3A_344, %dma_start3A_345] : memref<64x64xf32, #tpu.memory_space<hbm>> -> memref<1x64xf32, #tpu.memory_space<hbm>>
      %dma_start3A_347 = arith.constant 0 : i32
      %dma_start3A_348 = tpu.memref_slice %arg1[%get3A_343, %dma_start3A_347] : memref<1000000x64xf32, #tpu.memory_space<hbm>> -> memref<1x64xf32, #tpu.memory_space<hbm>>
      tpu.enqueue_dma source(%dma_start3A_348 : memref<1x64xf32, #tpu.memory_space<hbm>>) target(%dma_start3A_346 : memref<1x64xf32, #tpu.memory_space<hbm>>) target_semaphore(%arg6 : memref<!tpu.dma_semaphore, #tpu.memory_space<semaphore_mem>>)
      %get3A_349 = arith.constant 43 : i32
      %get3A_350 = arith.index_cast %get3A_349 : i32 to index
      %get3A_351 = memref.load %arg5[%get3A_350] : memref<128xi32, #tpu.memory_space<smem>>
      %dma_start3A_352 = arith.constant 43 : i32
      %dma_start3A_353 = arith.constant 0 : i32
      %dma_start3A_354 = tpu.memref_slice %arg4[%dma_start3A_352, %dma_start3A_353] : memref<64x64xf32, #tpu.memory_space<hbm>> -> memref<1x64xf32, #tpu.memory_space<hbm>>
      %dma_start3A_355 = arith.constant 0 : i32
      %dma_start3A_356 = tpu.memref_slice %arg1[%get3A_351, %dma_start3A_355] : memref<1000000x64xf32, #tpu.memory_space<hbm>> -> memref<1x64xf32, #tpu.memory_space<hbm>>
      tpu.enqueue_dma source(%dma_start3A_356 : memref<1x64xf32, #tpu.memory_space<hbm>>) target(%dma_start3A_354 : memref<1x64xf32, #tpu.memory_space<hbm>>) target_semaphore(%arg6 : memref<!tpu.dma_semaphore, #tpu.memory_space<semaphore_mem>>)
      %get3A_357 = arith.constant 44 : i32
      %get3A_358 = arith.index_cast %get3A_357 : i32 to index
      %get3A_359 = memref.load %arg5[%get3A_358] : memref<128xi32, #tpu.memory_space<smem>>
      %dma_start3A_360 = arith.constant 44 : i32
      %dma_start3A_361 = arith.constant 0 : i32
      %dma_start3A_362 = tpu.memref_slice %arg4[%dma_start3A_360, %dma_start3A_361] : memref<64x64xf32, #tpu.memory_space<hbm>> -> memref<1x64xf32, #tpu.memory_space<hbm>>
      %dma_start3A_363 = arith.constant 0 : i32
      %dma_start3A_364 = tpu.memref_slice %arg1[%get3A_359, %dma_start3A_363] : memref<1000000x64xf32, #tpu.memory_space<hbm>> -> memref<1x64xf32, #tpu.memory_space<hbm>>
      tpu.enqueue_dma source(%dma_start3A_364 : memref<1x64xf32, #tpu.memory_space<hbm>>) target(%dma_start3A_362 : memref<1x64xf32, #tpu.memory_space<hbm>>) target_semaphore(%arg6 : memref<!tpu.dma_semaphore, #tpu.memory_space<semaphore_mem>>)
      %get3A_365 = arith.constant 45 : i32
      %get3A_366 = arith.index_cast %get3A_365 : i32 to index
      %get3A_367 = memref.load %arg5[%get3A_366] : memref<128xi32, #tpu.memory_space<smem>>
      %dma_start3A_368 = arith.constant 45 : i32
      %dma_start3A_369 = arith.constant 0 : i32
      %dma_start3A_370 = tpu.memref_slice %arg4[%dma_start3A_368, %dma_start3A_369] : memref<64x64xf32, #tpu.memory_space<hbm>> -> memref<1x64xf32, #tpu.memory_space<hbm>>
      %dma_start3A_371 = arith.constant 0 : i32
      %dma_start3A_372 = tpu.memref_slice %arg1[%get3A_367, %dma_start3A_371] : memref<1000000x64xf32, #tpu.memory_space<hbm>> -> memref<1x64xf32, #tpu.memory_space<hbm>>
      tpu.enqueue_dma source(%dma_start3A_372 : memref<1x64xf32, #tpu.memory_space<hbm>>) target(%dma_start3A_370 : memref<1x64xf32, #tpu.memory_space<hbm>>) target_semaphore(%arg6 : memref<!tpu.dma_semaphore, #tpu.memory_space<semaphore_mem>>)
      %get3A_373 = arith.constant 46 : i32
      %get3A_374 = arith.index_cast %get3A_373 : i32 to index
      %get3A_375 = memref.load %arg5[%get3A_374] : memref<128xi32, #tpu.memory_space<smem>>
      %dma_start3A_376 = arith.constant 46 : i32
      %dma_start3A_377 = arith.constant 0 : i32
      %dma_start3A_378 = tpu.memref_slice %arg4[%dma_start3A_376, %dma_start3A_377] : memref<64x64xf32, #tpu.memory_space<hbm>> -> memref<1x64xf32, #tpu.memory_space<hbm>>
      %dma_start3A_379 = arith.constant 0 : i32
      %dma_start3A_380 = tpu.memref_slice %arg1[%get3A_375, %dma_start3A_379] : memref<1000000x64xf32, #tpu.memory_space<hbm>> -> memref<1x64xf32, #tpu.memory_space<hbm>>
      tpu.enqueue_dma source(%dma_start3A_380 : memref<1x64xf32, #tpu.memory_space<hbm>>) target(%dma_start3A_378 : memref<1x64xf32, #tpu.memory_space<hbm>>) target_semaphore(%arg6 : memref<!tpu.dma_semaphore, #tpu.memory_space<semaphore_mem>>)
      %get3A_381 = arith.constant 47 : i32
      %get3A_382 = arith.index_cast %get3A_381 : i32 to index
      %get3A_383 = memref.load %arg5[%get3A_382] : memref<128xi32, #tpu.memory_space<smem>>
      %dma_start3A_384 = arith.constant 47 : i32
      %dma_start3A_385 = arith.constant 0 : i32
      %dma_start3A_386 = tpu.memref_slice %arg4[%dma_start3A_384, %dma_start3A_385] : memref<64x64xf32, #tpu.memory_space<hbm>> -> memref<1x64xf32, #tpu.memory_space<hbm>>
      %dma_start3A_387 = arith.constant 0 : i32
      %dma_start3A_388 = tpu.memref_slice %arg1[%get3A_383, %dma_start3A_387] : memref<1000000x64xf32, #tpu.memory_space<hbm>> -> memref<1x64xf32, #tpu.memory_space<hbm>>
      tpu.enqueue_dma source(%dma_start3A_388 : memref<1x64xf32, #tpu.memory_space<hbm>>) target(%dma_start3A_386 : memref<1x64xf32, #tpu.memory_space<hbm>>) target_semaphore(%arg6 : memref<!tpu.dma_semaphore, #tpu.memory_space<semaphore_mem>>)
      %get3A_389 = arith.constant 48 : i32
      %get3A_390 = arith.index_cast %get3A_389 : i32 to index
      %get3A_391 = memref.load %arg5[%get3A_390] : memref<128xi32, #tpu.memory_space<smem>>
      %dma_start3A_392 = arith.constant 48 : i32
      %dma_start3A_393 = arith.constant 0 : i32
      %dma_start3A_394 = tpu.memref_slice %arg4[%dma_start3A_392, %dma_start3A_393] : memref<64x64xf32, #tpu.memory_space<hbm>> -> memref<1x64xf32, #tpu.memory_space<hbm>>
      %dma_start3A_395 = arith.constant 0 : i32
      %dma_start3A_396 = tpu.memref_slice %arg1[%get3A_391, %dma_start3A_395] : memref<1000000x64xf32, #tpu.memory_space<hbm>> -> memref<1x64xf32, #tpu.memory_space<hbm>>
      tpu.enqueue_dma source(%dma_start3A_396 : memref<1x64xf32, #tpu.memory_space<hbm>>) target(%dma_start3A_394 : memref<1x64xf32, #tpu.memory_space<hbm>>) target_semaphore(%arg6 : memref<!tpu.dma_semaphore, #tpu.memory_space<semaphore_mem>>)
      %get3A_397 = arith.constant 49 : i32
      %get3A_398 = arith.index_cast %get3A_397 : i32 to index
      %get3A_399 = memref.load %arg5[%get3A_398] : memref<128xi32, #tpu.memory_space<smem>>
      %dma_start3A_400 = arith.constant 49 : i32
      %dma_start3A_401 = arith.constant 0 : i32
      %dma_start3A_402 = tpu.memref_slice %arg4[%dma_start3A_400, %dma_start3A_401] : memref<64x64xf32, #tpu.memory_space<hbm>> -> memref<1x64xf32, #tpu.memory_space<hbm>>
      %dma_start3A_403 = arith.constant 0 : i32
      %dma_start3A_404 = tpu.memref_slice %arg1[%get3A_399, %dma_start3A_403] : memref<1000000x64xf32, #tpu.memory_space<hbm>> -> memref<1x64xf32, #tpu.memory_space<hbm>>
      tpu.enqueue_dma source(%dma_start3A_404 : memref<1x64xf32, #tpu.memory_space<hbm>>) target(%dma_start3A_402 : memref<1x64xf32, #tpu.memory_space<hbm>>) target_semaphore(%arg6 : memref<!tpu.dma_semaphore, #tpu.memory_space<semaphore_mem>>)
      %dma_wait3A = arith.constant 0 : i32
      %dma_wait3A_405 = arith.constant 0 : i32
      %dma_wait3A_406 = tpu.memref_slice %arg4[%dma_wait3A, %dma_wait3A_405] : memref<64x64xf32, #tpu.memory_space<hbm>> -> memref<1x64xf32, #tpu.memory_space<hbm>>
      %dma_wait3A_407 = arith.constant 0 : i32
      %dma_wait3A_408 = tpu.memref_slice %arg1[%get3A_8, %dma_wait3A_407] : memref<1000000x64xf32, #tpu.memory_space<hbm>> -> memref<1x64xf32, #tpu.memory_space<hbm>>
      tpu.wait_dma2 semaphore(%arg6 : memref<!tpu.dma_semaphore, #tpu.memory_space<semaphore_mem>>) src(%dma_wait3A_408 : memref<1x64xf32, #tpu.memory_space<hbm>>) dst(%dma_wait3A_406 : memref<1x64xf32, #tpu.memory_space<hbm>>)
      %dma_wait3A_409 = arith.constant 1 : i32
      %dma_wait3A_410 = arith.constant 0 : i32
      %dma_wait3A_411 = tpu.memref_slice %arg4[%dma_wait3A_409, %dma_wait3A_410] : memref<64x64xf32, #tpu.memory_space<hbm>> -> memref<1x64xf32, #tpu.memory_space<hbm>>
      %dma_wait3A_412 = arith.constant 0 : i32
      %dma_wait3A_413 = tpu.memref_slice %arg1[%get3A_15, %dma_wait3A_412] : memref<1000000x64xf32, #tpu.memory_space<hbm>> -> memref<1x64xf32, #tpu.memory_space<hbm>>
      tpu.wait_dma2 semaphore(%arg6 : memref<!tpu.dma_semaphore, #tpu.memory_space<semaphore_mem>>) src(%dma_wait3A_413 : memref<1x64xf32, #tpu.memory_space<hbm>>) dst(%dma_wait3A_411 : memref<1x64xf32, #tpu.memory_space<hbm>>)
      %dma_wait3A_414 = arith.constant 2 : i32
      %dma_wait3A_415 = arith.constant 0 : i32
      %dma_wait3A_416 = tpu.memref_slice %arg4[%dma_wait3A_414, %dma_wait3A_415] : memref<64x64xf32, #tpu.memory_space<hbm>> -> memref<1x64xf32, #tpu.memory_space<hbm>>
      %dma_wait3A_417 = arith.constant 0 : i32
      %dma_wait3A_418 = tpu.memref_slice %arg1[%get3A_23, %dma_wait3A_417] : memref<1000000x64xf32, #tpu.memory_space<hbm>> -> memref<1x64xf32, #tpu.memory_space<hbm>>
      tpu.wait_dma2 semaphore(%arg6 : memref<!tpu.dma_semaphore, #tpu.memory_space<semaphore_mem>>) src(%dma_wait3A_418 : memref<1x64xf32, #tpu.memory_space<hbm>>) dst(%dma_wait3A_416 : memref<1x64xf32, #tpu.memory_space<hbm>>)
      %dma_wait3A_419 = arith.constant 3 : i32
      %dma_wait3A_420 = arith.constant 0 : i32
      %dma_wait3A_421 = tpu.memref_slice %arg4[%dma_wait3A_419, %dma_wait3A_420] : memref<64x64xf32, #tpu.memory_space<hbm>> -> memref<1x64xf32, #tpu.memory_space<hbm>>
      %dma_wait3A_422 = arith.constant 0 : i32
      %dma_wait3A_423 = tpu.memref_slice %arg1[%get3A_31, %dma_wait3A_422] : memref<1000000x64xf32, #tpu.memory_space<hbm>> -> memref<1x64xf32, #tpu.memory_space<hbm>>
      tpu.wait_dma2 semaphore(%arg6 : memref<!tpu.dma_semaphore, #tpu.memory_space<semaphore_mem>>) src(%dma_wait3A_423 : memref<1x64xf32, #tpu.memory_space<hbm>>) dst(%dma_wait3A_421 : memref<1x64xf32, #tpu.memory_space<hbm>>)
      %dma_wait3A_424 = arith.constant 4 : i32
      %dma_wait3A_425 = arith.constant 0 : i32
      %dma_wait3A_426 = tpu.memref_slice %arg4[%dma_wait3A_424, %dma_wait3A_425] : memref<64x64xf32, #tpu.memory_space<hbm>> -> memref<1x64xf32, #tpu.memory_space<hbm>>
      %dma_wait3A_427 = arith.constant 0 : i32
      %dma_wait3A_428 = tpu.memref_slice %arg1[%get3A_39, %dma_wait3A_427] : memref<1000000x64xf32, #tpu.memory_space<hbm>> -> memref<1x64xf32, #tpu.memory_space<hbm>>
      tpu.wait_dma2 semaphore(%arg6 : memref<!tpu.dma_semaphore, #tpu.memory_space<semaphore_mem>>) src(%dma_wait3A_428 : memref<1x64xf32, #tpu.memory_space<hbm>>) dst(%dma_wait3A_426 : memref<1x64xf32, #tpu.memory_space<hbm>>)
      %dma_wait3A_429 = arith.constant 5 : i32
      %dma_wait3A_430 = arith.constant 0 : i32
      %dma_wait3A_431 = tpu.memref_slice %arg4[%dma_wait3A_429, %dma_wait3A_430] : memref<64x64xf32, #tpu.memory_space<hbm>> -> memref<1x64xf32, #tpu.memory_space<hbm>>
      %dma_wait3A_432 = arith.constant 0 : i32
      %dma_wait3A_433 = tpu.memref_slice %arg1[%get3A_47, %dma_wait3A_432] : memref<1000000x64xf32, #tpu.memory_space<hbm>> -> memref<1x64xf32, #tpu.memory_space<hbm>>
      tpu.wait_dma2 semaphore(%arg6 : memref<!tpu.dma_semaphore, #tpu.memory_space<semaphore_mem>>) src(%dma_wait3A_433 : memref<1x64xf32, #tpu.memory_space<hbm>>) dst(%dma_wait3A_431 : memref<1x64xf32, #tpu.memory_space<hbm>>)
      %dma_wait3A_434 = arith.constant 6 : i32
      %dma_wait3A_435 = arith.constant 0 : i32
      %dma_wait3A_436 = tpu.memref_slice %arg4[%dma_wait3A_434, %dma_wait3A_435] : memref<64x64xf32, #tpu.memory_space<hbm>> -> memref<1x64xf32, #tpu.memory_space<hbm>>
      %dma_wait3A_437 = arith.constant 0 : i32
      %dma_wait3A_438 = tpu.memref_slice %arg1[%get3A_55, %dma_wait3A_437] : memref<1000000x64xf32, #tpu.memory_space<hbm>> -> memref<1x64xf32, #tpu.memory_space<hbm>>
      tpu.wait_dma2 semaphore(%arg6 : memref<!tpu.dma_semaphore, #tpu.memory_space<semaphore_mem>>) src(%dma_wait3A_438 : memref<1x64xf32, #tpu.memory_space<hbm>>) dst(%dma_wait3A_436 : memref<1x64xf32, #tpu.memory_space<hbm>>)
      %dma_wait3A_439 = arith.constant 7 : i32
      %dma_wait3A_440 = arith.constant 0 : i32
      %dma_wait3A_441 = tpu.memref_slice %arg4[%dma_wait3A_439, %dma_wait3A_440] : memref<64x64xf32, #tpu.memory_space<hbm>> -> memref<1x64xf32, #tpu.memory_space<hbm>>
      %dma_wait3A_442 = arith.constant 0 : i32
      %dma_wait3A_443 = tpu.memref_slice %arg1[%get3A_63, %dma_wait3A_442] : memref<1000000x64xf32, #tpu.memory_space<hbm>> -> memref<1x64xf32, #tpu.memory_space<hbm>>
      tpu.wait_dma2 semaphore(%arg6 : memref<!tpu.dma_semaphore, #tpu.memory_space<semaphore_mem>>) src(%dma_wait3A_443 : memref<1x64xf32, #tpu.memory_space<hbm>>) dst(%dma_wait3A_441 : memref<1x64xf32, #tpu.memory_space<hbm>>)
      %dma_wait3A_444 = arith.constant 8 : i32
      %dma_wait3A_445 = arith.constant 0 : i32
      %dma_wait3A_446 = tpu.memref_slice %arg4[%dma_wait3A_444, %dma_wait3A_445] : memref<64x64xf32, #tpu.memory_space<hbm>> -> memref<1x64xf32, #tpu.memory_space<hbm>>
      %dma_wait3A_447 = arith.constant 0 : i32
      %dma_wait3A_448 = tpu.memref_slice %arg1[%get3A_71, %dma_wait3A_447] : memref<1000000x64xf32, #tpu.memory_space<hbm>> -> memref<1x64xf32, #tpu.memory_space<hbm>>
      tpu.wait_dma2 semaphore(%arg6 : memref<!tpu.dma_semaphore, #tpu.memory_space<semaphore_mem>>) src(%dma_wait3A_448 : memref<1x64xf32, #tpu.memory_space<hbm>>) dst(%dma_wait3A_446 : memref<1x64xf32, #tpu.memory_space<hbm>>)
      %dma_wait3A_449 = arith.constant 9 : i32
      %dma_wait3A_450 = arith.constant 0 : i32
      %dma_wait3A_451 = tpu.memref_slice %arg4[%dma_wait3A_449, %dma_wait3A_450] : memref<64x64xf32, #tpu.memory_space<hbm>> -> memref<1x64xf32, #tpu.memory_space<hbm>>
      %dma_wait3A_452 = arith.constant 0 : i32
      %dma_wait3A_453 = tpu.memref_slice %arg1[%get3A_79, %dma_wait3A_452] : memref<1000000x64xf32, #tpu.memory_space<hbm>> -> memref<1x64xf32, #tpu.memory_space<hbm>>
      tpu.wait_dma2 semaphore(%arg6 : memref<!tpu.dma_semaphore, #tpu.memory_space<semaphore_mem>>) src(%dma_wait3A_453 : memref<1x64xf32, #tpu.memory_space<hbm>>) dst(%dma_wait3A_451 : memref<1x64xf32, #tpu.memory_space<hbm>>)
      %dma_wait3A_454 = arith.constant 10 : i32
      %dma_wait3A_455 = arith.constant 0 : i32
      %dma_wait3A_456 = tpu.memref_slice %arg4[%dma_wait3A_454, %dma_wait3A_455] : memref<64x64xf32, #tpu.memory_space<hbm>> -> memref<1x64xf32, #tpu.memory_space<hbm>>
      %dma_wait3A_457 = arith.constant 0 : i32
      %dma_wait3A_458 = tpu.memref_slice %arg1[%get3A_87, %dma_wait3A_457] : memref<1000000x64xf32, #tpu.memory_space<hbm>> -> memref<1x64xf32, #tpu.memory_space<hbm>>
      tpu.wait_dma2 semaphore(%arg6 : memref<!tpu.dma_semaphore, #tpu.memory_space<semaphore_mem>>) src(%dma_wait3A_458 : memref<1x64xf32, #tpu.memory_space<hbm>>) dst(%dma_wait3A_456 : memref<1x64xf32, #tpu.memory_space<hbm>>)
      %dma_wait3A_459 = arith.constant 11 : i32
      %dma_wait3A_460 = arith.constant 0 : i32
      %dma_wait3A_461 = tpu.memref_slice %arg4[%dma_wait3A_459, %dma_wait3A_460] : memref<64x64xf32, #tpu.memory_space<hbm>> -> memref<1x64xf32, #tpu.memory_space<hbm>>
      %dma_wait3A_462 = arith.constant 0 : i32
      %dma_wait3A_463 = tpu.memref_slice %arg1[%get3A_95, %dma_wait3A_462] : memref<1000000x64xf32, #tpu.memory_space<hbm>> -> memref<1x64xf32, #tpu.memory_space<hbm>>
      tpu.wait_dma2 semaphore(%arg6 : memref<!tpu.dma_semaphore, #tpu.memory_space<semaphore_mem>>) src(%dma_wait3A_463 : memref<1x64xf32, #tpu.memory_space<hbm>>) dst(%dma_wait3A_461 : memref<1x64xf32, #tpu.memory_space<hbm>>)
      %dma_wait3A_464 = arith.constant 12 : i32
      %dma_wait3A_465 = arith.constant 0 : i32
      %dma_wait3A_466 = tpu.memref_slice %arg4[%dma_wait3A_464, %dma_wait3A_465] : memref<64x64xf32, #tpu.memory_space<hbm>> -> memref<1x64xf32, #tpu.memory_space<hbm>>
      %dma_wait3A_467 = arith.constant 0 : i32
      %dma_wait3A_468 = tpu.memref_slice %arg1[%get3A_103, %dma_wait3A_467] : memref<1000000x64xf32, #tpu.memory_space<hbm>> -> memref<1x64xf32, #tpu.memory_space<hbm>>
      tpu.wait_dma2 semaphore(%arg6 : memref<!tpu.dma_semaphore, #tpu.memory_space<semaphore_mem>>) src(%dma_wait3A_468 : memref<1x64xf32, #tpu.memory_space<hbm>>) dst(%dma_wait3A_466 : memref<1x64xf32, #tpu.memory_space<hbm>>)
      %dma_wait3A_469 = arith.constant 13 : i32
      %dma_wait3A_470 = arith.constant 0 : i32
      %dma_wait3A_471 = tpu.memref_slice %arg4[%dma_wait3A_469, %dma_wait3A_470] : memref<64x64xf32, #tpu.memory_space<hbm>> -> memref<1x64xf32, #tpu.memory_space<hbm>>
      %dma_wait3A_472 = arith.constant 0 : i32
      %dma_wait3A_473 = tpu.memref_slice %arg1[%get3A_111, %dma_wait3A_472] : memref<1000000x64xf32, #tpu.memory_space<hbm>> -> memref<1x64xf32, #tpu.memory_space<hbm>>
      tpu.wait_dma2 semaphore(%arg6 : memref<!tpu.dma_semaphore, #tpu.memory_space<semaphore_mem>>) src(%dma_wait3A_473 : memref<1x64xf32, #tpu.memory_space<hbm>>) dst(%dma_wait3A_471 : memref<1x64xf32, #tpu.memory_space<hbm>>)
      %dma_wait3A_474 = arith.constant 14 : i32
      %dma_wait3A_475 = arith.constant 0 : i32
      %dma_wait3A_476 = tpu.memref_slice %arg4[%dma_wait3A_474, %dma_wait3A_475] : memref<64x64xf32, #tpu.memory_space<hbm>> -> memref<1x64xf32, #tpu.memory_space<hbm>>
      %dma_wait3A_477 = arith.constant 0 : i32
      %dma_wait3A_478 = tpu.memref_slice %arg1[%get3A_119, %dma_wait3A_477] : memref<1000000x64xf32, #tpu.memory_space<hbm>> -> memref<1x64xf32, #tpu.memory_space<hbm>>
      tpu.wait_dma2 semaphore(%arg6 : memref<!tpu.dma_semaphore, #tpu.memory_space<semaphore_mem>>) src(%dma_wait3A_478 : memref<1x64xf32, #tpu.memory_space<hbm>>) dst(%dma_wait3A_476 : memref<1x64xf32, #tpu.memory_space<hbm>>)
      %dma_wait3A_479 = arith.constant 15 : i32
      %dma_wait3A_480 = arith.constant 0 : i32
      %dma_wait3A_481 = tpu.memref_slice %arg4[%dma_wait3A_479, %dma_wait3A_480] : memref<64x64xf32, #tpu.memory_space<hbm>> -> memref<1x64xf32, #tpu.memory_space<hbm>>
      %dma_wait3A_482 = arith.constant 0 : i32
      %dma_wait3A_483 = tpu.memref_slice %arg1[%get3A_127, %dma_wait3A_482] : memref<1000000x64xf32, #tpu.memory_space<hbm>> -> memref<1x64xf32, #tpu.memory_space<hbm>>
      tpu.wait_dma2 semaphore(%arg6 : memref<!tpu.dma_semaphore, #tpu.memory_space<semaphore_mem>>) src(%dma_wait3A_483 : memref<1x64xf32, #tpu.memory_space<hbm>>) dst(%dma_wait3A_481 : memref<1x64xf32, #tpu.memory_space<hbm>>)
      %dma_wait3A_484 = arith.constant 16 : i32
      %dma_wait3A_485 = arith.constant 0 : i32
      %dma_wait3A_486 = tpu.memref_slice %arg4[%dma_wait3A_484, %dma_wait3A_485] : memref<64x64xf32, #tpu.memory_space<hbm>> -> memref<1x64xf32, #tpu.memory_space<hbm>>
      %dma_wait3A_487 = arith.constant 0 : i32
      %dma_wait3A_488 = tpu.memref_slice %arg1[%get3A_135, %dma_wait3A_487] : memref<1000000x64xf32, #tpu.memory_space<hbm>> -> memref<1x64xf32, #tpu.memory_space<hbm>>
      tpu.wait_dma2 semaphore(%arg6 : memref<!tpu.dma_semaphore, #tpu.memory_space<semaphore_mem>>) src(%dma_wait3A_488 : memref<1x64xf32, #tpu.memory_space<hbm>>) dst(%dma_wait3A_486 : memref<1x64xf32, #tpu.memory_space<hbm>>)
      %dma_wait3A_489 = arith.constant 17 : i32
      %dma_wait3A_490 = arith.constant 0 : i32
      %dma_wait3A_491 = tpu.memref_slice %arg4[%dma_wait3A_489, %dma_wait3A_490] : memref<64x64xf32, #tpu.memory_space<hbm>> -> memref<1x64xf32, #tpu.memory_space<hbm>>
      %dma_wait3A_492 = arith.constant 0 : i32
      %dma_wait3A_493 = tpu.memref_slice %arg1[%get3A_143, %dma_wait3A_492] : memref<1000000x64xf32, #tpu.memory_space<hbm>> -> memref<1x64xf32, #tpu.memory_space<hbm>>
      tpu.wait_dma2 semaphore(%arg6 : memref<!tpu.dma_semaphore, #tpu.memory_space<semaphore_mem>>) src(%dma_wait3A_493 : memref<1x64xf32, #tpu.memory_space<hbm>>) dst(%dma_wait3A_491 : memref<1x64xf32, #tpu.memory_space<hbm>>)
      %dma_wait3A_494 = arith.constant 18 : i32
      %dma_wait3A_495 = arith.constant 0 : i32
      %dma_wait3A_496 = tpu.memref_slice %arg4[%dma_wait3A_494, %dma_wait3A_495] : memref<64x64xf32, #tpu.memory_space<hbm>> -> memref<1x64xf32, #tpu.memory_space<hbm>>
      %dma_wait3A_497 = arith.constant 0 : i32
      %dma_wait3A_498 = tpu.memref_slice %arg1[%get3A_151, %dma_wait3A_497] : memref<1000000x64xf32, #tpu.memory_space<hbm>> -> memref<1x64xf32, #tpu.memory_space<hbm>>
      tpu.wait_dma2 semaphore(%arg6 : memref<!tpu.dma_semaphore, #tpu.memory_space<semaphore_mem>>) src(%dma_wait3A_498 : memref<1x64xf32, #tpu.memory_space<hbm>>) dst(%dma_wait3A_496 : memref<1x64xf32, #tpu.memory_space<hbm>>)
      %dma_wait3A_499 = arith.constant 19 : i32
      %dma_wait3A_500 = arith.constant 0 : i32
      %dma_wait3A_501 = tpu.memref_slice %arg4[%dma_wait3A_499, %dma_wait3A_500] : memref<64x64xf32, #tpu.memory_space<hbm>> -> memref<1x64xf32, #tpu.memory_space<hbm>>
      %dma_wait3A_502 = arith.constant 0 : i32
      %dma_wait3A_503 = tpu.memref_slice %arg1[%get3A_159, %dma_wait3A_502] : memref<1000000x64xf32, #tpu.memory_space<hbm>> -> memref<1x64xf32, #tpu.memory_space<hbm>>
      tpu.wait_dma2 semaphore(%arg6 : memref<!tpu.dma_semaphore, #tpu.memory_space<semaphore_mem>>) src(%dma_wait3A_503 : memref<1x64xf32, #tpu.memory_space<hbm>>) dst(%dma_wait3A_501 : memref<1x64xf32, #tpu.memory_space<hbm>>)
      %dma_wait3A_504 = arith.constant 20 : i32
      %dma_wait3A_505 = arith.constant 0 : i32
      %dma_wait3A_506 = tpu.memref_slice %arg4[%dma_wait3A_504, %dma_wait3A_505] : memref<64x64xf32, #tpu.memory_space<hbm>> -> memref<1x64xf32, #tpu.memory_space<hbm>>
      %dma_wait3A_507 = arith.constant 0 : i32
      %dma_wait3A_508 = tpu.memref_slice %arg1[%get3A_167, %dma_wait3A_507] : memref<1000000x64xf32, #tpu.memory_space<hbm>> -> memref<1x64xf32, #tpu.memory_space<hbm>>
      tpu.wait_dma2 semaphore(%arg6 : memref<!tpu.dma_semaphore, #tpu.memory_space<semaphore_mem>>) src(%dma_wait3A_508 : memref<1x64xf32, #tpu.memory_space<hbm>>) dst(%dma_wait3A_506 : memref<1x64xf32, #tpu.memory_space<hbm>>)
      %dma_wait3A_509 = arith.constant 21 : i32
      %dma_wait3A_510 = arith.constant 0 : i32
      %dma_wait3A_511 = tpu.memref_slice %arg4[%dma_wait3A_509, %dma_wait3A_510] : memref<64x64xf32, #tpu.memory_space<hbm>> -> memref<1x64xf32, #tpu.memory_space<hbm>>
      %dma_wait3A_512 = arith.constant 0 : i32
      %dma_wait3A_513 = tpu.memref_slice %arg1[%get3A_175, %dma_wait3A_512] : memref<1000000x64xf32, #tpu.memory_space<hbm>> -> memref<1x64xf32, #tpu.memory_space<hbm>>
      tpu.wait_dma2 semaphore(%arg6 : memref<!tpu.dma_semaphore, #tpu.memory_space<semaphore_mem>>) src(%dma_wait3A_513 : memref<1x64xf32, #tpu.memory_space<hbm>>) dst(%dma_wait3A_511 : memref<1x64xf32, #tpu.memory_space<hbm>>)
      %dma_wait3A_514 = arith.constant 22 : i32
      %dma_wait3A_515 = arith.constant 0 : i32
      %dma_wait3A_516 = tpu.memref_slice %arg4[%dma_wait3A_514, %dma_wait3A_515] : memref<64x64xf32, #tpu.memory_space<hbm>> -> memref<1x64xf32, #tpu.memory_space<hbm>>
      %dma_wait3A_517 = arith.constant 0 : i32
      %dma_wait3A_518 = tpu.memref_slice %arg1[%get3A_183, %dma_wait3A_517] : memref<1000000x64xf32, #tpu.memory_space<hbm>> -> memref<1x64xf32, #tpu.memory_space<hbm>>
      tpu.wait_dma2 semaphore(%arg6 : memref<!tpu.dma_semaphore, #tpu.memory_space<semaphore_mem>>) src(%dma_wait3A_518 : memref<1x64xf32, #tpu.memory_space<hbm>>) dst(%dma_wait3A_516 : memref<1x64xf32, #tpu.memory_space<hbm>>)
      %dma_wait3A_519 = arith.constant 23 : i32
      %dma_wait3A_520 = arith.constant 0 : i32
      %dma_wait3A_521 = tpu.memref_slice %arg4[%dma_wait3A_519, %dma_wait3A_520] : memref<64x64xf32, #tpu.memory_space<hbm>> -> memref<1x64xf32, #tpu.memory_space<hbm>>
      %dma_wait3A_522 = arith.constant 0 : i32
      %dma_wait3A_523 = tpu.memref_slice %arg1[%get3A_191, %dma_wait3A_522] : memref<1000000x64xf32, #tpu.memory_space<hbm>> -> memref<1x64xf32, #tpu.memory_space<hbm>>
      tpu.wait_dma2 semaphore(%arg6 : memref<!tpu.dma_semaphore, #tpu.memory_space<semaphore_mem>>) src(%dma_wait3A_523 : memref<1x64xf32, #tpu.memory_space<hbm>>) dst(%dma_wait3A_521 : memref<1x64xf32, #tpu.memory_space<hbm>>)
      %dma_wait3A_524 = arith.constant 24 : i32
      %dma_wait3A_525 = arith.constant 0 : i32
      %dma_wait3A_526 = tpu.memref_slice %arg4[%dma_wait3A_524, %dma_wait3A_525] : memref<64x64xf32, #tpu.memory_space<hbm>> -> memref<1x64xf32, #tpu.memory_space<hbm>>
      %dma_wait3A_527 = arith.constant 0 : i32
      %dma_wait3A_528 = tpu.memref_slice %arg1[%get3A_199, %dma_wait3A_527] : memref<1000000x64xf32, #tpu.memory_space<hbm>> -> memref<1x64xf32, #tpu.memory_space<hbm>>
      tpu.wait_dma2 semaphore(%arg6 : memref<!tpu.dma_semaphore, #tpu.memory_space<semaphore_mem>>) src(%dma_wait3A_528 : memref<1x64xf32, #tpu.memory_space<hbm>>) dst(%dma_wait3A_526 : memref<1x64xf32, #tpu.memory_space<hbm>>)
      %dma_wait3A_529 = arith.constant 25 : i32
      %dma_wait3A_530 = arith.constant 0 : i32
      %dma_wait3A_531 = tpu.memref_slice %arg4[%dma_wait3A_529, %dma_wait3A_530] : memref<64x64xf32, #tpu.memory_space<hbm>> -> memref<1x64xf32, #tpu.memory_space<hbm>>
      %dma_wait3A_532 = arith.constant 0 : i32
      %dma_wait3A_533 = tpu.memref_slice %arg1[%get3A_207, %dma_wait3A_532] : memref<1000000x64xf32, #tpu.memory_space<hbm>> -> memref<1x64xf32, #tpu.memory_space<hbm>>
      tpu.wait_dma2 semaphore(%arg6 : memref<!tpu.dma_semaphore, #tpu.memory_space<semaphore_mem>>) src(%dma_wait3A_533 : memref<1x64xf32, #tpu.memory_space<hbm>>) dst(%dma_wait3A_531 : memref<1x64xf32, #tpu.memory_space<hbm>>)
      %dma_wait3A_534 = arith.constant 26 : i32
      %dma_wait3A_535 = arith.constant 0 : i32
      %dma_wait3A_536 = tpu.memref_slice %arg4[%dma_wait3A_534, %dma_wait3A_535] : memref<64x64xf32, #tpu.memory_space<hbm>> -> memref<1x64xf32, #tpu.memory_space<hbm>>
      %dma_wait3A_537 = arith.constant 0 : i32
      %dma_wait3A_538 = tpu.memref_slice %arg1[%get3A_215, %dma_wait3A_537] : memref<1000000x64xf32, #tpu.memory_space<hbm>> -> memref<1x64xf32, #tpu.memory_space<hbm>>
      tpu.wait_dma2 semaphore(%arg6 : memref<!tpu.dma_semaphore, #tpu.memory_space<semaphore_mem>>) src(%dma_wait3A_538 : memref<1x64xf32, #tpu.memory_space<hbm>>) dst(%dma_wait3A_536 : memref<1x64xf32, #tpu.memory_space<hbm>>)
      %dma_wait3A_539 = arith.constant 27 : i32
      %dma_wait3A_540 = arith.constant 0 : i32
      %dma_wait3A_541 = tpu.memref_slice %arg4[%dma_wait3A_539, %dma_wait3A_540] : memref<64x64xf32, #tpu.memory_space<hbm>> -> memref<1x64xf32, #tpu.memory_space<hbm>>
      %dma_wait3A_542 = arith.constant 0 : i32
      %dma_wait3A_543 = tpu.memref_slice %arg1[%get3A_223, %dma_wait3A_542] : memref<1000000x64xf32, #tpu.memory_space<hbm>> -> memref<1x64xf32, #tpu.memory_space<hbm>>
      tpu.wait_dma2 semaphore(%arg6 : memref<!tpu.dma_semaphore, #tpu.memory_space<semaphore_mem>>) src(%dma_wait3A_543 : memref<1x64xf32, #tpu.memory_space<hbm>>) dst(%dma_wait3A_541 : memref<1x64xf32, #tpu.memory_space<hbm>>)
      %dma_wait3A_544 = arith.constant 28 : i32
      %dma_wait3A_545 = arith.constant 0 : i32
      %dma_wait3A_546 = tpu.memref_slice %arg4[%dma_wait3A_544, %dma_wait3A_545] : memref<64x64xf32, #tpu.memory_space<hbm>> -> memref<1x64xf32, #tpu.memory_space<hbm>>
      %dma_wait3A_547 = arith.constant 0 : i32
      %dma_wait3A_548 = tpu.memref_slice %arg1[%get3A_231, %dma_wait3A_547] : memref<1000000x64xf32, #tpu.memory_space<hbm>> -> memref<1x64xf32, #tpu.memory_space<hbm>>
      tpu.wait_dma2 semaphore(%arg6 : memref<!tpu.dma_semaphore, #tpu.memory_space<semaphore_mem>>) src(%dma_wait3A_548 : memref<1x64xf32, #tpu.memory_space<hbm>>) dst(%dma_wait3A_546 : memref<1x64xf32, #tpu.memory_space<hbm>>)
      %dma_wait3A_549 = arith.constant 29 : i32
      %dma_wait3A_550 = arith.constant 0 : i32
      %dma_wait3A_551 = tpu.memref_slice %arg4[%dma_wait3A_549, %dma_wait3A_550] : memref<64x64xf32, #tpu.memory_space<hbm>> -> memref<1x64xf32, #tpu.memory_space<hbm>>
      %dma_wait3A_552 = arith.constant 0 : i32
      %dma_wait3A_553 = tpu.memref_slice %arg1[%get3A_239, %dma_wait3A_552] : memref<1000000x64xf32, #tpu.memory_space<hbm>> -> memref<1x64xf32, #tpu.memory_space<hbm>>
      tpu.wait_dma2 semaphore(%arg6 : memref<!tpu.dma_semaphore, #tpu.memory_space<semaphore_mem>>) src(%dma_wait3A_553 : memref<1x64xf32, #tpu.memory_space<hbm>>) dst(%dma_wait3A_551 : memref<1x64xf32, #tpu.memory_space<hbm>>)
      %dma_wait3A_554 = arith.constant 30 : i32
      %dma_wait3A_555 = arith.constant 0 : i32
      %dma_wait3A_556 = tpu.memref_slice %arg4[%dma_wait3A_554, %dma_wait3A_555] : memref<64x64xf32, #tpu.memory_space<hbm>> -> memref<1x64xf32, #tpu.memory_space<hbm>>
      %dma_wait3A_557 = arith.constant 0 : i32
      %dma_wait3A_558 = tpu.memref_slice %arg1[%get3A_247, %dma_wait3A_557] : memref<1000000x64xf32, #tpu.memory_space<hbm>> -> memref<1x64xf32, #tpu.memory_space<hbm>>
      tpu.wait_dma2 semaphore(%arg6 : memref<!tpu.dma_semaphore, #tpu.memory_space<semaphore_mem>>) src(%dma_wait3A_558 : memref<1x64xf32, #tpu.memory_space<hbm>>) dst(%dma_wait3A_556 : memref<1x64xf32, #tpu.memory_space<hbm>>)
      %dma_wait3A_559 = arith.constant 31 : i32
      %dma_wait3A_560 = arith.constant 0 : i32
      %dma_wait3A_561 = tpu.memref_slice %arg4[%dma_wait3A_559, %dma_wait3A_560] : memref<64x64xf32, #tpu.memory_space<hbm>> -> memref<1x64xf32, #tpu.memory_space<hbm>>
      %dma_wait3A_562 = arith.constant 0 : i32
      %dma_wait3A_563 = tpu.memref_slice %arg1[%get3A_255, %dma_wait3A_562] : memref<1000000x64xf32, #tpu.memory_space<hbm>> -> memref<1x64xf32, #tpu.memory_space<hbm>>
      tpu.wait_dma2 semaphore(%arg6 : memref<!tpu.dma_semaphore, #tpu.memory_space<semaphore_mem>>) src(%dma_wait3A_563 : memref<1x64xf32, #tpu.memory_space<hbm>>) dst(%dma_wait3A_561 : memref<1x64xf32, #tpu.memory_space<hbm>>)
      %dma_wait3A_564 = arith.constant 32 : i32
      %dma_wait3A_565 = arith.constant 0 : i32
      %dma_wait3A_566 = tpu.memref_slice %arg4[%dma_wait3A_564, %dma_wait3A_565] : memref<64x64xf32, #tpu.memory_space<hbm>> -> memref<1x64xf32, #tpu.memory_space<hbm>>
      %dma_wait3A_567 = arith.constant 0 : i32
      %dma_wait3A_568 = tpu.memref_slice %arg1[%get3A_263, %dma_wait3A_567] : memref<1000000x64xf32, #tpu.memory_space<hbm>> -> memref<1x64xf32, #tpu.memory_space<hbm>>
      tpu.wait_dma2 semaphore(%arg6 : memref<!tpu.dma_semaphore, #tpu.memory_space<semaphore_mem>>) src(%dma_wait3A_568 : memref<1x64xf32, #tpu.memory_space<hbm>>) dst(%dma_wait3A_566 : memref<1x64xf32, #tpu.memory_space<hbm>>)
      %dma_wait3A_569 = arith.constant 33 : i32
      %dma_wait3A_570 = arith.constant 0 : i32
      %dma_wait3A_571 = tpu.memref_slice %arg4[%dma_wait3A_569, %dma_wait3A_570] : memref<64x64xf32, #tpu.memory_space<hbm>> -> memref<1x64xf32, #tpu.memory_space<hbm>>
      %dma_wait3A_572 = arith.constant 0 : i32
      %dma_wait3A_573 = tpu.memref_slice %arg1[%get3A_271, %dma_wait3A_572] : memref<1000000x64xf32, #tpu.memory_space<hbm>> -> memref<1x64xf32, #tpu.memory_space<hbm>>
      tpu.wait_dma2 semaphore(%arg6 : memref<!tpu.dma_semaphore, #tpu.memory_space<semaphore_mem>>) src(%dma_wait3A_573 : memref<1x64xf32, #tpu.memory_space<hbm>>) dst(%dma_wait3A_571 : memref<1x64xf32, #tpu.memory_space<hbm>>)
      %dma_wait3A_574 = arith.constant 34 : i32
      %dma_wait3A_575 = arith.constant 0 : i32
      %dma_wait3A_576 = tpu.memref_slice %arg4[%dma_wait3A_574, %dma_wait3A_575] : memref<64x64xf32, #tpu.memory_space<hbm>> -> memref<1x64xf32, #tpu.memory_space<hbm>>
      %dma_wait3A_577 = arith.constant 0 : i32
      %dma_wait3A_578 = tpu.memref_slice %arg1[%get3A_279, %dma_wait3A_577] : memref<1000000x64xf32, #tpu.memory_space<hbm>> -> memref<1x64xf32, #tpu.memory_space<hbm>>
      tpu.wait_dma2 semaphore(%arg6 : memref<!tpu.dma_semaphore, #tpu.memory_space<semaphore_mem>>) src(%dma_wait3A_578 : memref<1x64xf32, #tpu.memory_space<hbm>>) dst(%dma_wait3A_576 : memref<1x64xf32, #tpu.memory_space<hbm>>)
      %dma_wait3A_579 = arith.constant 35 : i32
      %dma_wait3A_580 = arith.constant 0 : i32
      %dma_wait3A_581 = tpu.memref_slice %arg4[%dma_wait3A_579, %dma_wait3A_580] : memref<64x64xf32, #tpu.memory_space<hbm>> -> memref<1x64xf32, #tpu.memory_space<hbm>>
      %dma_wait3A_582 = arith.constant 0 : i32
      %dma_wait3A_583 = tpu.memref_slice %arg1[%get3A_287, %dma_wait3A_582] : memref<1000000x64xf32, #tpu.memory_space<hbm>> -> memref<1x64xf32, #tpu.memory_space<hbm>>
      tpu.wait_dma2 semaphore(%arg6 : memref<!tpu.dma_semaphore, #tpu.memory_space<semaphore_mem>>) src(%dma_wait3A_583 : memref<1x64xf32, #tpu.memory_space<hbm>>) dst(%dma_wait3A_581 : memref<1x64xf32, #tpu.memory_space<hbm>>)
      %dma_wait3A_584 = arith.constant 36 : i32
      %dma_wait3A_585 = arith.constant 0 : i32
      %dma_wait3A_586 = tpu.memref_slice %arg4[%dma_wait3A_584, %dma_wait3A_585] : memref<64x64xf32, #tpu.memory_space<hbm>> -> memref<1x64xf32, #tpu.memory_space<hbm>>
      %dma_wait3A_587 = arith.constant 0 : i32
      %dma_wait3A_588 = tpu.memref_slice %arg1[%get3A_295, %dma_wait3A_587] : memref<1000000x64xf32, #tpu.memory_space<hbm>> -> memref<1x64xf32, #tpu.memory_space<hbm>>
      tpu.wait_dma2 semaphore(%arg6 : memref<!tpu.dma_semaphore, #tpu.memory_space<semaphore_mem>>) src(%dma_wait3A_588 : memref<1x64xf32, #tpu.memory_space<hbm>>) dst(%dma_wait3A_586 : memref<1x64xf32, #tpu.memory_space<hbm>>)
      %dma_wait3A_589 = arith.constant 37 : i32
      %dma_wait3A_590 = arith.constant 0 : i32
      %dma_wait3A_591 = tpu.memref_slice %arg4[%dma_wait3A_589, %dma_wait3A_590] : memref<64x64xf32, #tpu.memory_space<hbm>> -> memref<1x64xf32, #tpu.memory_space<hbm>>
      %dma_wait3A_592 = arith.constant 0 : i32
      %dma_wait3A_593 = tpu.memref_slice %arg1[%get3A_303, %dma_wait3A_592] : memref<1000000x64xf32, #tpu.memory_space<hbm>> -> memref<1x64xf32, #tpu.memory_space<hbm>>
      tpu.wait_dma2 semaphore(%arg6 : memref<!tpu.dma_semaphore, #tpu.memory_space<semaphore_mem>>) src(%dma_wait3A_593 : memref<1x64xf32, #tpu.memory_space<hbm>>) dst(%dma_wait3A_591 : memref<1x64xf32, #tpu.memory_space<hbm>>)
      %dma_wait3A_594 = arith.constant 38 : i32
      %dma_wait3A_595 = arith.constant 0 : i32
      %dma_wait3A_596 = tpu.memref_slice %arg4[%dma_wait3A_594, %dma_wait3A_595] : memref<64x64xf32, #tpu.memory_space<hbm>> -> memref<1x64xf32, #tpu.memory_space<hbm>>
      %dma_wait3A_597 = arith.constant 0 : i32
      %dma_wait3A_598 = tpu.memref_slice %arg1[%get3A_311, %dma_wait3A_597] : memref<1000000x64xf32, #tpu.memory_space<hbm>> -> memref<1x64xf32, #tpu.memory_space<hbm>>
      tpu.wait_dma2 semaphore(%arg6 : memref<!tpu.dma_semaphore, #tpu.memory_space<semaphore_mem>>) src(%dma_wait3A_598 : memref<1x64xf32, #tpu.memory_space<hbm>>) dst(%dma_wait3A_596 : memref<1x64xf32, #tpu.memory_space<hbm>>)
      %dma_wait3A_599 = arith.constant 39 : i32
      %dma_wait3A_600 = arith.constant 0 : i32
      %dma_wait3A_601 = tpu.memref_slice %arg4[%dma_wait3A_599, %dma_wait3A_600] : memref<64x64xf32, #tpu.memory_space<hbm>> -> memref<1x64xf32, #tpu.memory_space<hbm>>
      %dma_wait3A_602 = arith.constant 0 : i32
      %dma_wait3A_603 = tpu.memref_slice %arg1[%get3A_319, %dma_wait3A_602] : memref<1000000x64xf32, #tpu.memory_space<hbm>> -> memref<1x64xf32, #tpu.memory_space<hbm>>
      tpu.wait_dma2 semaphore(%arg6 : memref<!tpu.dma_semaphore, #tpu.memory_space<semaphore_mem>>) src(%dma_wait3A_603 : memref<1x64xf32, #tpu.memory_space<hbm>>) dst(%dma_wait3A_601 : memref<1x64xf32, #tpu.memory_space<hbm>>)
      %dma_wait3A_604 = arith.constant 40 : i32
      %dma_wait3A_605 = arith.constant 0 : i32
      %dma_wait3A_606 = tpu.memref_slice %arg4[%dma_wait3A_604, %dma_wait3A_605] : memref<64x64xf32, #tpu.memory_space<hbm>> -> memref<1x64xf32, #tpu.memory_space<hbm>>
      %dma_wait3A_607 = arith.constant 0 : i32
      %dma_wait3A_608 = tpu.memref_slice %arg1[%get3A_327, %dma_wait3A_607] : memref<1000000x64xf32, #tpu.memory_space<hbm>> -> memref<1x64xf32, #tpu.memory_space<hbm>>
      tpu.wait_dma2 semaphore(%arg6 : memref<!tpu.dma_semaphore, #tpu.memory_space<semaphore_mem>>) src(%dma_wait3A_608 : memref<1x64xf32, #tpu.memory_space<hbm>>) dst(%dma_wait3A_606 : memref<1x64xf32, #tpu.memory_space<hbm>>)
      %dma_wait3A_609 = arith.constant 41 : i32
      %dma_wait3A_610 = arith.constant 0 : i32
      %dma_wait3A_611 = tpu.memref_slice %arg4[%dma_wait3A_609, %dma_wait3A_610] : memref<64x64xf32, #tpu.memory_space<hbm>> -> memref<1x64xf32, #tpu.memory_space<hbm>>
      %dma_wait3A_612 = arith.constant 0 : i32
      %dma_wait3A_613 = tpu.memref_slice %arg1[%get3A_335, %dma_wait3A_612] : memref<1000000x64xf32, #tpu.memory_space<hbm>> -> memref<1x64xf32, #tpu.memory_space<hbm>>
      tpu.wait_dma2 semaphore(%arg6 : memref<!tpu.dma_semaphore, #tpu.memory_space<semaphore_mem>>) src(%dma_wait3A_613 : memref<1x64xf32, #tpu.memory_space<hbm>>) dst(%dma_wait3A_611 : memref<1x64xf32, #tpu.memory_space<hbm>>)
      %dma_wait3A_614 = arith.constant 42 : i32
      %dma_wait3A_615 = arith.constant 0 : i32
      %dma_wait3A_616 = tpu.memref_slice %arg4[%dma_wait3A_614, %dma_wait3A_615] : memref<64x64xf32, #tpu.memory_space<hbm>> -> memref<1x64xf32, #tpu.memory_space<hbm>>
      %dma_wait3A_617 = arith.constant 0 : i32
      %dma_wait3A_618 = tpu.memref_slice %arg1[%get3A_343, %dma_wait3A_617] : memref<1000000x64xf32, #tpu.memory_space<hbm>> -> memref<1x64xf32, #tpu.memory_space<hbm>>
      tpu.wait_dma2 semaphore(%arg6 : memref<!tpu.dma_semaphore, #tpu.memory_space<semaphore_mem>>) src(%dma_wait3A_618 : memref<1x64xf32, #tpu.memory_space<hbm>>) dst(%dma_wait3A_616 : memref<1x64xf32, #tpu.memory_space<hbm>>)
      %dma_wait3A_619 = arith.constant 43 : i32
      %dma_wait3A_620 = arith.constant 0 : i32
      %dma_wait3A_621 = tpu.memref_slice %arg4[%dma_wait3A_619, %dma_wait3A_620] : memref<64x64xf32, #tpu.memory_space<hbm>> -> memref<1x64xf32, #tpu.memory_space<hbm>>
      %dma_wait3A_622 = arith.constant 0 : i32
      %dma_wait3A_623 = tpu.memref_slice %arg1[%get3A_351, %dma_wait3A_622] : memref<1000000x64xf32, #tpu.memory_space<hbm>> -> memref<1x64xf32, #tpu.memory_space<hbm>>
      tpu.wait_dma2 semaphore(%arg6 : memref<!tpu.dma_semaphore, #tpu.memory_space<semaphore_mem>>) src(%dma_wait3A_623 : memref<1x64xf32, #tpu.memory_space<hbm>>) dst(%dma_wait3A_621 : memref<1x64xf32, #tpu.memory_space<hbm>>)
      %dma_wait3A_624 = arith.constant 44 : i32
      %dma_wait3A_625 = arith.constant 0 : i32
      %dma_wait3A_626 = tpu.memref_slice %arg4[%dma_wait3A_624, %dma_wait3A_625] : memref<64x64xf32, #tpu.memory_space<hbm>> -> memref<1x64xf32, #tpu.memory_space<hbm>>
      %dma_wait3A_627 = arith.constant 0 : i32
      %dma_wait3A_628 = tpu.memref_slice %arg1[%get3A_359, %dma_wait3A_627] : memref<1000000x64xf32, #tpu.memory_space<hbm>> -> memref<1x64xf32, #tpu.memory_space<hbm>>
      tpu.wait_dma2 semaphore(%arg6 : memref<!tpu.dma_semaphore, #tpu.memory_space<semaphore_mem>>) src(%dma_wait3A_628 : memref<1x64xf32, #tpu.memory_space<hbm>>) dst(%dma_wait3A_626 : memref<1x64xf32, #tpu.memory_space<hbm>>)
      %dma_wait3A_629 = arith.constant 45 : i32
      %dma_wait3A_630 = arith.constant 0 : i32
      %dma_wait3A_631 = tpu.memref_slice %arg4[%dma_wait3A_629, %dma_wait3A_630] : memref<64x64xf32, #tpu.memory_space<hbm>> -> memref<1x64xf32, #tpu.memory_space<hbm>>
      %dma_wait3A_632 = arith.constant 0 : i32
      %dma_wait3A_633 = tpu.memref_slice %arg1[%get3A_367, %dma_wait3A_632] : memref<1000000x64xf32, #tpu.memory_space<hbm>> -> memref<1x64xf32, #tpu.memory_space<hbm>>
      tpu.wait_dma2 semaphore(%arg6 : memref<!tpu.dma_semaphore, #tpu.memory_space<semaphore_mem>>) src(%dma_wait3A_633 : memref<1x64xf32, #tpu.memory_space<hbm>>) dst(%dma_wait3A_631 : memref<1x64xf32, #tpu.memory_space<hbm>>)
      %dma_wait3A_634 = arith.constant 46 : i32
      %dma_wait3A_635 = arith.constant 0 : i32
      %dma_wait3A_636 = tpu.memref_slice %arg4[%dma_wait3A_634, %dma_wait3A_635] : memref<64x64xf32, #tpu.memory_space<hbm>> -> memref<1x64xf32, #tpu.memory_space<hbm>>
      %dma_wait3A_637 = arith.constant 0 : i32
      %dma_wait3A_638 = tpu.memref_slice %arg1[%get3A_375, %dma_wait3A_637] : memref<1000000x64xf32, #tpu.memory_space<hbm>> -> memref<1x64xf32, #tpu.memory_space<hbm>>
      tpu.wait_dma2 semaphore(%arg6 : memref<!tpu.dma_semaphore, #tpu.memory_space<semaphore_mem>>) src(%dma_wait3A_638 : memref<1x64xf32, #tpu.memory_space<hbm>>) dst(%dma_wait3A_636 : memref<1x64xf32, #tpu.memory_space<hbm>>)
      %dma_wait3A_639 = arith.constant 47 : i32
      %dma_wait3A_640 = arith.constant 0 : i32
      %dma_wait3A_641 = tpu.memref_slice %arg4[%dma_wait3A_639, %dma_wait3A_640] : memref<64x64xf32, #tpu.memory_space<hbm>> -> memref<1x64xf32, #tpu.memory_space<hbm>>
      %dma_wait3A_642 = arith.constant 0 : i32
      %dma_wait3A_643 = tpu.memref_slice %arg1[%get3A_383, %dma_wait3A_642] : memref<1000000x64xf32, #tpu.memory_space<hbm>> -> memref<1x64xf32, #tpu.memory_space<hbm>>
      tpu.wait_dma2 semaphore(%arg6 : memref<!tpu.dma_semaphore, #tpu.memory_space<semaphore_mem>>) src(%dma_wait3A_643 : memref<1x64xf32, #tpu.memory_space<hbm>>) dst(%dma_wait3A_641 : memref<1x64xf32, #tpu.memory_space<hbm>>)
      %dma_wait3A_644 = arith.constant 48 : i32
      %dma_wait3A_645 = arith.constant 0 : i32
      %dma_wait3A_646 = tpu.memref_slice %arg4[%dma_wait3A_644, %dma_wait3A_645] : memref<64x64xf32, #tpu.memory_space<hbm>> -> memref<1x64xf32, #tpu.memory_space<hbm>>
      %dma_wait3A_647 = arith.constant 0 : i32
      %dma_wait3A_648 = tpu.memref_slice %arg1[%get3A_391, %dma_wait3A_647] : memref<1000000x64xf32, #tpu.memory_space<hbm>> -> memref<1x64xf32, #tpu.memory_space<hbm>>
      tpu.wait_dma2 semaphore(%arg6 : memref<!tpu.dma_semaphore, #tpu.memory_space<semaphore_mem>>) src(%dma_wait3A_648 : memref<1x64xf32, #tpu.memory_space<hbm>>) dst(%dma_wait3A_646 : memref<1x64xf32, #tpu.memory_space<hbm>>)
      %dma_wait3A_649 = arith.constant 49 : i32
      %dma_wait3A_650 = arith.constant 0 : i32
      %dma_wait3A_651 = tpu.memref_slice %arg4[%dma_wait3A_649, %dma_wait3A_650] : memref<64x64xf32, #tpu.memory_space<hbm>> -> memref<1x64xf32, #tpu.memory_space<hbm>>
      %dma_wait3A_652 = arith.constant 0 : i32
      %dma_wait3A_653 = tpu.memref_slice %arg1[%get3A_399, %dma_wait3A_652] : memref<1000000x64xf32, #tpu.memory_space<hbm>> -> memref<1x64xf32, #tpu.memory_space<hbm>>
      tpu.wait_dma2 semaphore(%arg6 : memref<!tpu.dma_semaphore, #tpu.memory_space<semaphore_mem>>) src(%dma_wait3A_653 : memref<1x64xf32, #tpu.memory_space<hbm>>) dst(%dma_wait3A_651 : memref<1x64xf32, #tpu.memory_space<hbm>>)
    } else {
    }
    %eq3A_2 = arith.constant 1 : i32
    %eq3A_3 = arith.cmpi eq, %arg0, %eq3A_2 : i32
    %convert_element_type3A_4 = arith.extui %eq3A_3 : i1 to i32
    %cond3A_5 = arith.constant 0 : i32
    %cond3A_6 = arith.cmpi ne, %convert_element_type3A_4, %cond3A_5 : i32
    scf.if %cond3A_6 {
      %get3A = arith.constant 50 : i32
      %get3A_7 = arith.index_cast %get3A : i32 to index
      %get3A_8 = memref.load %arg5[%get3A_7] : memref<128xi32, #tpu.memory_space<smem>>
      %dma_start3A = arith.constant 50 : i32
      %dma_start3A_9 = arith.constant 0 : i32
      %dma_start3A_10 = tpu.memref_slice %arg4[%dma_start3A, %dma_start3A_9] : memref<64x64xf32, #tpu.memory_space<hbm>> -> memref<1x64xf32, #tpu.memory_space<hbm>>
      %dma_start3A_11 = arith.constant 0 : i32
      %dma_start3A_12 = tpu.memref_slice %arg2[%get3A_8, %dma_start3A_11] : memref<1000000x64xf32, #tpu.memory_space<hbm>> -> memref<1x64xf32, #tpu.memory_space<hbm>>
      tpu.enqueue_dma source(%dma_start3A_12 : memref<1x64xf32, #tpu.memory_space<hbm>>) target(%dma_start3A_10 : memref<1x64xf32, #tpu.memory_space<hbm>>) target_semaphore(%arg6 : memref<!tpu.dma_semaphore, #tpu.memory_space<semaphore_mem>>)
      %dma_wait3A = arith.constant 50 : i32
      %dma_wait3A_13 = arith.constant 0 : i32
      %dma_wait3A_14 = tpu.memref_slice %arg4[%dma_wait3A, %dma_wait3A_13] : memref<64x64xf32, #tpu.memory_space<hbm>> -> memref<1x64xf32, #tpu.memory_space<hbm>>
      %dma_wait3A_15 = arith.constant 0 : i32
      %dma_wait3A_16 = tpu.memref_slice %arg2[%get3A_8, %dma_wait3A_15] : memref<1000000x64xf32, #tpu.memory_space<hbm>> -> memref<1x64xf32, #tpu.memory_space<hbm>>
      tpu.wait_dma2 semaphore(%arg6 : memref<!tpu.dma_semaphore, #tpu.memory_space<semaphore_mem>>) src(%dma_wait3A_16 : memref<1x64xf32, #tpu.memory_space<hbm>>) dst(%dma_wait3A_14 : memref<1x64xf32, #tpu.memory_space<hbm>>)
    } else {
    }
    return
  }
}

module attributes {stable_mosaic.version = 14 : i64} {
  func.func @_fused_body(%arg0: i32, %arg1: memref<1x1xi32, #tpu.memory_space<smem>>, %arg2: memref<65536xf32, #tpu.memory_space<vmem>>, %arg3: memref<64x64xf32, #tpu.memory_space<vmem>>, %arg4: memref<1000000x64xf32, #tpu.memory_space<hbm>>, %arg5: memref<1x1xf32, #tpu.memory_space<smem>>, %arg6: memref<4x128xi32, #tpu.memory_space<vmem>>, %arg7: memref<4x128xi32, #tpu.memory_space<smem>>, %arg8: memref<128x64xf32, #tpu.memory_space<vmem>>, %arg9: memref<!tpu.dma_semaphore, #tpu.memory_space<semaphore_mem>>) attributes {dimension_semantics = [#tpu.dimension_semantics<arbitrary>], iteration_bounds = array<i64: 16>, scalar_prefetch = 0 : i64, scratch_operands = 4 : i64, tpu.core_type = #tpu.core_type<tc>, window_params = [{transform_indices = @transform_0, window_bounds = array<i64: 1, 1>}, {transform_indices = @transform_1, window_bounds = array<i64: 65536>}, {pipeline_mode = #tpu.pipeline_mode<synchronous>, transform_indices = @transform_2, window_bounds = array<i64: 64, 64>}, {}, {transform_indices = @transform_4, window_bounds = array<i64: 1, 1>}]} {
    %mul3A = arith.constant 7919 : i32
    %mul3A_0 = arith.muli %arg0, %mul3A : i32
    %add3A = arith.constant 42 : i32
    %add3A_1 = arith.addi %mul3A_0, %add3A : i32
    "tpu.prng_set_seed_32"(%add3A_1) : (i32) -> ()
    %get3A = arith.constant 0 : index
    %get3A_2 = vector.load %arg2[%get3A] : memref<65536xf32, #tpu.memory_space<vmem>>, vector<65536xf32>
    %reshape3A = vector.shape_cast %get3A_2 : vector<65536xf32> to vector<512x128xf32>
    %prng_random_bits3A = "tpu.prng_random_bits"() : () -> vector<512x128xi32>
    %bitcast3A = tpu.bitcast %prng_random_bits3A : vector<512x128xi32> -> vector<512x128xi32>
    %shift_right_logical3A = arith.constant 8 : i32
    %shift_right_logical3A_3 = vector.broadcast %shift_right_logical3A : i32 to vector<512x128xi32>
    %shift_right_logical3A_4 = arith.shrui %bitcast3A, %shift_right_logical3A_3 : vector<512x128xi32>
    %convert_element_type3A = arith.sitofp %shift_right_logical3A_4 : vector<512x128xi32> to vector<512x128xf32>
    %add3A_5 = arith.constant 5.000000e-01 : f32
    %add3A_6 = vector.broadcast %add3A_5 : f32 to vector<512x128xf32>
    %add3A_7 = arith.addf %convert_element_type3A, %add3A_6 : vector<512x128xf32>
    %mul3A_8 = arith.constant 5.96046448E-8 : f32
    %mul3A_9 = vector.broadcast %mul3A_8 : f32 to vector<512x128xf32>
    %mul3A_10 = arith.mulf %add3A_7, %mul3A_9 : vector<512x128xf32>
    %iota3A = tpu.iota {dimensions = array<i32: 0>} : vector<512x128xi32>
    %iota3A_11 = tpu.iota {dimensions = array<i32: 1>} : vector<512x128xi32>
    %mul3A_12 = arith.constant 65536 : i32
    %mul3A_13 = arith.muli %arg0, %mul3A_12 : i32
    %mul3A_14 = arith.constant 128 : i32
    %mul3A_15 = vector.broadcast %mul3A_14 : i32 to vector<512x128xi32>
    %mul3A_16 = arith.muli %iota3A, %mul3A_15 : vector<512x128xi32>
    %add3A_17 = vector.broadcast %mul3A_13 : i32 to vector<512x128xi32>
    %add3A_18 = arith.addi %add3A_17, %mul3A_16 : vector<512x128xi32>
    %add3A_19 = arith.addi %add3A_18, %iota3A_11 : vector<512x128xi32>
    %lt3A = arith.constant 1000000 : i32
    %lt3A_20 = vector.broadcast %lt3A : i32 to vector<512x128xi32>
    %lt3A_21 = arith.cmpi slt, %add3A_19, %lt3A_20 : vector<512x128xi32>
    %gt3A = arith.constant 0.000000e+00 : f32
    %gt3A_22 = vector.broadcast %gt3A : f32 to vector<512x128xf32>
    %gt3A_23 = arith.cmpf ogt, %reshape3A, %gt3A_22 : vector<512x128xf32>
    %and3A = arith.andi %lt3A_21, %gt3A_23 : vector<512x128xi1>
    %get3A_24 = arith.constant 0 : index
    %get3A_25 = arith.constant 0 : index
    %get3A_26 = memref.load %arg1[%get3A_24, %get3A_25] : memref<1x1xi32, #tpu.memory_space<smem>>
    %ne3A = vector.broadcast %get3A_26 : i32 to vector<512x128xi32>
    %ne3A_27 = arith.cmpi ne, %add3A_19, %ne3A : vector<512x128xi32>
    %and3A_28 = arith.andi %and3A, %ne3A_27 : vector<512x128xi1>
    %log3A = math.log %mul3A_10 : vector<512x128xf32>
    %neg3A = arith.constant 0.000000e+00 : f32
    %neg3A_29 = vector.broadcast %neg3A : f32 to vector<512x128xf32>
    %neg3A_30 = arith.subf %neg3A_29, %log3A : vector<512x128xf32>
    %div3A = arith.divf %reshape3A, %neg3A_30 : vector<512x128xf32>
    %jit3A = arith.constant -1.000000e+00 : f32
    %broadcast_in_dim3A = vector.broadcast %jit3A : f32 to vector<512x128xf32>
    %select_n3A = arith.select %and3A_28, %div3A, %broadcast_in_dim3A : vector<512x128xi1>, vector<512x128xf32>
    %iota3A_31 = tpu.iota {dimensions = array<i32: 1>} : vector<4x128xi32>
    %iota3A_32 = tpu.iota {dimensions = array<i32: 0>} : vector<4x128xi32>
    %reduce_max3A = vector.shape_cast %select_n3A : vector<512x128xf32> to vector<1x512x128xf32>
    %reduce_max3A_33 = arith.constant dense<0xFF800000> : vector<1xf32>
    %reduce_max3A_34 = vector.multi_reduction <maximumf>, %reduce_max3A, %reduce_max3A_33 [1, 2] : vector<1x512x128xf32> to vector<1xf32>
    %reduce_max3A_35 = vector.shape_cast %reduce_max3A_34 : vector<1xf32> to vector<1x1x1xf32>
    %reduce_max3A_36 = vector.extract %reduce_max3A_35[0, 0, 0] : f32 from vector<1x1x1xf32>
    %ge3A = vector.broadcast %reduce_max3A_36 : f32 to vector<512x128xf32>
    %ge3A_37 = arith.cmpf oge, %select_n3A, %ge3A : vector<512x128xf32>
    %jit3A_38 = arith.constant 1073741824 : i32
    %broadcast_in_dim3A_39 = vector.broadcast %jit3A_38 : i32 to vector<512x128xi32>
    %select_n3A_40 = arith.select %ge3A_37, %add3A_19, %broadcast_in_dim3A_39 : vector<512x128xi1>, vector<512x128xi32>
    %reduce_min3A = vector.shape_cast %select_n3A_40 : vector<512x128xi32> to vector<1x512x128xi32>
    %reduce_min3A_41 = arith.constant dense<2147483647> : vector<1xi32>
    %reduce_min3A_42 = vector.multi_reduction <minsi>, %reduce_min3A, %reduce_min3A_41 [1, 2] : vector<1x512x128xi32> to vector<1xi32>
    %reduce_min3A_43 = vector.shape_cast %reduce_min3A_42 : vector<1xi32> to vector<1x1x1xi32>
    %reduce_min3A_44 = vector.extract %reduce_min3A_43[0, 0, 0] : i32 from vector<1x1x1xi32>
    %eq3A = vector.broadcast %arg0 : i32 to vector<4x128xi32>
    %eq3A_45 = arith.cmpi eq, %iota3A_31, %eq3A : vector<4x128xi32>
    %eq3A_46 = arith.constant 0 : i32
    %eq3A_47 = vector.broadcast %eq3A_46 : i32 to vector<4x128xi32>
    %eq3A_48 = arith.cmpi eq, %iota3A_32, %eq3A_47 : vector<4x128xi32>
    %and3A_49 = arith.andi %eq3A_45, %eq3A_48 : vector<4x128xi1>
    %get3A_50 = arith.constant 0 : index
    %get3A_51 = arith.constant 0 : index
    %get3A_52 = vector.load %arg6[%get3A_50, %get3A_51] : memref<4x128xi32, #tpu.memory_space<vmem>>, vector<4x128xi32>
    %broadcast_in_dim3A_53 = vector.broadcast %reduce_min3A_44 : i32 to vector<4x128xi32>
    %select_n3A_54 = arith.select %and3A_49, %broadcast_in_dim3A_53, %get3A_52 : vector<4x128xi1>, vector<4x128xi32>
    %swap3A = arith.constant 0 : index
    %swap3A_55 = arith.constant 0 : index
    %swap3A_56 = vector.load %arg6[%swap3A, %swap3A_55] : memref<4x128xi32, #tpu.memory_space<vmem>>, vector<4x128xi32>
    tpu.vector_store %arg6[%swap3A, %swap3A_55], %select_n3A_54 {strides = array<i32>} : memref<4x128xi32, #tpu.memory_space<vmem>>, vector<4x128xi32>,
    %eq3A_57 = vector.broadcast %reduce_min3A_44 : i32 to vector<512x128xi32>
    %eq3A_58 = arith.cmpi eq, %add3A_19, %eq3A_57 : vector<512x128xi32>
    %jit3A_59 = arith.constant -2.000000e+00 : f32
    %broadcast_in_dim3A_60 = vector.broadcast %jit3A_59 : f32 to vector<512x128xf32>
    %select_n3A_61 = arith.select %eq3A_58, %broadcast_in_dim3A_60, %select_n3A : vector<512x128xi1>, vector<512x128xf32>
    %reduce_max3A_62 = vector.shape_cast %select_n3A_61 : vector<512x128xf32> to vector<1x512x128xf32>
    %reduce_max3A_63 = arith.constant dense<0xFF800000> : vector<1xf32>
    %reduce_max3A_64 = vector.multi_reduction <maximumf>, %reduce_max3A_62, %reduce_max3A_63 [1, 2] : vector<1x512x128xf32> to vector<1xf32>
    %reduce_max3A_65 = vector.shape_cast %reduce_max3A_64 : vector<1xf32> to vector<1x1x1xf32>
    %reduce_max3A_66 = vector.extract %reduce_max3A_65[0, 0, 0] : f32 from vector<1x1x1xf32>
    %ge3A_67 = vector.broadcast %reduce_max3A_66 : f32 to vector<512x128xf32>
    %ge3A_68 = arith.cmpf oge, %select_n3A_61, %ge3A_67 : vector<512x128xf32>
    %jit3A_69 = arith.constant 1073741824 : i32
    %broadcast_in_dim3A_70 = vector.broadcast %jit3A_69 : i32 to vector<512x128xi32>
    %select_n3A_71 = arith.select %ge3A_68, %add3A_19, %broadcast_in_dim3A_70 : vector<512x128xi1>, vector<512x128xi32>
    %reduce_min3A_72 = vector.shape_cast %select_n3A_71 : vector<512x128xi32> to vector<1x512x128xi32>
    %reduce_min3A_73 = arith.constant dense<2147483647> : vector<1xi32>
    %reduce_min3A_74 = vector.multi_reduction <minsi>, %reduce_min3A_72, %reduce_min3A_73 [1, 2] : vector<1x512x128xi32> to vector<1xi32>
    %reduce_min3A_75 = vector.shape_cast %reduce_min3A_74 : vector<1xi32> to vector<1x1x1xi32>
    %reduce_min3A_76 = vector.extract %reduce_min3A_75[0, 0, 0] : i32 from vector<1x1x1xi32>
    %eq3A_77 = vector.broadcast %arg0 : i32 to vector<4x128xi32>
    %eq3A_78 = arith.cmpi eq, %iota3A_31, %eq3A_77 : vector<4x128xi32>
    %eq3A_79 = arith.constant 1 : i32
    %eq3A_80 = vector.broadcast %eq3A_79 : i32 to vector<4x128xi32>
    %eq3A_81 = arith.cmpi eq, %iota3A_32, %eq3A_80 : vector<4x128xi32>
    %and3A_82 = arith.andi %eq3A_78, %eq3A_81 : vector<4x128xi1>
    %get3A_83 = arith.constant 0 : index
    %get3A_84 = arith.constant 0 : index
    %get3A_85 = vector.load %arg6[%get3A_83, %get3A_84] : memref<4x128xi32, #tpu.memory_space<vmem>>, vector<4x128xi32>
    %broadcast_in_dim3A_86 = vector.broadcast %reduce_min3A_76 : i32 to vector<4x128xi32>
    %select_n3A_87 = arith.select %and3A_82, %broadcast_in_dim3A_86, %get3A_85 : vector<4x128xi1>, vector<4x128xi32>
    %swap3A_88 = arith.constant 0 : index
    %swap3A_89 = arith.constant 0 : index
    %swap3A_90 = vector.load %arg6[%swap3A_88, %swap3A_89] : memref<4x128xi32, #tpu.memory_space<vmem>>, vector<4x128xi32>
    tpu.vector_store %arg6[%swap3A_88, %swap3A_89], %select_n3A_87 {strides = array<i32>} : memref<4x128xi32, #tpu.memory_space<vmem>>, vector<4x128xi32>,
    %eq3A_91 = vector.broadcast %reduce_min3A_76 : i32 to vector<512x128xi32>
    %eq3A_92 = arith.cmpi eq, %add3A_19, %eq3A_91 : vector<512x128xi32>
    %jit3A_93 = arith.constant -2.000000e+00 : f32
    %broadcast_in_dim3A_94 = vector.broadcast %jit3A_93 : f32 to vector<512x128xf32>
    %select_n3A_95 = arith.select %eq3A_92, %broadcast_in_dim3A_94, %select_n3A_61 : vector<512x128xi1>, vector<512x128xf32>
    %reduce_max3A_96 = vector.shape_cast %select_n3A_95 : vector<512x128xf32> to vector<1x512x128xf32>
    %reduce_max3A_97 = arith.constant dense<0xFF800000> : vector<1xf32>
    %reduce_max3A_98 = vector.multi_reduction <maximumf>, %reduce_max3A_96, %reduce_max3A_97 [1, 2] : vector<1x512x128xf32> to vector<1xf32>
    %reduce_max3A_99 = vector.shape_cast %reduce_max3A_98 : vector<1xf32> to vector<1x1x1xf32>
    %reduce_max3A_100 = vector.extract %reduce_max3A_99[0, 0, 0] : f32 from vector<1x1x1xf32>
    %ge3A_101 = vector.broadcast %reduce_max3A_100 : f32 to vector<512x128xf32>
    %ge3A_102 = arith.cmpf oge, %select_n3A_95, %ge3A_101 : vector<512x128xf32>
    %jit3A_103 = arith.constant 1073741824 : i32
    %broadcast_in_dim3A_104 = vector.broadcast %jit3A_103 : i32 to vector<512x128xi32>
    %select_n3A_105 = arith.select %ge3A_102, %add3A_19, %broadcast_in_dim3A_104 : vector<512x128xi1>, vector<512x128xi32>
    %reduce_min3A_106 = vector.shape_cast %select_n3A_105 : vector<512x128xi32> to vector<1x512x128xi32>
    %reduce_min3A_107 = arith.constant dense<2147483647> : vector<1xi32>
    %reduce_min3A_108 = vector.multi_reduction <minsi>, %reduce_min3A_106, %reduce_min3A_107 [1, 2] : vector<1x512x128xi32> to vector<1xi32>
    %reduce_min3A_109 = vector.shape_cast %reduce_min3A_108 : vector<1xi32> to vector<1x1x1xi32>
    %reduce_min3A_110 = vector.extract %reduce_min3A_109[0, 0, 0] : i32 from vector<1x1x1xi32>
    %eq3A_111 = vector.broadcast %arg0 : i32 to vector<4x128xi32>
    %eq3A_112 = arith.cmpi eq, %iota3A_31, %eq3A_111 : vector<4x128xi32>
    %eq3A_113 = arith.constant 2 : i32
    %eq3A_114 = vector.broadcast %eq3A_113 : i32 to vector<4x128xi32>
    %eq3A_115 = arith.cmpi eq, %iota3A_32, %eq3A_114 : vector<4x128xi32>
    %and3A_116 = arith.andi %eq3A_112, %eq3A_115 : vector<4x128xi1>
    %get3A_117 = arith.constant 0 : index
    %get3A_118 = arith.constant 0 : index
    %get3A_119 = vector.load %arg6[%get3A_117, %get3A_118] : memref<4x128xi32, #tpu.memory_space<vmem>>, vector<4x128xi32>
    %broadcast_in_dim3A_120 = vector.broadcast %reduce_min3A_110 : i32 to vector<4x128xi32>
    %select_n3A_121 = arith.select %and3A_116, %broadcast_in_dim3A_120, %get3A_119 : vector<4x128xi1>, vector<4x128xi32>
    %swap3A_122 = arith.constant 0 : index
    %swap3A_123 = arith.constant 0 : index
    %swap3A_124 = vector.load %arg6[%swap3A_122, %swap3A_123] : memref<4x128xi32, #tpu.memory_space<vmem>>, vector<4x128xi32>
    tpu.vector_store %arg6[%swap3A_122, %swap3A_123], %select_n3A_121 {strides = array<i32>} : memref<4x128xi32, #tpu.memory_space<vmem>>, vector<4x128xi32>,
    %eq3A_125 = vector.broadcast %reduce_min3A_110 : i32 to vector<512x128xi32>
    %eq3A_126 = arith.cmpi eq, %add3A_19, %eq3A_125 : vector<512x128xi32>
    %jit3A_127 = arith.constant -2.000000e+00 : f32
    %broadcast_in_dim3A_128 = vector.broadcast %jit3A_127 : f32 to vector<512x128xf32>
    %select_n3A_129 = arith.select %eq3A_126, %broadcast_in_dim3A_128, %select_n3A_95 : vector<512x128xi1>, vector<512x128xf32>
    %reduce_max3A_130 = vector.shape_cast %select_n3A_129 : vector<512x128xf32> to vector<1x512x128xf32>
    %reduce_max3A_131 = arith.constant dense<0xFF800000> : vector<1xf32>
    %reduce_max3A_132 = vector.multi_reduction <maximumf>, %reduce_max3A_130, %reduce_max3A_131 [1, 2] : vector<1x512x128xf32> to vector<1xf32>
    %reduce_max3A_133 = vector.shape_cast %reduce_max3A_132 : vector<1xf32> to vector<1x1x1xf32>
    %reduce_max3A_134 = vector.extract %reduce_max3A_133[0, 0, 0] : f32 from vector<1x1x1xf32>
    %ge3A_135 = vector.broadcast %reduce_max3A_134 : f32 to vector<512x128xf32>
    %ge3A_136 = arith.cmpf oge, %select_n3A_129, %ge3A_135 : vector<512x128xf32>
    %jit3A_137 = arith.constant 1073741824 : i32
    %broadcast_in_dim3A_138 = vector.broadcast %jit3A_137 : i32 to vector<512x128xi32>
    %select_n3A_139 = arith.select %ge3A_136, %add3A_19, %broadcast_in_dim3A_138 : vector<512x128xi1>, vector<512x128xi32>
    %reduce_min3A_140 = vector.shape_cast %select_n3A_139 : vector<512x128xi32> to vector<1x512x128xi32>
    %reduce_min3A_141 = arith.constant dense<2147483647> : vector<1xi32>
    %reduce_min3A_142 = vector.multi_reduction <minsi>, %reduce_min3A_140, %reduce_min3A_141 [1, 2] : vector<1x512x128xi32> to vector<1xi32>
    %reduce_min3A_143 = vector.shape_cast %reduce_min3A_142 : vector<1xi32> to vector<1x1x1xi32>
    %reduce_min3A_144 = vector.extract %reduce_min3A_143[0, 0, 0] : i32 from vector<1x1x1xi32>
    %eq3A_145 = vector.broadcast %arg0 : i32 to vector<4x128xi32>
    %eq3A_146 = arith.cmpi eq, %iota3A_31, %eq3A_145 : vector<4x128xi32>
    %eq3A_147 = arith.constant 3 : i32
    %eq3A_148 = vector.broadcast %eq3A_147 : i32 to vector<4x128xi32>
    %eq3A_149 = arith.cmpi eq, %iota3A_32, %eq3A_148 : vector<4x128xi32>
    %and3A_150 = arith.andi %eq3A_146, %eq3A_149 : vector<4x128xi1>
    %get3A_151 = arith.constant 0 : index
    %get3A_152 = arith.constant 0 : index
    %get3A_153 = vector.load %arg6[%get3A_151, %get3A_152] : memref<4x128xi32, #tpu.memory_space<vmem>>, vector<4x128xi32>
    %broadcast_in_dim3A_154 = vector.broadcast %reduce_min3A_144 : i32 to vector<4x128xi32>
    %select_n3A_155 = arith.select %and3A_150, %broadcast_in_dim3A_154, %get3A_153 : vector<4x128xi1>, vector<4x128xi32>
    %swap3A_156 = arith.constant 0 : index
    %swap3A_157 = arith.constant 0 : index
    %swap3A_158 = vector.load %arg6[%swap3A_156, %swap3A_157] : memref<4x128xi32, #tpu.memory_space<vmem>>, vector<4x128xi32>
    tpu.vector_store %arg6[%swap3A_156, %swap3A_157], %select_n3A_155 {strides = array<i32>} : memref<4x128xi32, #tpu.memory_space<vmem>>, vector<4x128xi32>,
    %eq3A_159 = arith.constant 15 : i32
    %eq3A_160 = arith.cmpi eq, %arg0, %eq3A_159 : i32
    %convert_element_type3A_161 = arith.extui %eq3A_160 : i1 to i32
    %cond3A = arith.constant 0 : i32
    %cond3A_162 = arith.cmpi ne, %convert_element_type3A_161, %cond3A : i32
    scf.if %cond3A_162 {
      tpu.enqueue_dma source(%arg6 : memref<4x128xi32, #tpu.memory_space<vmem>>) target(%arg7 : memref<4x128xi32, #tpu.memory_space<smem>>) target_semaphore(%arg9 : memref<!tpu.dma_semaphore, #tpu.memory_space<semaphore_mem>>)
      tpu.wait_dma2 semaphore(%arg9 : memref<!tpu.dma_semaphore, #tpu.memory_space<semaphore_mem>>) src(%arg6 : memref<4x128xi32, #tpu.memory_space<vmem>>) dst(%arg7 : memref<4x128xi32, #tpu.memory_space<smem>>)
      %get3A_163 = arith.constant 0 : index
      %get3A_164 = arith.constant 0 : index
      %get3A_165 = memref.load %arg7[%get3A_163, %get3A_164] : memref<4x128xi32, #tpu.memory_space<smem>>
      %get3A_166 = arith.constant 1 : index
      %get3A_167 = arith.constant 0 : index
      %get3A_168 = memref.load %arg7[%get3A_166, %get3A_167] : memref<4x128xi32, #tpu.memory_space<smem>>
      %get3A_169 = arith.constant 2 : index
      %get3A_170 = arith.constant 0 : index
      %get3A_171 = memref.load %arg7[%get3A_169, %get3A_170] : memref<4x128xi32, #tpu.memory_space<smem>>
      %get3A_172 = arith.constant 3 : index
      %get3A_173 = arith.constant 0 : index
      %get3A_174 = memref.load %arg7[%get3A_172, %get3A_173] : memref<4x128xi32, #tpu.memory_space<smem>>
      %get3A_175 = arith.constant 0 : index
      %get3A_176 = arith.constant 1 : index
      %get3A_177 = memref.load %arg7[%get3A_175, %get3A_176] : memref<4x128xi32, #tpu.memory_space<smem>>
      %get3A_178 = arith.constant 1 : index
      %get3A_179 = arith.constant 1 : index
      %get3A_180 = memref.load %arg7[%get3A_178, %get3A_179] : memref<4x128xi32, #tpu.memory_space<smem>>
      %get3A_181 = arith.constant 2 : index
      %get3A_182 = arith.constant 1 : index
      %get3A_183 = memref.load %arg7[%get3A_181, %get3A_182] : memref<4x128xi32, #tpu.memory_space<smem>>
      %get3A_184 = arith.constant 3 : index
      %get3A_185 = arith.constant 1 : index
      %get3A_186 = memref.load %arg7[%get3A_184, %get3A_185] : memref<4x128xi32, #tpu.memory_space<smem>>
      %get3A_187 = arith.constant 0 : index
      %get3A_188 = arith.constant 2 : index
      %get3A_189 = memref.load %arg7[%get3A_187, %get3A_188] : memref<4x128xi32, #tpu.memory_space<smem>>
      %get3A_190 = arith.constant 1 : index
      %get3A_191 = arith.constant 2 : index
      %get3A_192 = memref.load %arg7[%get3A_190, %get3A_191] : memref<4x128xi32, #tpu.memory_space<smem>>
      %get3A_193 = arith.constant 2 : index
      %get3A_194 = arith.constant 2 : index
      %get3A_195 = memref.load %arg7[%get3A_193, %get3A_194] : memref<4x128xi32, #tpu.memory_space<smem>>
      %get3A_196 = arith.constant 3 : index
      %get3A_197 = arith.constant 2 : index
      %get3A_198 = memref.load %arg7[%get3A_196, %get3A_197] : memref<4x128xi32, #tpu.memory_space<smem>>
      %get3A_199 = arith.constant 0 : index
      %get3A_200 = arith.constant 3 : index
      %get3A_201 = memref.load %arg7[%get3A_199, %get3A_200] : memref<4x128xi32, #tpu.memory_space<smem>>
      %get3A_202 = arith.constant 1 : index
      %get3A_203 = arith.constant 3 : index
      %get3A_204 = memref.load %arg7[%get3A_202, %get3A_203] : memref<4x128xi32, #tpu.memory_space<smem>>
      %get3A_205 = arith.constant 2 : index
      %get3A_206 = arith.constant 3 : index
      %get3A_207 = memref.load %arg7[%get3A_205, %get3A_206] : memref<4x128xi32, #tpu.memory_space<smem>>
      %get3A_208 = arith.constant 3 : index
      %get3A_209 = arith.constant 3 : index
      %get3A_210 = memref.load %arg7[%get3A_208, %get3A_209] : memref<4x128xi32, #tpu.memory_space<smem>>
      %get3A_211 = arith.constant 0 : index
      %get3A_212 = arith.constant 4 : index
      %get3A_213 = memref.load %arg7[%get3A_211, %get3A_212] : memref<4x128xi32, #tpu.memory_space<smem>>
      %get3A_214 = arith.constant 1 : index
      %get3A_215 = arith.constant 4 : index
      %get3A_216 = memref.load %arg7[%get3A_214, %get3A_215] : memref<4x128xi32, #tpu.memory_space<smem>>
      %get3A_217 = arith.constant 2 : index
      %get3A_218 = arith.constant 4 : index
      %get3A_219 = memref.load %arg7[%get3A_217, %get3A_218] : memref<4x128xi32, #tpu.memory_space<smem>>
      %get3A_220 = arith.constant 3 : index
      %get3A_221 = arith.constant 4 : index
      %get3A_222 = memref.load %arg7[%get3A_220, %get3A_221] : memref<4x128xi32, #tpu.memory_space<smem>>
      %get3A_223 = arith.constant 0 : index
      %get3A_224 = arith.constant 5 : index
      %get3A_225 = memref.load %arg7[%get3A_223, %get3A_224] : memref<4x128xi32, #tpu.memory_space<smem>>
      %get3A_226 = arith.constant 1 : index
      %get3A_227 = arith.constant 5 : index
      %get3A_228 = memref.load %arg7[%get3A_226, %get3A_227] : memref<4x128xi32, #tpu.memory_space<smem>>
      %get3A_229 = arith.constant 2 : index
      %get3A_230 = arith.constant 5 : index
      %get3A_231 = memref.load %arg7[%get3A_229, %get3A_230] : memref<4x128xi32, #tpu.memory_space<smem>>
      %get3A_232 = arith.constant 3 : index
      %get3A_233 = arith.constant 5 : index
      %get3A_234 = memref.load %arg7[%get3A_232, %get3A_233] : memref<4x128xi32, #tpu.memory_space<smem>>
      %get3A_235 = arith.constant 0 : index
      %get3A_236 = arith.constant 6 : index
      %get3A_237 = memref.load %arg7[%get3A_235, %get3A_236] : memref<4x128xi32, #tpu.memory_space<smem>>
      %get3A_238 = arith.constant 1 : index
      %get3A_239 = arith.constant 6 : index
      %get3A_240 = memref.load %arg7[%get3A_238, %get3A_239] : memref<4x128xi32, #tpu.memory_space<smem>>
      %get3A_241 = arith.constant 2 : index
      %get3A_242 = arith.constant 6 : index
      %get3A_243 = memref.load %arg7[%get3A_241, %get3A_242] : memref<4x128xi32, #tpu.memory_space<smem>>
      %get3A_244 = arith.constant 3 : index
      %get3A_245 = arith.constant 6 : index
      %get3A_246 = memref.load %arg7[%get3A_244, %get3A_245] : memref<4x128xi32, #tpu.memory_space<smem>>
      %get3A_247 = arith.constant 0 : index
      %get3A_248 = arith.constant 7 : index
      %get3A_249 = memref.load %arg7[%get3A_247, %get3A_248] : memref<4x128xi32, #tpu.memory_space<smem>>
      %get3A_250 = arith.constant 1 : index
      %get3A_251 = arith.constant 7 : index
      %get3A_252 = memref.load %arg7[%get3A_250, %get3A_251] : memref<4x128xi32, #tpu.memory_space<smem>>
      %get3A_253 = arith.constant 2 : index
      %get3A_254 = arith.constant 7 : index
      %get3A_255 = memref.load %arg7[%get3A_253, %get3A_254] : memref<4x128xi32, #tpu.memory_space<smem>>
      %get3A_256 = arith.constant 3 : index
      %get3A_257 = arith.constant 7 : index
      %get3A_258 = memref.load %arg7[%get3A_256, %get3A_257] : memref<4x128xi32, #tpu.memory_space<smem>>
      %get3A_259 = arith.constant 0 : index
      %get3A_260 = arith.constant 8 : index
      %get3A_261 = memref.load %arg7[%get3A_259, %get3A_260] : memref<4x128xi32, #tpu.memory_space<smem>>
      %get3A_262 = arith.constant 1 : index
      %get3A_263 = arith.constant 8 : index
      %get3A_264 = memref.load %arg7[%get3A_262, %get3A_263] : memref<4x128xi32, #tpu.memory_space<smem>>
      %get3A_265 = arith.constant 2 : index
      %get3A_266 = arith.constant 8 : index
      %get3A_267 = memref.load %arg7[%get3A_265, %get3A_266] : memref<4x128xi32, #tpu.memory_space<smem>>
      %get3A_268 = arith.constant 3 : index
      %get3A_269 = arith.constant 8 : index
      %get3A_270 = memref.load %arg7[%get3A_268, %get3A_269] : memref<4x128xi32, #tpu.memory_space<smem>>
      %get3A_271 = arith.constant 0 : index
      %get3A_272 = arith.constant 9 : index
      %get3A_273 = memref.load %arg7[%get3A_271, %get3A_272] : memref<4x128xi32, #tpu.memory_space<smem>>
      %get3A_274 = arith.constant 1 : index
      %get3A_275 = arith.constant 9 : index
      %get3A_276 = memref.load %arg7[%get3A_274, %get3A_275] : memref<4x128xi32, #tpu.memory_space<smem>>
      %get3A_277 = arith.constant 2 : index
      %get3A_278 = arith.constant 9 : index
      %get3A_279 = memref.load %arg7[%get3A_277, %get3A_278] : memref<4x128xi32, #tpu.memory_space<smem>>
      %get3A_280 = arith.constant 3 : index
      %get3A_281 = arith.constant 9 : index
      %get3A_282 = memref.load %arg7[%get3A_280, %get3A_281] : memref<4x128xi32, #tpu.memory_space<smem>>
      %get3A_283 = arith.constant 0 : index
      %get3A_284 = arith.constant 10 : index
      %get3A_285 = memref.load %arg7[%get3A_283, %get3A_284] : memref<4x128xi32, #tpu.memory_space<smem>>
      %get3A_286 = arith.constant 1 : index
      %get3A_287 = arith.constant 10 : index
      %get3A_288 = memref.load %arg7[%get3A_286, %get3A_287] : memref<4x128xi32, #tpu.memory_space<smem>>
      %get3A_289 = arith.constant 2 : index
      %get3A_290 = arith.constant 10 : index
      %get3A_291 = memref.load %arg7[%get3A_289, %get3A_290] : memref<4x128xi32, #tpu.memory_space<smem>>
      %get3A_292 = arith.constant 3 : index
      %get3A_293 = arith.constant 10 : index
      %get3A_294 = memref.load %arg7[%get3A_292, %get3A_293] : memref<4x128xi32, #tpu.memory_space<smem>>
      %get3A_295 = arith.constant 0 : index
      %get3A_296 = arith.constant 11 : index
      %get3A_297 = memref.load %arg7[%get3A_295, %get3A_296] : memref<4x128xi32, #tpu.memory_space<smem>>
      %get3A_298 = arith.constant 1 : index
      %get3A_299 = arith.constant 11 : index
      %get3A_300 = memref.load %arg7[%get3A_298, %get3A_299] : memref<4x128xi32, #tpu.memory_space<smem>>
      %get3A_301 = arith.constant 2 : index
      %get3A_302 = arith.constant 11 : index
      %get3A_303 = memref.load %arg7[%get3A_301, %get3A_302] : memref<4x128xi32, #tpu.memory_space<smem>>
      %get3A_304 = arith.constant 3 : index
      %get3A_305 = arith.constant 11 : index
      %get3A_306 = memref.load %arg7[%get3A_304, %get3A_305] : memref<4x128xi32, #tpu.memory_space<smem>>
      %get3A_307 = arith.constant 0 : index
      %get3A_308 = arith.constant 12 : index
      %get3A_309 = memref.load %arg7[%get3A_307, %get3A_308] : memref<4x128xi32, #tpu.memory_space<smem>>
      %get3A_310 = arith.constant 1 : index
      %get3A_311 = arith.constant 12 : index
      %get3A_312 = memref.load %arg7[%get3A_310, %get3A_311] : memref<4x128xi32, #tpu.memory_space<smem>>
      %get3A_313 = arith.constant 2 : index
      %get3A_314 = arith.constant 12 : index
      %get3A_315 = memref.load %arg7[%get3A_313, %get3A_314] : memref<4x128xi32, #tpu.memory_space<smem>>
      %get3A_316 = arith.constant 3 : index
      %get3A_317 = arith.constant 12 : index
      %get3A_318 = memref.load %arg7[%get3A_316, %get3A_317] : memref<4x128xi32, #tpu.memory_space<smem>>
      %get3A_319 = arith.constant 0 : index
      %get3A_320 = arith.constant 13 : index
      %get3A_321 = memref.load %arg7[%get3A_319, %get3A_320] : memref<4x128xi32, #tpu.memory_space<smem>>
      %get3A_322 = arith.constant 1 : index
      %get3A_323 = arith.constant 13 : index
      %get3A_324 = memref.load %arg7[%get3A_322, %get3A_323] : memref<4x128xi32, #tpu.memory_space<smem>>
      %get3A_325 = arith.constant 2 : index
      %get3A_326 = arith.constant 13 : index
      %get3A_327 = memref.load %arg7[%get3A_325, %get3A_326] : memref<4x128xi32, #tpu.memory_space<smem>>
      %get3A_328 = arith.constant 3 : index
      %get3A_329 = arith.constant 13 : index
      %get3A_330 = memref.load %arg7[%get3A_328, %get3A_329] : memref<4x128xi32, #tpu.memory_space<smem>>
      %get3A_331 = arith.constant 0 : index
      %get3A_332 = arith.constant 14 : index
      %get3A_333 = memref.load %arg7[%get3A_331, %get3A_332] : memref<4x128xi32, #tpu.memory_space<smem>>
      %get3A_334 = arith.constant 1 : index
      %get3A_335 = arith.constant 14 : index
      %get3A_336 = memref.load %arg7[%get3A_334, %get3A_335] : memref<4x128xi32, #tpu.memory_space<smem>>
      %get3A_337 = arith.constant 2 : index
      %get3A_338 = arith.constant 14 : index
      %get3A_339 = memref.load %arg7[%get3A_337, %get3A_338] : memref<4x128xi32, #tpu.memory_space<smem>>
      %get3A_340 = arith.constant 3 : index
      %get3A_341 = arith.constant 14 : index
      %get3A_342 = memref.load %arg7[%get3A_340, %get3A_341] : memref<4x128xi32, #tpu.memory_space<smem>>
      %get3A_343 = arith.constant 0 : index
      %get3A_344 = arith.constant 15 : index
      %get3A_345 = memref.load %arg7[%get3A_343, %get3A_344] : memref<4x128xi32, #tpu.memory_space<smem>>
      %get3A_346 = arith.constant 1 : index
      %get3A_347 = arith.constant 15 : index
      %get3A_348 = memref.load %arg7[%get3A_346, %get3A_347] : memref<4x128xi32, #tpu.memory_space<smem>>
      %get3A_349 = arith.constant 2 : index
      %get3A_350 = arith.constant 15 : index
      %get3A_351 = memref.load %arg7[%get3A_349, %get3A_350] : memref<4x128xi32, #tpu.memory_space<smem>>
      %get3A_352 = arith.constant 3 : index
      %get3A_353 = arith.constant 15 : index
      %get3A_354 = memref.load %arg7[%get3A_352, %get3A_353] : memref<4x128xi32, #tpu.memory_space<smem>>
      %dma_start3A = arith.constant 0 : i32
      %dma_start3A_355 = arith.constant 0 : i32
      %dma_start3A_356 = tpu.memref_slice %arg8[%dma_start3A, %dma_start3A_355] : memref<128x64xf32, #tpu.memory_space<vmem>> -> memref<1x64xf32, #tpu.memory_space<vmem>>
      %dma_start3A_357 = arith.constant 0 : i32
      %dma_start3A_358 = tpu.memref_slice %arg4[%get3A_165, %dma_start3A_357] : memref<1000000x64xf32, #tpu.memory_space<hbm>> -> memref<1x64xf32, #tpu.memory_space<hbm>>
      tpu.enqueue_dma source(%dma_start3A_358 : memref<1x64xf32, #tpu.memory_space<hbm>>) target(%dma_start3A_356 : memref<1x64xf32, #tpu.memory_space<vmem>>) target_semaphore(%arg9 : memref<!tpu.dma_semaphore, #tpu.memory_space<semaphore_mem>>)
      %dma_start3A_359 = arith.constant 1 : i32
      %dma_start3A_360 = arith.constant 0 : i32
      %dma_start3A_361 = tpu.memref_slice %arg8[%dma_start3A_359, %dma_start3A_360] : memref<128x64xf32, #tpu.memory_space<vmem>> -> memref<1x64xf32, #tpu.memory_space<vmem>>
      %dma_start3A_362 = arith.constant 0 : i32
      %dma_start3A_363 = tpu.memref_slice %arg4[%get3A_168, %dma_start3A_362] : memref<1000000x64xf32, #tpu.memory_space<hbm>> -> memref<1x64xf32, #tpu.memory_space<hbm>>
      tpu.enqueue_dma source(%dma_start3A_363 : memref<1x64xf32, #tpu.memory_space<hbm>>) target(%dma_start3A_361 : memref<1x64xf32, #tpu.memory_space<vmem>>) target_semaphore(%arg9 : memref<!tpu.dma_semaphore, #tpu.memory_space<semaphore_mem>>)
      %dma_start3A_364 = arith.constant 2 : i32
      %dma_start3A_365 = arith.constant 0 : i32
      %dma_start3A_366 = tpu.memref_slice %arg8[%dma_start3A_364, %dma_start3A_365] : memref<128x64xf32, #tpu.memory_space<vmem>> -> memref<1x64xf32, #tpu.memory_space<vmem>>
      %dma_start3A_367 = arith.constant 0 : i32
      %dma_start3A_368 = tpu.memref_slice %arg4[%get3A_171, %dma_start3A_367] : memref<1000000x64xf32, #tpu.memory_space<hbm>> -> memref<1x64xf32, #tpu.memory_space<hbm>>
      tpu.enqueue_dma source(%dma_start3A_368 : memref<1x64xf32, #tpu.memory_space<hbm>>) target(%dma_start3A_366 : memref<1x64xf32, #tpu.memory_space<vmem>>) target_semaphore(%arg9 : memref<!tpu.dma_semaphore, #tpu.memory_space<semaphore_mem>>)
      %dma_start3A_369 = arith.constant 3 : i32
      %dma_start3A_370 = arith.constant 0 : i32
      %dma_start3A_371 = tpu.memref_slice %arg8[%dma_start3A_369, %dma_start3A_370] : memref<128x64xf32, #tpu.memory_space<vmem>> -> memref<1x64xf32, #tpu.memory_space<vmem>>
      %dma_start3A_372 = arith.constant 0 : i32
      %dma_start3A_373 = tpu.memref_slice %arg4[%get3A_174, %dma_start3A_372] : memref<1000000x64xf32, #tpu.memory_space<hbm>> -> memref<1x64xf32, #tpu.memory_space<hbm>>
      tpu.enqueue_dma source(%dma_start3A_373 : memref<1x64xf32, #tpu.memory_space<hbm>>) target(%dma_start3A_371 : memref<1x64xf32, #tpu.memory_space<vmem>>) target_semaphore(%arg9 : memref<!tpu.dma_semaphore, #tpu.memory_space<semaphore_mem>>)
      %dma_start3A_374 = arith.constant 4 : i32
      %dma_start3A_375 = arith.constant 0 : i32
      %dma_start3A_376 = tpu.memref_slice %arg8[%dma_start3A_374, %dma_start3A_375] : memref<128x64xf32, #tpu.memory_space<vmem>> -> memref<1x64xf32, #tpu.memory_space<vmem>>
      %dma_start3A_377 = arith.constant 0 : i32
      %dma_start3A_378 = tpu.memref_slice %arg4[%get3A_177, %dma_start3A_377] : memref<1000000x64xf32, #tpu.memory_space<hbm>> -> memref<1x64xf32, #tpu.memory_space<hbm>>
      tpu.enqueue_dma source(%dma_start3A_378 : memref<1x64xf32, #tpu.memory_space<hbm>>) target(%dma_start3A_376 : memref<1x64xf32, #tpu.memory_space<vmem>>) target_semaphore(%arg9 : memref<!tpu.dma_semaphore, #tpu.memory_space<semaphore_mem>>)
      %dma_start3A_379 = arith.constant 5 : i32
      %dma_start3A_380 = arith.constant 0 : i32
      %dma_start3A_381 = tpu.memref_slice %arg8[%dma_start3A_379, %dma_start3A_380] : memref<128x64xf32, #tpu.memory_space<vmem>> -> memref<1x64xf32, #tpu.memory_space<vmem>>
      %dma_start3A_382 = arith.constant 0 : i32
      %dma_start3A_383 = tpu.memref_slice %arg4[%get3A_180, %dma_start3A_382] : memref<1000000x64xf32, #tpu.memory_space<hbm>> -> memref<1x64xf32, #tpu.memory_space<hbm>>
      tpu.enqueue_dma source(%dma_start3A_383 : memref<1x64xf32, #tpu.memory_space<hbm>>) target(%dma_start3A_381 : memref<1x64xf32, #tpu.memory_space<vmem>>) target_semaphore(%arg9 : memref<!tpu.dma_semaphore, #tpu.memory_space<semaphore_mem>>)
      %dma_start3A_384 = arith.constant 6 : i32
      %dma_start3A_385 = arith.constant 0 : i32
      %dma_start3A_386 = tpu.memref_slice %arg8[%dma_start3A_384, %dma_start3A_385] : memref<128x64xf32, #tpu.memory_space<vmem>> -> memref<1x64xf32, #tpu.memory_space<vmem>>
      %dma_start3A_387 = arith.constant 0 : i32
      %dma_start3A_388 = tpu.memref_slice %arg4[%get3A_183, %dma_start3A_387] : memref<1000000x64xf32, #tpu.memory_space<hbm>> -> memref<1x64xf32, #tpu.memory_space<hbm>>
      tpu.enqueue_dma source(%dma_start3A_388 : memref<1x64xf32, #tpu.memory_space<hbm>>) target(%dma_start3A_386 : memref<1x64xf32, #tpu.memory_space<vmem>>) target_semaphore(%arg9 : memref<!tpu.dma_semaphore, #tpu.memory_space<semaphore_mem>>)
      %dma_start3A_389 = arith.constant 7 : i32
      %dma_start3A_390 = arith.constant 0 : i32
      %dma_start3A_391 = tpu.memref_slice %arg8[%dma_start3A_389, %dma_start3A_390] : memref<128x64xf32, #tpu.memory_space<vmem>> -> memref<1x64xf32, #tpu.memory_space<vmem>>
      %dma_start3A_392 = arith.constant 0 : i32
      %dma_start3A_393 = tpu.memref_slice %arg4[%get3A_186, %dma_start3A_392] : memref<1000000x64xf32, #tpu.memory_space<hbm>> -> memref<1x64xf32, #tpu.memory_space<hbm>>
      tpu.enqueue_dma source(%dma_start3A_393 : memref<1x64xf32, #tpu.memory_space<hbm>>) target(%dma_start3A_391 : memref<1x64xf32, #tpu.memory_space<vmem>>) target_semaphore(%arg9 : memref<!tpu.dma_semaphore, #tpu.memory_space<semaphore_mem>>)
      %dma_start3A_394 = arith.constant 8 : i32
      %dma_start3A_395 = arith.constant 0 : i32
      %dma_start3A_396 = tpu.memref_slice %arg8[%dma_start3A_394, %dma_start3A_395] : memref<128x64xf32, #tpu.memory_space<vmem>> -> memref<1x64xf32, #tpu.memory_space<vmem>>
      %dma_start3A_397 = arith.constant 0 : i32
      %dma_start3A_398 = tpu.memref_slice %arg4[%get3A_189, %dma_start3A_397] : memref<1000000x64xf32, #tpu.memory_space<hbm>> -> memref<1x64xf32, #tpu.memory_space<hbm>>
      tpu.enqueue_dma source(%dma_start3A_398 : memref<1x64xf32, #tpu.memory_space<hbm>>) target(%dma_start3A_396 : memref<1x64xf32, #tpu.memory_space<vmem>>) target_semaphore(%arg9 : memref<!tpu.dma_semaphore, #tpu.memory_space<semaphore_mem>>)
      %dma_start3A_399 = arith.constant 9 : i32
      %dma_start3A_400 = arith.constant 0 : i32
      %dma_start3A_401 = tpu.memref_slice %arg8[%dma_start3A_399, %dma_start3A_400] : memref<128x64xf32, #tpu.memory_space<vmem>> -> memref<1x64xf32, #tpu.memory_space<vmem>>
      %dma_start3A_402 = arith.constant 0 : i32
      %dma_start3A_403 = tpu.memref_slice %arg4[%get3A_192, %dma_start3A_402] : memref<1000000x64xf32, #tpu.memory_space<hbm>> -> memref<1x64xf32, #tpu.memory_space<hbm>>
      tpu.enqueue_dma source(%dma_start3A_403 : memref<1x64xf32, #tpu.memory_space<hbm>>) target(%dma_start3A_401 : memref<1x64xf32, #tpu.memory_space<vmem>>) target_semaphore(%arg9 : memref<!tpu.dma_semaphore, #tpu.memory_space<semaphore_mem>>)
      %dma_start3A_404 = arith.constant 10 : i32
      %dma_start3A_405 = arith.constant 0 : i32
      %dma_start3A_406 = tpu.memref_slice %arg8[%dma_start3A_404, %dma_start3A_405] : memref<128x64xf32, #tpu.memory_space<vmem>> -> memref<1x64xf32, #tpu.memory_space<vmem>>
      %dma_start3A_407 = arith.constant 0 : i32
      %dma_start3A_408 = tpu.memref_slice %arg4[%get3A_195, %dma_start3A_407] : memref<1000000x64xf32, #tpu.memory_space<hbm>> -> memref<1x64xf32, #tpu.memory_space<hbm>>
      tpu.enqueue_dma source(%dma_start3A_408 : memref<1x64xf32, #tpu.memory_space<hbm>>) target(%dma_start3A_406 : memref<1x64xf32, #tpu.memory_space<vmem>>) target_semaphore(%arg9 : memref<!tpu.dma_semaphore, #tpu.memory_space<semaphore_mem>>)
      %dma_start3A_409 = arith.constant 11 : i32
      %dma_start3A_410 = arith.constant 0 : i32
      %dma_start3A_411 = tpu.memref_slice %arg8[%dma_start3A_409, %dma_start3A_410] : memref<128x64xf32, #tpu.memory_space<vmem>> -> memref<1x64xf32, #tpu.memory_space<vmem>>
      %dma_start3A_412 = arith.constant 0 : i32
      %dma_start3A_413 = tpu.memref_slice %arg4[%get3A_198, %dma_start3A_412] : memref<1000000x64xf32, #tpu.memory_space<hbm>> -> memref<1x64xf32, #tpu.memory_space<hbm>>
      tpu.enqueue_dma source(%dma_start3A_413 : memref<1x64xf32, #tpu.memory_space<hbm>>) target(%dma_start3A_411 : memref<1x64xf32, #tpu.memory_space<vmem>>) target_semaphore(%arg9 : memref<!tpu.dma_semaphore, #tpu.memory_space<semaphore_mem>>)
      %dma_start3A_414 = arith.constant 12 : i32
      %dma_start3A_415 = arith.constant 0 : i32
      %dma_start3A_416 = tpu.memref_slice %arg8[%dma_start3A_414, %dma_start3A_415] : memref<128x64xf32, #tpu.memory_space<vmem>> -> memref<1x64xf32, #tpu.memory_space<vmem>>
      %dma_start3A_417 = arith.constant 0 : i32
      %dma_start3A_418 = tpu.memref_slice %arg4[%get3A_201, %dma_start3A_417] : memref<1000000x64xf32, #tpu.memory_space<hbm>> -> memref<1x64xf32, #tpu.memory_space<hbm>>
      tpu.enqueue_dma source(%dma_start3A_418 : memref<1x64xf32, #tpu.memory_space<hbm>>) target(%dma_start3A_416 : memref<1x64xf32, #tpu.memory_space<vmem>>) target_semaphore(%arg9 : memref<!tpu.dma_semaphore, #tpu.memory_space<semaphore_mem>>)
      %dma_start3A_419 = arith.constant 13 : i32
      %dma_start3A_420 = arith.constant 0 : i32
      %dma_start3A_421 = tpu.memref_slice %arg8[%dma_start3A_419, %dma_start3A_420] : memref<128x64xf32, #tpu.memory_space<vmem>> -> memref<1x64xf32, #tpu.memory_space<vmem>>
      %dma_start3A_422 = arith.constant 0 : i32
      %dma_start3A_423 = tpu.memref_slice %arg4[%get3A_204, %dma_start3A_422] : memref<1000000x64xf32, #tpu.memory_space<hbm>> -> memref<1x64xf32, #tpu.memory_space<hbm>>
      tpu.enqueue_dma source(%dma_start3A_423 : memref<1x64xf32, #tpu.memory_space<hbm>>) target(%dma_start3A_421 : memref<1x64xf32, #tpu.memory_space<vmem>>) target_semaphore(%arg9 : memref<!tpu.dma_semaphore, #tpu.memory_space<semaphore_mem>>)
      %dma_start3A_424 = arith.constant 14 : i32
      %dma_start3A_425 = arith.constant 0 : i32
      %dma_start3A_426 = tpu.memref_slice %arg8[%dma_start3A_424, %dma_start3A_425] : memref<128x64xf32, #tpu.memory_space<vmem>> -> memref<1x64xf32, #tpu.memory_space<vmem>>
      %dma_start3A_427 = arith.constant 0 : i32
      %dma_start3A_428 = tpu.memref_slice %arg4[%get3A_207, %dma_start3A_427] : memref<1000000x64xf32, #tpu.memory_space<hbm>> -> memref<1x64xf32, #tpu.memory_space<hbm>>
      tpu.enqueue_dma source(%dma_start3A_428 : memref<1x64xf32, #tpu.memory_space<hbm>>) target(%dma_start3A_426 : memref<1x64xf32, #tpu.memory_space<vmem>>) target_semaphore(%arg9 : memref<!tpu.dma_semaphore, #tpu.memory_space<semaphore_mem>>)
      %dma_start3A_429 = arith.constant 15 : i32
      %dma_start3A_430 = arith.constant 0 : i32
      %dma_start3A_431 = tpu.memref_slice %arg8[%dma_start3A_429, %dma_start3A_430] : memref<128x64xf32, #tpu.memory_space<vmem>> -> memref<1x64xf32, #tpu.memory_space<vmem>>
      %dma_start3A_432 = arith.constant 0 : i32
      %dma_start3A_433 = tpu.memref_slice %arg4[%get3A_210, %dma_start3A_432] : memref<1000000x64xf32, #tpu.memory_space<hbm>> -> memref<1x64xf32, #tpu.memory_space<hbm>>
      tpu.enqueue_dma source(%dma_start3A_433 : memref<1x64xf32, #tpu.memory_space<hbm>>) target(%dma_start3A_431 : memref<1x64xf32, #tpu.memory_space<vmem>>) target_semaphore(%arg9 : memref<!tpu.dma_semaphore, #tpu.memory_space<semaphore_mem>>)
      %dma_start3A_434 = arith.constant 16 : i32
      %dma_start3A_435 = arith.constant 0 : i32
      %dma_start3A_436 = tpu.memref_slice %arg8[%dma_start3A_434, %dma_start3A_435] : memref<128x64xf32, #tpu.memory_space<vmem>> -> memref<1x64xf32, #tpu.memory_space<vmem>>
      %dma_start3A_437 = arith.constant 0 : i32
      %dma_start3A_438 = tpu.memref_slice %arg4[%get3A_213, %dma_start3A_437] : memref<1000000x64xf32, #tpu.memory_space<hbm>> -> memref<1x64xf32, #tpu.memory_space<hbm>>
      tpu.enqueue_dma source(%dma_start3A_438 : memref<1x64xf32, #tpu.memory_space<hbm>>) target(%dma_start3A_436 : memref<1x64xf32, #tpu.memory_space<vmem>>) target_semaphore(%arg9 : memref<!tpu.dma_semaphore, #tpu.memory_space<semaphore_mem>>)
      %dma_start3A_439 = arith.constant 17 : i32
      %dma_start3A_440 = arith.constant 0 : i32
      %dma_start3A_441 = tpu.memref_slice %arg8[%dma_start3A_439, %dma_start3A_440] : memref<128x64xf32, #tpu.memory_space<vmem>> -> memref<1x64xf32, #tpu.memory_space<vmem>>
      %dma_start3A_442 = arith.constant 0 : i32
      %dma_start3A_443 = tpu.memref_slice %arg4[%get3A_216, %dma_start3A_442] : memref<1000000x64xf32, #tpu.memory_space<hbm>> -> memref<1x64xf32, #tpu.memory_space<hbm>>
      tpu.enqueue_dma source(%dma_start3A_443 : memref<1x64xf32, #tpu.memory_space<hbm>>) target(%dma_start3A_441 : memref<1x64xf32, #tpu.memory_space<vmem>>) target_semaphore(%arg9 : memref<!tpu.dma_semaphore, #tpu.memory_space<semaphore_mem>>)
      %dma_start3A_444 = arith.constant 18 : i32
      %dma_start3A_445 = arith.constant 0 : i32
      %dma_start3A_446 = tpu.memref_slice %arg8[%dma_start3A_444, %dma_start3A_445] : memref<128x64xf32, #tpu.memory_space<vmem>> -> memref<1x64xf32, #tpu.memory_space<vmem>>
      %dma_start3A_447 = arith.constant 0 : i32
      %dma_start3A_448 = tpu.memref_slice %arg4[%get3A_219, %dma_start3A_447] : memref<1000000x64xf32, #tpu.memory_space<hbm>> -> memref<1x64xf32, #tpu.memory_space<hbm>>
      tpu.enqueue_dma source(%dma_start3A_448 : memref<1x64xf32, #tpu.memory_space<hbm>>) target(%dma_start3A_446 : memref<1x64xf32, #tpu.memory_space<vmem>>) target_semaphore(%arg9 : memref<!tpu.dma_semaphore, #tpu.memory_space<semaphore_mem>>)
      %dma_start3A_449 = arith.constant 19 : i32
      %dma_start3A_450 = arith.constant 0 : i32
      %dma_start3A_451 = tpu.memref_slice %arg8[%dma_start3A_449, %dma_start3A_450] : memref<128x64xf32, #tpu.memory_space<vmem>> -> memref<1x64xf32, #tpu.memory_space<vmem>>
      %dma_start3A_452 = arith.constant 0 : i32
      %dma_start3A_453 = tpu.memref_slice %arg4[%get3A_222, %dma_start3A_452] : memref<1000000x64xf32, #tpu.memory_space<hbm>> -> memref<1x64xf32, #tpu.memory_space<hbm>>
      tpu.enqueue_dma source(%dma_start3A_453 : memref<1x64xf32, #tpu.memory_space<hbm>>) target(%dma_start3A_451 : memref<1x64xf32, #tpu.memory_space<vmem>>) target_semaphore(%arg9 : memref<!tpu.dma_semaphore, #tpu.memory_space<semaphore_mem>>)
      %dma_start3A_454 = arith.constant 20 : i32
      %dma_start3A_455 = arith.constant 0 : i32
      %dma_start3A_456 = tpu.memref_slice %arg8[%dma_start3A_454, %dma_start3A_455] : memref<128x64xf32, #tpu.memory_space<vmem>> -> memref<1x64xf32, #tpu.memory_space<vmem>>
      %dma_start3A_457 = arith.constant 0 : i32
      %dma_start3A_458 = tpu.memref_slice %arg4[%get3A_225, %dma_start3A_457] : memref<1000000x64xf32, #tpu.memory_space<hbm>> -> memref<1x64xf32, #tpu.memory_space<hbm>>
      tpu.enqueue_dma source(%dma_start3A_458 : memref<1x64xf32, #tpu.memory_space<hbm>>) target(%dma_start3A_456 : memref<1x64xf32, #tpu.memory_space<vmem>>) target_semaphore(%arg9 : memref<!tpu.dma_semaphore, #tpu.memory_space<semaphore_mem>>)
      %dma_start3A_459 = arith.constant 21 : i32
      %dma_start3A_460 = arith.constant 0 : i32
      %dma_start3A_461 = tpu.memref_slice %arg8[%dma_start3A_459, %dma_start3A_460] : memref<128x64xf32, #tpu.memory_space<vmem>> -> memref<1x64xf32, #tpu.memory_space<vmem>>
      %dma_start3A_462 = arith.constant 0 : i32
      %dma_start3A_463 = tpu.memref_slice %arg4[%get3A_228, %dma_start3A_462] : memref<1000000x64xf32, #tpu.memory_space<hbm>> -> memref<1x64xf32, #tpu.memory_space<hbm>>
      tpu.enqueue_dma source(%dma_start3A_463 : memref<1x64xf32, #tpu.memory_space<hbm>>) target(%dma_start3A_461 : memref<1x64xf32, #tpu.memory_space<vmem>>) target_semaphore(%arg9 : memref<!tpu.dma_semaphore, #tpu.memory_space<semaphore_mem>>)
      %dma_start3A_464 = arith.constant 22 : i32
      %dma_start3A_465 = arith.constant 0 : i32
      %dma_start3A_466 = tpu.memref_slice %arg8[%dma_start3A_464, %dma_start3A_465] : memref<128x64xf32, #tpu.memory_space<vmem>> -> memref<1x64xf32, #tpu.memory_space<vmem>>
      %dma_start3A_467 = arith.constant 0 : i32
      %dma_start3A_468 = tpu.memref_slice %arg4[%get3A_231, %dma_start3A_467] : memref<1000000x64xf32, #tpu.memory_space<hbm>> -> memref<1x64xf32, #tpu.memory_space<hbm>>
      tpu.enqueue_dma source(%dma_start3A_468 : memref<1x64xf32, #tpu.memory_space<hbm>>) target(%dma_start3A_466 : memref<1x64xf32, #tpu.memory_space<vmem>>) target_semaphore(%arg9 : memref<!tpu.dma_semaphore, #tpu.memory_space<semaphore_mem>>)
      %dma_start3A_469 = arith.constant 23 : i32
      %dma_start3A_470 = arith.constant 0 : i32
      %dma_start3A_471 = tpu.memref_slice %arg8[%dma_start3A_469, %dma_start3A_470] : memref<128x64xf32, #tpu.memory_space<vmem>> -> memref<1x64xf32, #tpu.memory_space<vmem>>
      %dma_start3A_472 = arith.constant 0 : i32
      %dma_start3A_473 = tpu.memref_slice %arg4[%get3A_234, %dma_start3A_472] : memref<1000000x64xf32, #tpu.memory_space<hbm>> -> memref<1x64xf32, #tpu.memory_space<hbm>>
      tpu.enqueue_dma source(%dma_start3A_473 : memref<1x64xf32, #tpu.memory_space<hbm>>) target(%dma_start3A_471 : memref<1x64xf32, #tpu.memory_space<vmem>>) target_semaphore(%arg9 : memref<!tpu.dma_semaphore, #tpu.memory_space<semaphore_mem>>)
      %dma_start3A_474 = arith.constant 24 : i32
      %dma_start3A_475 = arith.constant 0 : i32
      %dma_start3A_476 = tpu.memref_slice %arg8[%dma_start3A_474, %dma_start3A_475] : memref<128x64xf32, #tpu.memory_space<vmem>> -> memref<1x64xf32, #tpu.memory_space<vmem>>
      %dma_start3A_477 = arith.constant 0 : i32
      %dma_start3A_478 = tpu.memref_slice %arg4[%get3A_237, %dma_start3A_477] : memref<1000000x64xf32, #tpu.memory_space<hbm>> -> memref<1x64xf32, #tpu.memory_space<hbm>>
      tpu.enqueue_dma source(%dma_start3A_478 : memref<1x64xf32, #tpu.memory_space<hbm>>) target(%dma_start3A_476 : memref<1x64xf32, #tpu.memory_space<vmem>>) target_semaphore(%arg9 : memref<!tpu.dma_semaphore, #tpu.memory_space<semaphore_mem>>)
      %dma_start3A_479 = arith.constant 25 : i32
      %dma_start3A_480 = arith.constant 0 : i32
      %dma_start3A_481 = tpu.memref_slice %arg8[%dma_start3A_479, %dma_start3A_480] : memref<128x64xf32, #tpu.memory_space<vmem>> -> memref<1x64xf32, #tpu.memory_space<vmem>>
      %dma_start3A_482 = arith.constant 0 : i32
      %dma_start3A_483 = tpu.memref_slice %arg4[%get3A_240, %dma_start3A_482] : memref<1000000x64xf32, #tpu.memory_space<hbm>> -> memref<1x64xf32, #tpu.memory_space<hbm>>
      tpu.enqueue_dma source(%dma_start3A_483 : memref<1x64xf32, #tpu.memory_space<hbm>>) target(%dma_start3A_481 : memref<1x64xf32, #tpu.memory_space<vmem>>) target_semaphore(%arg9 : memref<!tpu.dma_semaphore, #tpu.memory_space<semaphore_mem>>)
      %dma_start3A_484 = arith.constant 26 : i32
      %dma_start3A_485 = arith.constant 0 : i32
      %dma_start3A_486 = tpu.memref_slice %arg8[%dma_start3A_484, %dma_start3A_485] : memref<128x64xf32, #tpu.memory_space<vmem>> -> memref<1x64xf32, #tpu.memory_space<vmem>>
      %dma_start3A_487 = arith.constant 0 : i32
      %dma_start3A_488 = tpu.memref_slice %arg4[%get3A_243, %dma_start3A_487] : memref<1000000x64xf32, #tpu.memory_space<hbm>> -> memref<1x64xf32, #tpu.memory_space<hbm>>
      tpu.enqueue_dma source(%dma_start3A_488 : memref<1x64xf32, #tpu.memory_space<hbm>>) target(%dma_start3A_486 : memref<1x64xf32, #tpu.memory_space<vmem>>) target_semaphore(%arg9 : memref<!tpu.dma_semaphore, #tpu.memory_space<semaphore_mem>>)
      %dma_start3A_489 = arith.constant 27 : i32
      %dma_start3A_490 = arith.constant 0 : i32
      %dma_start3A_491 = tpu.memref_slice %arg8[%dma_start3A_489, %dma_start3A_490] : memref<128x64xf32, #tpu.memory_space<vmem>> -> memref<1x64xf32, #tpu.memory_space<vmem>>
      %dma_start3A_492 = arith.constant 0 : i32
      %dma_start3A_493 = tpu.memref_slice %arg4[%get3A_246, %dma_start3A_492] : memref<1000000x64xf32, #tpu.memory_space<hbm>> -> memref<1x64xf32, #tpu.memory_space<hbm>>
      tpu.enqueue_dma source(%dma_start3A_493 : memref<1x64xf32, #tpu.memory_space<hbm>>) target(%dma_start3A_491 : memref<1x64xf32, #tpu.memory_space<vmem>>) target_semaphore(%arg9 : memref<!tpu.dma_semaphore, #tpu.memory_space<semaphore_mem>>)
      %dma_start3A_494 = arith.constant 28 : i32
      %dma_start3A_495 = arith.constant 0 : i32
      %dma_start3A_496 = tpu.memref_slice %arg8[%dma_start3A_494, %dma_start3A_495] : memref<128x64xf32, #tpu.memory_space<vmem>> -> memref<1x64xf32, #tpu.memory_space<vmem>>
      %dma_start3A_497 = arith.constant 0 : i32
      %dma_start3A_498 = tpu.memref_slice %arg4[%get3A_249, %dma_start3A_497] : memref<1000000x64xf32, #tpu.memory_space<hbm>> -> memref<1x64xf32, #tpu.memory_space<hbm>>
      tpu.enqueue_dma source(%dma_start3A_498 : memref<1x64xf32, #tpu.memory_space<hbm>>) target(%dma_start3A_496 : memref<1x64xf32, #tpu.memory_space<vmem>>) target_semaphore(%arg9 : memref<!tpu.dma_semaphore, #tpu.memory_space<semaphore_mem>>)
      %dma_start3A_499 = arith.constant 29 : i32
      %dma_start3A_500 = arith.constant 0 : i32
      %dma_start3A_501 = tpu.memref_slice %arg8[%dma_start3A_499, %dma_start3A_500] : memref<128x64xf32, #tpu.memory_space<vmem>> -> memref<1x64xf32, #tpu.memory_space<vmem>>
      %dma_start3A_502 = arith.constant 0 : i32
      %dma_start3A_503 = tpu.memref_slice %arg4[%get3A_252, %dma_start3A_502] : memref<1000000x64xf32, #tpu.memory_space<hbm>> -> memref<1x64xf32, #tpu.memory_space<hbm>>
      tpu.enqueue_dma source(%dma_start3A_503 : memref<1x64xf32, #tpu.memory_space<hbm>>) target(%dma_start3A_501 : memref<1x64xf32, #tpu.memory_space<vmem>>) target_semaphore(%arg9 : memref<!tpu.dma_semaphore, #tpu.memory_space<semaphore_mem>>)
      %dma_start3A_504 = arith.constant 30 : i32
      %dma_start3A_505 = arith.constant 0 : i32
      %dma_start3A_506 = tpu.memref_slice %arg8[%dma_start3A_504, %dma_start3A_505] : memref<128x64xf32, #tpu.memory_space<vmem>> -> memref<1x64xf32, #tpu.memory_space<vmem>>
      %dma_start3A_507 = arith.constant 0 : i32
      %dma_start3A_508 = tpu.memref_slice %arg4[%get3A_255, %dma_start3A_507] : memref<1000000x64xf32, #tpu.memory_space<hbm>> -> memref<1x64xf32, #tpu.memory_space<hbm>>
      tpu.enqueue_dma source(%dma_start3A_508 : memref<1x64xf32, #tpu.memory_space<hbm>>) target(%dma_start3A_506 : memref<1x64xf32, #tpu.memory_space<vmem>>) target_semaphore(%arg9 : memref<!tpu.dma_semaphore, #tpu.memory_space<semaphore_mem>>)
      %dma_start3A_509 = arith.constant 31 : i32
      %dma_start3A_510 = arith.constant 0 : i32
      %dma_start3A_511 = tpu.memref_slice %arg8[%dma_start3A_509, %dma_start3A_510] : memref<128x64xf32, #tpu.memory_space<vmem>> -> memref<1x64xf32, #tpu.memory_space<vmem>>
      %dma_start3A_512 = arith.constant 0 : i32
      %dma_start3A_513 = tpu.memref_slice %arg4[%get3A_258, %dma_start3A_512] : memref<1000000x64xf32, #tpu.memory_space<hbm>> -> memref<1x64xf32, #tpu.memory_space<hbm>>
      tpu.enqueue_dma source(%dma_start3A_513 : memref<1x64xf32, #tpu.memory_space<hbm>>) target(%dma_start3A_511 : memref<1x64xf32, #tpu.memory_space<vmem>>) target_semaphore(%arg9 : memref<!tpu.dma_semaphore, #tpu.memory_space<semaphore_mem>>)
      %dma_start3A_514 = arith.constant 32 : i32
      %dma_start3A_515 = arith.constant 0 : i32
      %dma_start3A_516 = tpu.memref_slice %arg8[%dma_start3A_514, %dma_start3A_515] : memref<128x64xf32, #tpu.memory_space<vmem>> -> memref<1x64xf32, #tpu.memory_space<vmem>>
      %dma_start3A_517 = arith.constant 0 : i32
      %dma_start3A_518 = tpu.memref_slice %arg4[%get3A_261, %dma_start3A_517] : memref<1000000x64xf32, #tpu.memory_space<hbm>> -> memref<1x64xf32, #tpu.memory_space<hbm>>
      tpu.enqueue_dma source(%dma_start3A_518 : memref<1x64xf32, #tpu.memory_space<hbm>>) target(%dma_start3A_516 : memref<1x64xf32, #tpu.memory_space<vmem>>) target_semaphore(%arg9 : memref<!tpu.dma_semaphore, #tpu.memory_space<semaphore_mem>>)
      %dma_start3A_519 = arith.constant 33 : i32
      %dma_start3A_520 = arith.constant 0 : i32
      %dma_start3A_521 = tpu.memref_slice %arg8[%dma_start3A_519, %dma_start3A_520] : memref<128x64xf32, #tpu.memory_space<vmem>> -> memref<1x64xf32, #tpu.memory_space<vmem>>
      %dma_start3A_522 = arith.constant 0 : i32
      %dma_start3A_523 = tpu.memref_slice %arg4[%get3A_264, %dma_start3A_522] : memref<1000000x64xf32, #tpu.memory_space<hbm>> -> memref<1x64xf32, #tpu.memory_space<hbm>>
      tpu.enqueue_dma source(%dma_start3A_523 : memref<1x64xf32, #tpu.memory_space<hbm>>) target(%dma_start3A_521 : memref<1x64xf32, #tpu.memory_space<vmem>>) target_semaphore(%arg9 : memref<!tpu.dma_semaphore, #tpu.memory_space<semaphore_mem>>)
      %dma_start3A_524 = arith.constant 34 : i32
      %dma_start3A_525 = arith.constant 0 : i32
      %dma_start3A_526 = tpu.memref_slice %arg8[%dma_start3A_524, %dma_start3A_525] : memref<128x64xf32, #tpu.memory_space<vmem>> -> memref<1x64xf32, #tpu.memory_space<vmem>>
      %dma_start3A_527 = arith.constant 0 : i32
      %dma_start3A_528 = tpu.memref_slice %arg4[%get3A_267, %dma_start3A_527] : memref<1000000x64xf32, #tpu.memory_space<hbm>> -> memref<1x64xf32, #tpu.memory_space<hbm>>
      tpu.enqueue_dma source(%dma_start3A_528 : memref<1x64xf32, #tpu.memory_space<hbm>>) target(%dma_start3A_526 : memref<1x64xf32, #tpu.memory_space<vmem>>) target_semaphore(%arg9 : memref<!tpu.dma_semaphore, #tpu.memory_space<semaphore_mem>>)
      %dma_start3A_529 = arith.constant 35 : i32
      %dma_start3A_530 = arith.constant 0 : i32
      %dma_start3A_531 = tpu.memref_slice %arg8[%dma_start3A_529, %dma_start3A_530] : memref<128x64xf32, #tpu.memory_space<vmem>> -> memref<1x64xf32, #tpu.memory_space<vmem>>
      %dma_start3A_532 = arith.constant 0 : i32
      %dma_start3A_533 = tpu.memref_slice %arg4[%get3A_270, %dma_start3A_532] : memref<1000000x64xf32, #tpu.memory_space<hbm>> -> memref<1x64xf32, #tpu.memory_space<hbm>>
      tpu.enqueue_dma source(%dma_start3A_533 : memref<1x64xf32, #tpu.memory_space<hbm>>) target(%dma_start3A_531 : memref<1x64xf32, #tpu.memory_space<vmem>>) target_semaphore(%arg9 : memref<!tpu.dma_semaphore, #tpu.memory_space<semaphore_mem>>)
      %dma_start3A_534 = arith.constant 36 : i32
      %dma_start3A_535 = arith.constant 0 : i32
      %dma_start3A_536 = tpu.memref_slice %arg8[%dma_start3A_534, %dma_start3A_535] : memref<128x64xf32, #tpu.memory_space<vmem>> -> memref<1x64xf32, #tpu.memory_space<vmem>>
      %dma_start3A_537 = arith.constant 0 : i32
      %dma_start3A_538 = tpu.memref_slice %arg4[%get3A_273, %dma_start3A_537] : memref<1000000x64xf32, #tpu.memory_space<hbm>> -> memref<1x64xf32, #tpu.memory_space<hbm>>
      tpu.enqueue_dma source(%dma_start3A_538 : memref<1x64xf32, #tpu.memory_space<hbm>>) target(%dma_start3A_536 : memref<1x64xf32, #tpu.memory_space<vmem>>) target_semaphore(%arg9 : memref<!tpu.dma_semaphore, #tpu.memory_space<semaphore_mem>>)
      %dma_start3A_539 = arith.constant 37 : i32
      %dma_start3A_540 = arith.constant 0 : i32
      %dma_start3A_541 = tpu.memref_slice %arg8[%dma_start3A_539, %dma_start3A_540] : memref<128x64xf32, #tpu.memory_space<vmem>> -> memref<1x64xf32, #tpu.memory_space<vmem>>
      %dma_start3A_542 = arith.constant 0 : i32
      %dma_start3A_543 = tpu.memref_slice %arg4[%get3A_276, %dma_start3A_542] : memref<1000000x64xf32, #tpu.memory_space<hbm>> -> memref<1x64xf32, #tpu.memory_space<hbm>>
      tpu.enqueue_dma source(%dma_start3A_543 : memref<1x64xf32, #tpu.memory_space<hbm>>) target(%dma_start3A_541 : memref<1x64xf32, #tpu.memory_space<vmem>>) target_semaphore(%arg9 : memref<!tpu.dma_semaphore, #tpu.memory_space<semaphore_mem>>)
      %dma_start3A_544 = arith.constant 38 : i32
      %dma_start3A_545 = arith.constant 0 : i32
      %dma_start3A_546 = tpu.memref_slice %arg8[%dma_start3A_544, %dma_start3A_545] : memref<128x64xf32, #tpu.memory_space<vmem>> -> memref<1x64xf32, #tpu.memory_space<vmem>>
      %dma_start3A_547 = arith.constant 0 : i32
      %dma_start3A_548 = tpu.memref_slice %arg4[%get3A_279, %dma_start3A_547] : memref<1000000x64xf32, #tpu.memory_space<hbm>> -> memref<1x64xf32, #tpu.memory_space<hbm>>
      tpu.enqueue_dma source(%dma_start3A_548 : memref<1x64xf32, #tpu.memory_space<hbm>>) target(%dma_start3A_546 : memref<1x64xf32, #tpu.memory_space<vmem>>) target_semaphore(%arg9 : memref<!tpu.dma_semaphore, #tpu.memory_space<semaphore_mem>>)
      %dma_start3A_549 = arith.constant 39 : i32
      %dma_start3A_550 = arith.constant 0 : i32
      %dma_start3A_551 = tpu.memref_slice %arg8[%dma_start3A_549, %dma_start3A_550] : memref<128x64xf32, #tpu.memory_space<vmem>> -> memref<1x64xf32, #tpu.memory_space<vmem>>
      %dma_start3A_552 = arith.constant 0 : i32
      %dma_start3A_553 = tpu.memref_slice %arg4[%get3A_282, %dma_start3A_552] : memref<1000000x64xf32, #tpu.memory_space<hbm>> -> memref<1x64xf32, #tpu.memory_space<hbm>>
      tpu.enqueue_dma source(%dma_start3A_553 : memref<1x64xf32, #tpu.memory_space<hbm>>) target(%dma_start3A_551 : memref<1x64xf32, #tpu.memory_space<vmem>>) target_semaphore(%arg9 : memref<!tpu.dma_semaphore, #tpu.memory_space<semaphore_mem>>)
      %dma_start3A_554 = arith.constant 40 : i32
      %dma_start3A_555 = arith.constant 0 : i32
      %dma_start3A_556 = tpu.memref_slice %arg8[%dma_start3A_554, %dma_start3A_555] : memref<128x64xf32, #tpu.memory_space<vmem>> -> memref<1x64xf32, #tpu.memory_space<vmem>>
      %dma_start3A_557 = arith.constant 0 : i32
      %dma_start3A_558 = tpu.memref_slice %arg4[%get3A_285, %dma_start3A_557] : memref<1000000x64xf32, #tpu.memory_space<hbm>> -> memref<1x64xf32, #tpu.memory_space<hbm>>
      tpu.enqueue_dma source(%dma_start3A_558 : memref<1x64xf32, #tpu.memory_space<hbm>>) target(%dma_start3A_556 : memref<1x64xf32, #tpu.memory_space<vmem>>) target_semaphore(%arg9 : memref<!tpu.dma_semaphore, #tpu.memory_space<semaphore_mem>>)
      %dma_start3A_559 = arith.constant 41 : i32
      %dma_start3A_560 = arith.constant 0 : i32
      %dma_start3A_561 = tpu.memref_slice %arg8[%dma_start3A_559, %dma_start3A_560] : memref<128x64xf32, #tpu.memory_space<vmem>> -> memref<1x64xf32, #tpu.memory_space<vmem>>
      %dma_start3A_562 = arith.constant 0 : i32
      %dma_start3A_563 = tpu.memref_slice %arg4[%get3A_288, %dma_start3A_562] : memref<1000000x64xf32, #tpu.memory_space<hbm>> -> memref<1x64xf32, #tpu.memory_space<hbm>>
      tpu.enqueue_dma source(%dma_start3A_563 : memref<1x64xf32, #tpu.memory_space<hbm>>) target(%dma_start3A_561 : memref<1x64xf32, #tpu.memory_space<vmem>>) target_semaphore(%arg9 : memref<!tpu.dma_semaphore, #tpu.memory_space<semaphore_mem>>)
      %dma_start3A_564 = arith.constant 42 : i32
      %dma_start3A_565 = arith.constant 0 : i32
      %dma_start3A_566 = tpu.memref_slice %arg8[%dma_start3A_564, %dma_start3A_565] : memref<128x64xf32, #tpu.memory_space<vmem>> -> memref<1x64xf32, #tpu.memory_space<vmem>>
      %dma_start3A_567 = arith.constant 0 : i32
      %dma_start3A_568 = tpu.memref_slice %arg4[%get3A_291, %dma_start3A_567] : memref<1000000x64xf32, #tpu.memory_space<hbm>> -> memref<1x64xf32, #tpu.memory_space<hbm>>
      tpu.enqueue_dma source(%dma_start3A_568 : memref<1x64xf32, #tpu.memory_space<hbm>>) target(%dma_start3A_566 : memref<1x64xf32, #tpu.memory_space<vmem>>) target_semaphore(%arg9 : memref<!tpu.dma_semaphore, #tpu.memory_space<semaphore_mem>>)
      %dma_start3A_569 = arith.constant 43 : i32
      %dma_start3A_570 = arith.constant 0 : i32
      %dma_start3A_571 = tpu.memref_slice %arg8[%dma_start3A_569, %dma_start3A_570] : memref<128x64xf32, #tpu.memory_space<vmem>> -> memref<1x64xf32, #tpu.memory_space<vmem>>
      %dma_start3A_572 = arith.constant 0 : i32
      %dma_start3A_573 = tpu.memref_slice %arg4[%get3A_294, %dma_start3A_572] : memref<1000000x64xf32, #tpu.memory_space<hbm>> -> memref<1x64xf32, #tpu.memory_space<hbm>>
      tpu.enqueue_dma source(%dma_start3A_573 : memref<1x64xf32, #tpu.memory_space<hbm>>) target(%dma_start3A_571 : memref<1x64xf32, #tpu.memory_space<vmem>>) target_semaphore(%arg9 : memref<!tpu.dma_semaphore, #tpu.memory_space<semaphore_mem>>)
      %dma_start3A_574 = arith.constant 44 : i32
      %dma_start3A_575 = arith.constant 0 : i32
      %dma_start3A_576 = tpu.memref_slice %arg8[%dma_start3A_574, %dma_start3A_575] : memref<128x64xf32, #tpu.memory_space<vmem>> -> memref<1x64xf32, #tpu.memory_space<vmem>>
      %dma_start3A_577 = arith.constant 0 : i32
      %dma_start3A_578 = tpu.memref_slice %arg4[%get3A_297, %dma_start3A_577] : memref<1000000x64xf32, #tpu.memory_space<hbm>> -> memref<1x64xf32, #tpu.memory_space<hbm>>
      tpu.enqueue_dma source(%dma_start3A_578 : memref<1x64xf32, #tpu.memory_space<hbm>>) target(%dma_start3A_576 : memref<1x64xf32, #tpu.memory_space<vmem>>) target_semaphore(%arg9 : memref<!tpu.dma_semaphore, #tpu.memory_space<semaphore_mem>>)
      %dma_start3A_579 = arith.constant 45 : i32
      %dma_start3A_580 = arith.constant 0 : i32
      %dma_start3A_581 = tpu.memref_slice %arg8[%dma_start3A_579, %dma_start3A_580] : memref<128x64xf32, #tpu.memory_space<vmem>> -> memref<1x64xf32, #tpu.memory_space<vmem>>
      %dma_start3A_582 = arith.constant 0 : i32
      %dma_start3A_583 = tpu.memref_slice %arg4[%get3A_300, %dma_start3A_582] : memref<1000000x64xf32, #tpu.memory_space<hbm>> -> memref<1x64xf32, #tpu.memory_space<hbm>>
      tpu.enqueue_dma source(%dma_start3A_583 : memref<1x64xf32, #tpu.memory_space<hbm>>) target(%dma_start3A_581 : memref<1x64xf32, #tpu.memory_space<vmem>>) target_semaphore(%arg9 : memref<!tpu.dma_semaphore, #tpu.memory_space<semaphore_mem>>)
      %dma_start3A_584 = arith.constant 46 : i32
      %dma_start3A_585 = arith.constant 0 : i32
      %dma_start3A_586 = tpu.memref_slice %arg8[%dma_start3A_584, %dma_start3A_585] : memref<128x64xf32, #tpu.memory_space<vmem>> -> memref<1x64xf32, #tpu.memory_space<vmem>>
      %dma_start3A_587 = arith.constant 0 : i32
      %dma_start3A_588 = tpu.memref_slice %arg4[%get3A_303, %dma_start3A_587] : memref<1000000x64xf32, #tpu.memory_space<hbm>> -> memref<1x64xf32, #tpu.memory_space<hbm>>
      tpu.enqueue_dma source(%dma_start3A_588 : memref<1x64xf32, #tpu.memory_space<hbm>>) target(%dma_start3A_586 : memref<1x64xf32, #tpu.memory_space<vmem>>) target_semaphore(%arg9 : memref<!tpu.dma_semaphore, #tpu.memory_space<semaphore_mem>>)
      %dma_start3A_589 = arith.constant 47 : i32
      %dma_start3A_590 = arith.constant 0 : i32
      %dma_start3A_591 = tpu.memref_slice %arg8[%dma_start3A_589, %dma_start3A_590] : memref<128x64xf32, #tpu.memory_space<vmem>> -> memref<1x64xf32, #tpu.memory_space<vmem>>
      %dma_start3A_592 = arith.constant 0 : i32
      %dma_start3A_593 = tpu.memref_slice %arg4[%get3A_306, %dma_start3A_592] : memref<1000000x64xf32, #tpu.memory_space<hbm>> -> memref<1x64xf32, #tpu.memory_space<hbm>>
      tpu.enqueue_dma source(%dma_start3A_593 : memref<1x64xf32, #tpu.memory_space<hbm>>) target(%dma_start3A_591 : memref<1x64xf32, #tpu.memory_space<vmem>>) target_semaphore(%arg9 : memref<!tpu.dma_semaphore, #tpu.memory_space<semaphore_mem>>)
      %dma_start3A_594 = arith.constant 48 : i32
      %dma_start3A_595 = arith.constant 0 : i32
      %dma_start3A_596 = tpu.memref_slice %arg8[%dma_start3A_594, %dma_start3A_595] : memref<128x64xf32, #tpu.memory_space<vmem>> -> memref<1x64xf32, #tpu.memory_space<vmem>>
      %dma_start3A_597 = arith.constant 0 : i32
      %dma_start3A_598 = tpu.memref_slice %arg4[%get3A_309, %dma_start3A_597] : memref<1000000x64xf32, #tpu.memory_space<hbm>> -> memref<1x64xf32, #tpu.memory_space<hbm>>
      tpu.enqueue_dma source(%dma_start3A_598 : memref<1x64xf32, #tpu.memory_space<hbm>>) target(%dma_start3A_596 : memref<1x64xf32, #tpu.memory_space<vmem>>) target_semaphore(%arg9 : memref<!tpu.dma_semaphore, #tpu.memory_space<semaphore_mem>>)
      %dma_start3A_599 = arith.constant 49 : i32
      %dma_start3A_600 = arith.constant 0 : i32
      %dma_start3A_601 = tpu.memref_slice %arg8[%dma_start3A_599, %dma_start3A_600] : memref<128x64xf32, #tpu.memory_space<vmem>> -> memref<1x64xf32, #tpu.memory_space<vmem>>
      %dma_start3A_602 = arith.constant 0 : i32
      %dma_start3A_603 = tpu.memref_slice %arg4[%get3A_312, %dma_start3A_602] : memref<1000000x64xf32, #tpu.memory_space<hbm>> -> memref<1x64xf32, #tpu.memory_space<hbm>>
      tpu.enqueue_dma source(%dma_start3A_603 : memref<1x64xf32, #tpu.memory_space<hbm>>) target(%dma_start3A_601 : memref<1x64xf32, #tpu.memory_space<vmem>>) target_semaphore(%arg9 : memref<!tpu.dma_semaphore, #tpu.memory_space<semaphore_mem>>)
      %dma_start3A_604 = arith.constant 50 : i32
      %dma_start3A_605 = arith.constant 0 : i32
      %dma_start3A_606 = tpu.memref_slice %arg8[%dma_start3A_604, %dma_start3A_605] : memref<128x64xf32, #tpu.memory_space<vmem>> -> memref<1x64xf32, #tpu.memory_space<vmem>>
      %dma_start3A_607 = arith.constant 0 : i32
      %dma_start3A_608 = tpu.memref_slice %arg4[%get3A_315, %dma_start3A_607] : memref<1000000x64xf32, #tpu.memory_space<hbm>> -> memref<1x64xf32, #tpu.memory_space<hbm>>
      tpu.enqueue_dma source(%dma_start3A_608 : memref<1x64xf32, #tpu.memory_space<hbm>>) target(%dma_start3A_606 : memref<1x64xf32, #tpu.memory_space<vmem>>) target_semaphore(%arg9 : memref<!tpu.dma_semaphore, #tpu.memory_space<semaphore_mem>>)
      %dma_start3A_609 = arith.constant 51 : i32
      %dma_start3A_610 = arith.constant 0 : i32
      %dma_start3A_611 = tpu.memref_slice %arg8[%dma_start3A_609, %dma_start3A_610] : memref<128x64xf32, #tpu.memory_space<vmem>> -> memref<1x64xf32, #tpu.memory_space<vmem>>
      %dma_start3A_612 = arith.constant 0 : i32
      %dma_start3A_613 = tpu.memref_slice %arg4[%get3A_318, %dma_start3A_612] : memref<1000000x64xf32, #tpu.memory_space<hbm>> -> memref<1x64xf32, #tpu.memory_space<hbm>>
      tpu.enqueue_dma source(%dma_start3A_613 : memref<1x64xf32, #tpu.memory_space<hbm>>) target(%dma_start3A_611 : memref<1x64xf32, #tpu.memory_space<vmem>>) target_semaphore(%arg9 : memref<!tpu.dma_semaphore, #tpu.memory_space<semaphore_mem>>)
      %dma_start3A_614 = arith.constant 52 : i32
      %dma_start3A_615 = arith.constant 0 : i32
      %dma_start3A_616 = tpu.memref_slice %arg8[%dma_start3A_614, %dma_start3A_615] : memref<128x64xf32, #tpu.memory_space<vmem>> -> memref<1x64xf32, #tpu.memory_space<vmem>>
      %dma_start3A_617 = arith.constant 0 : i32
      %dma_start3A_618 = tpu.memref_slice %arg4[%get3A_321, %dma_start3A_617] : memref<1000000x64xf32, #tpu.memory_space<hbm>> -> memref<1x64xf32, #tpu.memory_space<hbm>>
      tpu.enqueue_dma source(%dma_start3A_618 : memref<1x64xf32, #tpu.memory_space<hbm>>) target(%dma_start3A_616 : memref<1x64xf32, #tpu.memory_space<vmem>>) target_semaphore(%arg9 : memref<!tpu.dma_semaphore, #tpu.memory_space<semaphore_mem>>)
      %dma_start3A_619 = arith.constant 53 : i32
      %dma_start3A_620 = arith.constant 0 : i32
      %dma_start3A_621 = tpu.memref_slice %arg8[%dma_start3A_619, %dma_start3A_620] : memref<128x64xf32, #tpu.memory_space<vmem>> -> memref<1x64xf32, #tpu.memory_space<vmem>>
      %dma_start3A_622 = arith.constant 0 : i32
      %dma_start3A_623 = tpu.memref_slice %arg4[%get3A_324, %dma_start3A_622] : memref<1000000x64xf32, #tpu.memory_space<hbm>> -> memref<1x64xf32, #tpu.memory_space<hbm>>
      tpu.enqueue_dma source(%dma_start3A_623 : memref<1x64xf32, #tpu.memory_space<hbm>>) target(%dma_start3A_621 : memref<1x64xf32, #tpu.memory_space<vmem>>) target_semaphore(%arg9 : memref<!tpu.dma_semaphore, #tpu.memory_space<semaphore_mem>>)
      %dma_start3A_624 = arith.constant 54 : i32
      %dma_start3A_625 = arith.constant 0 : i32
      %dma_start3A_626 = tpu.memref_slice %arg8[%dma_start3A_624, %dma_start3A_625] : memref<128x64xf32, #tpu.memory_space<vmem>> -> memref<1x64xf32, #tpu.memory_space<vmem>>
      %dma_start3A_627 = arith.constant 0 : i32
      %dma_start3A_628 = tpu.memref_slice %arg4[%get3A_327, %dma_start3A_627] : memref<1000000x64xf32, #tpu.memory_space<hbm>> -> memref<1x64xf32, #tpu.memory_space<hbm>>
      tpu.enqueue_dma source(%dma_start3A_628 : memref<1x64xf32, #tpu.memory_space<hbm>>) target(%dma_start3A_626 : memref<1x64xf32, #tpu.memory_space<vmem>>) target_semaphore(%arg9 : memref<!tpu.dma_semaphore, #tpu.memory_space<semaphore_mem>>)
      %dma_start3A_629 = arith.constant 55 : i32
      %dma_start3A_630 = arith.constant 0 : i32
      %dma_start3A_631 = tpu.memref_slice %arg8[%dma_start3A_629, %dma_start3A_630] : memref<128x64xf32, #tpu.memory_space<vmem>> -> memref<1x64xf32, #tpu.memory_space<vmem>>
      %dma_start3A_632 = arith.constant 0 : i32
      %dma_start3A_633 = tpu.memref_slice %arg4[%get3A_330, %dma_start3A_632] : memref<1000000x64xf32, #tpu.memory_space<hbm>> -> memref<1x64xf32, #tpu.memory_space<hbm>>
      tpu.enqueue_dma source(%dma_start3A_633 : memref<1x64xf32, #tpu.memory_space<hbm>>) target(%dma_start3A_631 : memref<1x64xf32, #tpu.memory_space<vmem>>) target_semaphore(%arg9 : memref<!tpu.dma_semaphore, #tpu.memory_space<semaphore_mem>>)
      %dma_start3A_634 = arith.constant 56 : i32
      %dma_start3A_635 = arith.constant 0 : i32
      %dma_start3A_636 = tpu.memref_slice %arg8[%dma_start3A_634, %dma_start3A_635] : memref<128x64xf32, #tpu.memory_space<vmem>> -> memref<1x64xf32, #tpu.memory_space<vmem>>
      %dma_start3A_637 = arith.constant 0 : i32
      %dma_start3A_638 = tpu.memref_slice %arg4[%get3A_333, %dma_start3A_637] : memref<1000000x64xf32, #tpu.memory_space<hbm>> -> memref<1x64xf32, #tpu.memory_space<hbm>>
      tpu.enqueue_dma source(%dma_start3A_638 : memref<1x64xf32, #tpu.memory_space<hbm>>) target(%dma_start3A_636 : memref<1x64xf32, #tpu.memory_space<vmem>>) target_semaphore(%arg9 : memref<!tpu.dma_semaphore, #tpu.memory_space<semaphore_mem>>)
      %dma_start3A_639 = arith.constant 57 : i32
      %dma_start3A_640 = arith.constant 0 : i32
      %dma_start3A_641 = tpu.memref_slice %arg8[%dma_start3A_639, %dma_start3A_640] : memref<128x64xf32, #tpu.memory_space<vmem>> -> memref<1x64xf32, #tpu.memory_space<vmem>>
      %dma_start3A_642 = arith.constant 0 : i32
      %dma_start3A_643 = tpu.memref_slice %arg4[%get3A_336, %dma_start3A_642] : memref<1000000x64xf32, #tpu.memory_space<hbm>> -> memref<1x64xf32, #tpu.memory_space<hbm>>
      tpu.enqueue_dma source(%dma_start3A_643 : memref<1x64xf32, #tpu.memory_space<hbm>>) target(%dma_start3A_641 : memref<1x64xf32, #tpu.memory_space<vmem>>) target_semaphore(%arg9 : memref<!tpu.dma_semaphore, #tpu.memory_space<semaphore_mem>>)
      %dma_start3A_644 = arith.constant 58 : i32
      %dma_start3A_645 = arith.constant 0 : i32
      %dma_start3A_646 = tpu.memref_slice %arg8[%dma_start3A_644, %dma_start3A_645] : memref<128x64xf32, #tpu.memory_space<vmem>> -> memref<1x64xf32, #tpu.memory_space<vmem>>
      %dma_start3A_647 = arith.constant 0 : i32
      %dma_start3A_648 = tpu.memref_slice %arg4[%get3A_339, %dma_start3A_647] : memref<1000000x64xf32, #tpu.memory_space<hbm>> -> memref<1x64xf32, #tpu.memory_space<hbm>>
      tpu.enqueue_dma source(%dma_start3A_648 : memref<1x64xf32, #tpu.memory_space<hbm>>) target(%dma_start3A_646 : memref<1x64xf32, #tpu.memory_space<vmem>>) target_semaphore(%arg9 : memref<!tpu.dma_semaphore, #tpu.memory_space<semaphore_mem>>)
      %dma_start3A_649 = arith.constant 59 : i32
      %dma_start3A_650 = arith.constant 0 : i32
      %dma_start3A_651 = tpu.memref_slice %arg8[%dma_start3A_649, %dma_start3A_650] : memref<128x64xf32, #tpu.memory_space<vmem>> -> memref<1x64xf32, #tpu.memory_space<vmem>>
      %dma_start3A_652 = arith.constant 0 : i32
      %dma_start3A_653 = tpu.memref_slice %arg4[%get3A_342, %dma_start3A_652] : memref<1000000x64xf32, #tpu.memory_space<hbm>> -> memref<1x64xf32, #tpu.memory_space<hbm>>
      tpu.enqueue_dma source(%dma_start3A_653 : memref<1x64xf32, #tpu.memory_space<hbm>>) target(%dma_start3A_651 : memref<1x64xf32, #tpu.memory_space<vmem>>) target_semaphore(%arg9 : memref<!tpu.dma_semaphore, #tpu.memory_space<semaphore_mem>>)
      %dma_start3A_654 = arith.constant 60 : i32
      %dma_start3A_655 = arith.constant 0 : i32
      %dma_start3A_656 = tpu.memref_slice %arg8[%dma_start3A_654, %dma_start3A_655] : memref<128x64xf32, #tpu.memory_space<vmem>> -> memref<1x64xf32, #tpu.memory_space<vmem>>
      %dma_start3A_657 = arith.constant 0 : i32
      %dma_start3A_658 = tpu.memref_slice %arg4[%get3A_345, %dma_start3A_657] : memref<1000000x64xf32, #tpu.memory_space<hbm>> -> memref<1x64xf32, #tpu.memory_space<hbm>>
      tpu.enqueue_dma source(%dma_start3A_658 : memref<1x64xf32, #tpu.memory_space<hbm>>) target(%dma_start3A_656 : memref<1x64xf32, #tpu.memory_space<vmem>>) target_semaphore(%arg9 : memref<!tpu.dma_semaphore, #tpu.memory_space<semaphore_mem>>)
      %dma_start3A_659 = arith.constant 61 : i32
      %dma_start3A_660 = arith.constant 0 : i32
      %dma_start3A_661 = tpu.memref_slice %arg8[%dma_start3A_659, %dma_start3A_660] : memref<128x64xf32, #tpu.memory_space<vmem>> -> memref<1x64xf32, #tpu.memory_space<vmem>>
      %dma_start3A_662 = arith.constant 0 : i32
      %dma_start3A_663 = tpu.memref_slice %arg4[%get3A_348, %dma_start3A_662] : memref<1000000x64xf32, #tpu.memory_space<hbm>> -> memref<1x64xf32, #tpu.memory_space<hbm>>
      tpu.enqueue_dma source(%dma_start3A_663 : memref<1x64xf32, #tpu.memory_space<hbm>>) target(%dma_start3A_661 : memref<1x64xf32, #tpu.memory_space<vmem>>) target_semaphore(%arg9 : memref<!tpu.dma_semaphore, #tpu.memory_space<semaphore_mem>>)
      %dma_start3A_664 = arith.constant 62 : i32
      %dma_start3A_665 = arith.constant 0 : i32
      %dma_start3A_666 = tpu.memref_slice %arg8[%dma_start3A_664, %dma_start3A_665] : memref<128x64xf32, #tpu.memory_space<vmem>> -> memref<1x64xf32, #tpu.memory_space<vmem>>
      %dma_start3A_667 = arith.constant 0 : i32
      %dma_start3A_668 = tpu.memref_slice %arg4[%get3A_351, %dma_start3A_667] : memref<1000000x64xf32, #tpu.memory_space<hbm>> -> memref<1x64xf32, #tpu.memory_space<hbm>>
      tpu.enqueue_dma source(%dma_start3A_668 : memref<1x64xf32, #tpu.memory_space<hbm>>) target(%dma_start3A_666 : memref<1x64xf32, #tpu.memory_space<vmem>>) target_semaphore(%arg9 : memref<!tpu.dma_semaphore, #tpu.memory_space<semaphore_mem>>)
      %dma_start3A_669 = arith.constant 63 : i32
      %dma_start3A_670 = arith.constant 0 : i32
      %dma_start3A_671 = tpu.memref_slice %arg8[%dma_start3A_669, %dma_start3A_670] : memref<128x64xf32, #tpu.memory_space<vmem>> -> memref<1x64xf32, #tpu.memory_space<vmem>>
      %dma_start3A_672 = arith.constant 0 : i32
      %dma_start3A_673 = tpu.memref_slice %arg4[%get3A_354, %dma_start3A_672] : memref<1000000x64xf32, #tpu.memory_space<hbm>> -> memref<1x64xf32, #tpu.memory_space<hbm>>
      tpu.enqueue_dma source(%dma_start3A_673 : memref<1x64xf32, #tpu.memory_space<hbm>>) target(%dma_start3A_671 : memref<1x64xf32, #tpu.memory_space<vmem>>) target_semaphore(%arg9 : memref<!tpu.dma_semaphore, #tpu.memory_space<semaphore_mem>>)
      %dma_wait3A = arith.constant 0 : i32
      %dma_wait3A_674 = arith.constant 0 : i32
      %dma_wait3A_675 = tpu.memref_slice %arg8[%dma_wait3A, %dma_wait3A_674] : memref<128x64xf32, #tpu.memory_space<vmem>> -> memref<1x64xf32, #tpu.memory_space<vmem>>
      %dma_wait3A_676 = arith.constant 0 : i32
      %dma_wait3A_677 = tpu.memref_slice %arg4[%get3A_165, %dma_wait3A_676] : memref<1000000x64xf32, #tpu.memory_space<hbm>> -> memref<1x64xf32, #tpu.memory_space<hbm>>
      tpu.wait_dma2 semaphore(%arg9 : memref<!tpu.dma_semaphore, #tpu.memory_space<semaphore_mem>>) src(%dma_wait3A_677 : memref<1x64xf32, #tpu.memory_space<hbm>>) dst(%dma_wait3A_675 : memref<1x64xf32, #tpu.memory_space<vmem>>)
      %dma_wait3A_678 = arith.constant 1 : i32
      %dma_wait3A_679 = arith.constant 0 : i32
      %dma_wait3A_680 = tpu.memref_slice %arg8[%dma_wait3A_678, %dma_wait3A_679] : memref<128x64xf32, #tpu.memory_space<vmem>> -> memref<1x64xf32, #tpu.memory_space<vmem>>
      %dma_wait3A_681 = arith.constant 0 : i32
      %dma_wait3A_682 = tpu.memref_slice %arg4[%get3A_168, %dma_wait3A_681] : memref<1000000x64xf32, #tpu.memory_space<hbm>> -> memref<1x64xf32, #tpu.memory_space<hbm>>
      tpu.wait_dma2 semaphore(%arg9 : memref<!tpu.dma_semaphore, #tpu.memory_space<semaphore_mem>>) src(%dma_wait3A_682 : memref<1x64xf32, #tpu.memory_space<hbm>>) dst(%dma_wait3A_680 : memref<1x64xf32, #tpu.memory_space<vmem>>)
      %dma_wait3A_683 = arith.constant 2 : i32
      %dma_wait3A_684 = arith.constant 0 : i32
      %dma_wait3A_685 = tpu.memref_slice %arg8[%dma_wait3A_683, %dma_wait3A_684] : memref<128x64xf32, #tpu.memory_space<vmem>> -> memref<1x64xf32, #tpu.memory_space<vmem>>
      %dma_wait3A_686 = arith.constant 0 : i32
      %dma_wait3A_687 = tpu.memref_slice %arg4[%get3A_171, %dma_wait3A_686] : memref<1000000x64xf32, #tpu.memory_space<hbm>> -> memref<1x64xf32, #tpu.memory_space<hbm>>
      tpu.wait_dma2 semaphore(%arg9 : memref<!tpu.dma_semaphore, #tpu.memory_space<semaphore_mem>>) src(%dma_wait3A_687 : memref<1x64xf32, #tpu.memory_space<hbm>>) dst(%dma_wait3A_685 : memref<1x64xf32, #tpu.memory_space<vmem>>)
      %dma_wait3A_688 = arith.constant 3 : i32
      %dma_wait3A_689 = arith.constant 0 : i32
      %dma_wait3A_690 = tpu.memref_slice %arg8[%dma_wait3A_688, %dma_wait3A_689] : memref<128x64xf32, #tpu.memory_space<vmem>> -> memref<1x64xf32, #tpu.memory_space<vmem>>
      %dma_wait3A_691 = arith.constant 0 : i32
      %dma_wait3A_692 = tpu.memref_slice %arg4[%get3A_174, %dma_wait3A_691] : memref<1000000x64xf32, #tpu.memory_space<hbm>> -> memref<1x64xf32, #tpu.memory_space<hbm>>
      tpu.wait_dma2 semaphore(%arg9 : memref<!tpu.dma_semaphore, #tpu.memory_space<semaphore_mem>>) src(%dma_wait3A_692 : memref<1x64xf32, #tpu.memory_space<hbm>>) dst(%dma_wait3A_690 : memref<1x64xf32, #tpu.memory_space<vmem>>)
      %dma_wait3A_693 = arith.constant 4 : i32
      %dma_wait3A_694 = arith.constant 0 : i32
      %dma_wait3A_695 = tpu.memref_slice %arg8[%dma_wait3A_693, %dma_wait3A_694] : memref<128x64xf32, #tpu.memory_space<vmem>> -> memref<1x64xf32, #tpu.memory_space<vmem>>
      %dma_wait3A_696 = arith.constant 0 : i32
      %dma_wait3A_697 = tpu.memref_slice %arg4[%get3A_177, %dma_wait3A_696] : memref<1000000x64xf32, #tpu.memory_space<hbm>> -> memref<1x64xf32, #tpu.memory_space<hbm>>
      tpu.wait_dma2 semaphore(%arg9 : memref<!tpu.dma_semaphore, #tpu.memory_space<semaphore_mem>>) src(%dma_wait3A_697 : memref<1x64xf32, #tpu.memory_space<hbm>>) dst(%dma_wait3A_695 : memref<1x64xf32, #tpu.memory_space<vmem>>)
      %dma_wait3A_698 = arith.constant 5 : i32
      %dma_wait3A_699 = arith.constant 0 : i32
      %dma_wait3A_700 = tpu.memref_slice %arg8[%dma_wait3A_698, %dma_wait3A_699] : memref<128x64xf32, #tpu.memory_space<vmem>> -> memref<1x64xf32, #tpu.memory_space<vmem>>
      %dma_wait3A_701 = arith.constant 0 : i32
      %dma_wait3A_702 = tpu.memref_slice %arg4[%get3A_180, %dma_wait3A_701] : memref<1000000x64xf32, #tpu.memory_space<hbm>> -> memref<1x64xf32, #tpu.memory_space<hbm>>
      tpu.wait_dma2 semaphore(%arg9 : memref<!tpu.dma_semaphore, #tpu.memory_space<semaphore_mem>>) src(%dma_wait3A_702 : memref<1x64xf32, #tpu.memory_space<hbm>>) dst(%dma_wait3A_700 : memref<1x64xf32, #tpu.memory_space<vmem>>)
      %dma_wait3A_703 = arith.constant 6 : i32
      %dma_wait3A_704 = arith.constant 0 : i32
      %dma_wait3A_705 = tpu.memref_slice %arg8[%dma_wait3A_703, %dma_wait3A_704] : memref<128x64xf32, #tpu.memory_space<vmem>> -> memref<1x64xf32, #tpu.memory_space<vmem>>
      %dma_wait3A_706 = arith.constant 0 : i32
      %dma_wait3A_707 = tpu.memref_slice %arg4[%get3A_183, %dma_wait3A_706] : memref<1000000x64xf32, #tpu.memory_space<hbm>> -> memref<1x64xf32, #tpu.memory_space<hbm>>
      tpu.wait_dma2 semaphore(%arg9 : memref<!tpu.dma_semaphore, #tpu.memory_space<semaphore_mem>>) src(%dma_wait3A_707 : memref<1x64xf32, #tpu.memory_space<hbm>>) dst(%dma_wait3A_705 : memref<1x64xf32, #tpu.memory_space<vmem>>)
      %dma_wait3A_708 = arith.constant 7 : i32
      %dma_wait3A_709 = arith.constant 0 : i32
      %dma_wait3A_710 = tpu.memref_slice %arg8[%dma_wait3A_708, %dma_wait3A_709] : memref<128x64xf32, #tpu.memory_space<vmem>> -> memref<1x64xf32, #tpu.memory_space<vmem>>
      %dma_wait3A_711 = arith.constant 0 : i32
      %dma_wait3A_712 = tpu.memref_slice %arg4[%get3A_186, %dma_wait3A_711] : memref<1000000x64xf32, #tpu.memory_space<hbm>> -> memref<1x64xf32, #tpu.memory_space<hbm>>
      tpu.wait_dma2 semaphore(%arg9 : memref<!tpu.dma_semaphore, #tpu.memory_space<semaphore_mem>>) src(%dma_wait3A_712 : memref<1x64xf32, #tpu.memory_space<hbm>>) dst(%dma_wait3A_710 : memref<1x64xf32, #tpu.memory_space<vmem>>)
      %dma_wait3A_713 = arith.constant 8 : i32
      %dma_wait3A_714 = arith.constant 0 : i32
      %dma_wait3A_715 = tpu.memref_slice %arg8[%dma_wait3A_713, %dma_wait3A_714] : memref<128x64xf32, #tpu.memory_space<vmem>> -> memref<1x64xf32, #tpu.memory_space<vmem>>
      %dma_wait3A_716 = arith.constant 0 : i32
      %dma_wait3A_717 = tpu.memref_slice %arg4[%get3A_189, %dma_wait3A_716] : memref<1000000x64xf32, #tpu.memory_space<hbm>> -> memref<1x64xf32, #tpu.memory_space<hbm>>
      tpu.wait_dma2 semaphore(%arg9 : memref<!tpu.dma_semaphore, #tpu.memory_space<semaphore_mem>>) src(%dma_wait3A_717 : memref<1x64xf32, #tpu.memory_space<hbm>>) dst(%dma_wait3A_715 : memref<1x64xf32, #tpu.memory_space<vmem>>)
      %dma_wait3A_718 = arith.constant 9 : i32
      %dma_wait3A_719 = arith.constant 0 : i32
      %dma_wait3A_720 = tpu.memref_slice %arg8[%dma_wait3A_718, %dma_wait3A_719] : memref<128x64xf32, #tpu.memory_space<vmem>> -> memref<1x64xf32, #tpu.memory_space<vmem>>
      %dma_wait3A_721 = arith.constant 0 : i32
      %dma_wait3A_722 = tpu.memref_slice %arg4[%get3A_192, %dma_wait3A_721] : memref<1000000x64xf32, #tpu.memory_space<hbm>> -> memref<1x64xf32, #tpu.memory_space<hbm>>
      tpu.wait_dma2 semaphore(%arg9 : memref<!tpu.dma_semaphore, #tpu.memory_space<semaphore_mem>>) src(%dma_wait3A_722 : memref<1x64xf32, #tpu.memory_space<hbm>>) dst(%dma_wait3A_720 : memref<1x64xf32, #tpu.memory_space<vmem>>)
      %dma_wait3A_723 = arith.constant 10 : i32
      %dma_wait3A_724 = arith.constant 0 : i32
      %dma_wait3A_725 = tpu.memref_slice %arg8[%dma_wait3A_723, %dma_wait3A_724] : memref<128x64xf32, #tpu.memory_space<vmem>> -> memref<1x64xf32, #tpu.memory_space<vmem>>
      %dma_wait3A_726 = arith.constant 0 : i32
      %dma_wait3A_727 = tpu.memref_slice %arg4[%get3A_195, %dma_wait3A_726] : memref<1000000x64xf32, #tpu.memory_space<hbm>> -> memref<1x64xf32, #tpu.memory_space<hbm>>
      tpu.wait_dma2 semaphore(%arg9 : memref<!tpu.dma_semaphore, #tpu.memory_space<semaphore_mem>>) src(%dma_wait3A_727 : memref<1x64xf32, #tpu.memory_space<hbm>>) dst(%dma_wait3A_725 : memref<1x64xf32, #tpu.memory_space<vmem>>)
      %dma_wait3A_728 = arith.constant 11 : i32
      %dma_wait3A_729 = arith.constant 0 : i32
      %dma_wait3A_730 = tpu.memref_slice %arg8[%dma_wait3A_728, %dma_wait3A_729] : memref<128x64xf32, #tpu.memory_space<vmem>> -> memref<1x64xf32, #tpu.memory_space<vmem>>
      %dma_wait3A_731 = arith.constant 0 : i32
      %dma_wait3A_732 = tpu.memref_slice %arg4[%get3A_198, %dma_wait3A_731] : memref<1000000x64xf32, #tpu.memory_space<hbm>> -> memref<1x64xf32, #tpu.memory_space<hbm>>
      tpu.wait_dma2 semaphore(%arg9 : memref<!tpu.dma_semaphore, #tpu.memory_space<semaphore_mem>>) src(%dma_wait3A_732 : memref<1x64xf32, #tpu.memory_space<hbm>>) dst(%dma_wait3A_730 : memref<1x64xf32, #tpu.memory_space<vmem>>)
      %dma_wait3A_733 = arith.constant 12 : i32
      %dma_wait3A_734 = arith.constant 0 : i32
      %dma_wait3A_735 = tpu.memref_slice %arg8[%dma_wait3A_733, %dma_wait3A_734] : memref<128x64xf32, #tpu.memory_space<vmem>> -> memref<1x64xf32, #tpu.memory_space<vmem>>
      %dma_wait3A_736 = arith.constant 0 : i32
      %dma_wait3A_737 = tpu.memref_slice %arg4[%get3A_201, %dma_wait3A_736] : memref<1000000x64xf32, #tpu.memory_space<hbm>> -> memref<1x64xf32, #tpu.memory_space<hbm>>
      tpu.wait_dma2 semaphore(%arg9 : memref<!tpu.dma_semaphore, #tpu.memory_space<semaphore_mem>>) src(%dma_wait3A_737 : memref<1x64xf32, #tpu.memory_space<hbm>>) dst(%dma_wait3A_735 : memref<1x64xf32, #tpu.memory_space<vmem>>)
      %dma_wait3A_738 = arith.constant 13 : i32
      %dma_wait3A_739 = arith.constant 0 : i32
      %dma_wait3A_740 = tpu.memref_slice %arg8[%dma_wait3A_738, %dma_wait3A_739] : memref<128x64xf32, #tpu.memory_space<vmem>> -> memref<1x64xf32, #tpu.memory_space<vmem>>
      %dma_wait3A_741 = arith.constant 0 : i32
      %dma_wait3A_742 = tpu.memref_slice %arg4[%get3A_204, %dma_wait3A_741] : memref<1000000x64xf32, #tpu.memory_space<hbm>> -> memref<1x64xf32, #tpu.memory_space<hbm>>
      tpu.wait_dma2 semaphore(%arg9 : memref<!tpu.dma_semaphore, #tpu.memory_space<semaphore_mem>>) src(%dma_wait3A_742 : memref<1x64xf32, #tpu.memory_space<hbm>>) dst(%dma_wait3A_740 : memref<1x64xf32, #tpu.memory_space<vmem>>)
      %dma_wait3A_743 = arith.constant 14 : i32
      %dma_wait3A_744 = arith.constant 0 : i32
      %dma_wait3A_745 = tpu.memref_slice %arg8[%dma_wait3A_743, %dma_wait3A_744] : memref<128x64xf32, #tpu.memory_space<vmem>> -> memref<1x64xf32, #tpu.memory_space<vmem>>
      %dma_wait3A_746 = arith.constant 0 : i32
      %dma_wait3A_747 = tpu.memref_slice %arg4[%get3A_207, %dma_wait3A_746] : memref<1000000x64xf32, #tpu.memory_space<hbm>> -> memref<1x64xf32, #tpu.memory_space<hbm>>
      tpu.wait_dma2 semaphore(%arg9 : memref<!tpu.dma_semaphore, #tpu.memory_space<semaphore_mem>>) src(%dma_wait3A_747 : memref<1x64xf32, #tpu.memory_space<hbm>>) dst(%dma_wait3A_745 : memref<1x64xf32, #tpu.memory_space<vmem>>)
      %dma_wait3A_748 = arith.constant 15 : i32
      %dma_wait3A_749 = arith.constant 0 : i32
      %dma_wait3A_750 = tpu.memref_slice %arg8[%dma_wait3A_748, %dma_wait3A_749] : memref<128x64xf32, #tpu.memory_space<vmem>> -> memref<1x64xf32, #tpu.memory_space<vmem>>
      %dma_wait3A_751 = arith.constant 0 : i32
      %dma_wait3A_752 = tpu.memref_slice %arg4[%get3A_210, %dma_wait3A_751] : memref<1000000x64xf32, #tpu.memory_space<hbm>> -> memref<1x64xf32, #tpu.memory_space<hbm>>
      tpu.wait_dma2 semaphore(%arg9 : memref<!tpu.dma_semaphore, #tpu.memory_space<semaphore_mem>>) src(%dma_wait3A_752 : memref<1x64xf32, #tpu.memory_space<hbm>>) dst(%dma_wait3A_750 : memref<1x64xf32, #tpu.memory_space<vmem>>)
      %dma_wait3A_753 = arith.constant 16 : i32
      %dma_wait3A_754 = arith.constant 0 : i32
      %dma_wait3A_755 = tpu.memref_slice %arg8[%dma_wait3A_753, %dma_wait3A_754] : memref<128x64xf32, #tpu.memory_space<vmem>> -> memref<1x64xf32, #tpu.memory_space<vmem>>
      %dma_wait3A_756 = arith.constant 0 : i32
      %dma_wait3A_757 = tpu.memref_slice %arg4[%get3A_213, %dma_wait3A_756] : memref<1000000x64xf32, #tpu.memory_space<hbm>> -> memref<1x64xf32, #tpu.memory_space<hbm>>
      tpu.wait_dma2 semaphore(%arg9 : memref<!tpu.dma_semaphore, #tpu.memory_space<semaphore_mem>>) src(%dma_wait3A_757 : memref<1x64xf32, #tpu.memory_space<hbm>>) dst(%dma_wait3A_755 : memref<1x64xf32, #tpu.memory_space<vmem>>)
      %dma_wait3A_758 = arith.constant 17 : i32
      %dma_wait3A_759 = arith.constant 0 : i32
      %dma_wait3A_760 = tpu.memref_slice %arg8[%dma_wait3A_758, %dma_wait3A_759] : memref<128x64xf32, #tpu.memory_space<vmem>> -> memref<1x64xf32, #tpu.memory_space<vmem>>
      %dma_wait3A_761 = arith.constant 0 : i32
      %dma_wait3A_762 = tpu.memref_slice %arg4[%get3A_216, %dma_wait3A_761] : memref<1000000x64xf32, #tpu.memory_space<hbm>> -> memref<1x64xf32, #tpu.memory_space<hbm>>
      tpu.wait_dma2 semaphore(%arg9 : memref<!tpu.dma_semaphore, #tpu.memory_space<semaphore_mem>>) src(%dma_wait3A_762 : memref<1x64xf32, #tpu.memory_space<hbm>>) dst(%dma_wait3A_760 : memref<1x64xf32, #tpu.memory_space<vmem>>)
      %dma_wait3A_763 = arith.constant 18 : i32
      %dma_wait3A_764 = arith.constant 0 : i32
      %dma_wait3A_765 = tpu.memref_slice %arg8[%dma_wait3A_763, %dma_wait3A_764] : memref<128x64xf32, #tpu.memory_space<vmem>> -> memref<1x64xf32, #tpu.memory_space<vmem>>
      %dma_wait3A_766 = arith.constant 0 : i32
      %dma_wait3A_767 = tpu.memref_slice %arg4[%get3A_219, %dma_wait3A_766] : memref<1000000x64xf32, #tpu.memory_space<hbm>> -> memref<1x64xf32, #tpu.memory_space<hbm>>
      tpu.wait_dma2 semaphore(%arg9 : memref<!tpu.dma_semaphore, #tpu.memory_space<semaphore_mem>>) src(%dma_wait3A_767 : memref<1x64xf32, #tpu.memory_space<hbm>>) dst(%dma_wait3A_765 : memref<1x64xf32, #tpu.memory_space<vmem>>)
      %dma_wait3A_768 = arith.constant 19 : i32
      %dma_wait3A_769 = arith.constant 0 : i32
      %dma_wait3A_770 = tpu.memref_slice %arg8[%dma_wait3A_768, %dma_wait3A_769] : memref<128x64xf32, #tpu.memory_space<vmem>> -> memref<1x64xf32, #tpu.memory_space<vmem>>
      %dma_wait3A_771 = arith.constant 0 : i32
      %dma_wait3A_772 = tpu.memref_slice %arg4[%get3A_222, %dma_wait3A_771] : memref<1000000x64xf32, #tpu.memory_space<hbm>> -> memref<1x64xf32, #tpu.memory_space<hbm>>
      tpu.wait_dma2 semaphore(%arg9 : memref<!tpu.dma_semaphore, #tpu.memory_space<semaphore_mem>>) src(%dma_wait3A_772 : memref<1x64xf32, #tpu.memory_space<hbm>>) dst(%dma_wait3A_770 : memref<1x64xf32, #tpu.memory_space<vmem>>)
      %dma_wait3A_773 = arith.constant 20 : i32
      %dma_wait3A_774 = arith.constant 0 : i32
      %dma_wait3A_775 = tpu.memref_slice %arg8[%dma_wait3A_773, %dma_wait3A_774] : memref<128x64xf32, #tpu.memory_space<vmem>> -> memref<1x64xf32, #tpu.memory_space<vmem>>
      %dma_wait3A_776 = arith.constant 0 : i32
      %dma_wait3A_777 = tpu.memref_slice %arg4[%get3A_225, %dma_wait3A_776] : memref<1000000x64xf32, #tpu.memory_space<hbm>> -> memref<1x64xf32, #tpu.memory_space<hbm>>
      tpu.wait_dma2 semaphore(%arg9 : memref<!tpu.dma_semaphore, #tpu.memory_space<semaphore_mem>>) src(%dma_wait3A_777 : memref<1x64xf32, #tpu.memory_space<hbm>>) dst(%dma_wait3A_775 : memref<1x64xf32, #tpu.memory_space<vmem>>)
      %dma_wait3A_778 = arith.constant 21 : i32
      %dma_wait3A_779 = arith.constant 0 : i32
      %dma_wait3A_780 = tpu.memref_slice %arg8[%dma_wait3A_778, %dma_wait3A_779] : memref<128x64xf32, #tpu.memory_space<vmem>> -> memref<1x64xf32, #tpu.memory_space<vmem>>
      %dma_wait3A_781 = arith.constant 0 : i32
      %dma_wait3A_782 = tpu.memref_slice %arg4[%get3A_228, %dma_wait3A_781] : memref<1000000x64xf32, #tpu.memory_space<hbm>> -> memref<1x64xf32, #tpu.memory_space<hbm>>
      tpu.wait_dma2 semaphore(%arg9 : memref<!tpu.dma_semaphore, #tpu.memory_space<semaphore_mem>>) src(%dma_wait3A_782 : memref<1x64xf32, #tpu.memory_space<hbm>>) dst(%dma_wait3A_780 : memref<1x64xf32, #tpu.memory_space<vmem>>)
      %dma_wait3A_783 = arith.constant 22 : i32
      %dma_wait3A_784 = arith.constant 0 : i32
      %dma_wait3A_785 = tpu.memref_slice %arg8[%dma_wait3A_783, %dma_wait3A_784] : memref<128x64xf32, #tpu.memory_space<vmem>> -> memref<1x64xf32, #tpu.memory_space<vmem>>
      %dma_wait3A_786 = arith.constant 0 : i32
      %dma_wait3A_787 = tpu.memref_slice %arg4[%get3A_231, %dma_wait3A_786] : memref<1000000x64xf32, #tpu.memory_space<hbm>> -> memref<1x64xf32, #tpu.memory_space<hbm>>
      tpu.wait_dma2 semaphore(%arg9 : memref<!tpu.dma_semaphore, #tpu.memory_space<semaphore_mem>>) src(%dma_wait3A_787 : memref<1x64xf32, #tpu.memory_space<hbm>>) dst(%dma_wait3A_785 : memref<1x64xf32, #tpu.memory_space<vmem>>)
      %dma_wait3A_788 = arith.constant 23 : i32
      %dma_wait3A_789 = arith.constant 0 : i32
      %dma_wait3A_790 = tpu.memref_slice %arg8[%dma_wait3A_788, %dma_wait3A_789] : memref<128x64xf32, #tpu.memory_space<vmem>> -> memref<1x64xf32, #tpu.memory_space<vmem>>
      %dma_wait3A_791 = arith.constant 0 : i32
      %dma_wait3A_792 = tpu.memref_slice %arg4[%get3A_234, %dma_wait3A_791] : memref<1000000x64xf32, #tpu.memory_space<hbm>> -> memref<1x64xf32, #tpu.memory_space<hbm>>
      tpu.wait_dma2 semaphore(%arg9 : memref<!tpu.dma_semaphore, #tpu.memory_space<semaphore_mem>>) src(%dma_wait3A_792 : memref<1x64xf32, #tpu.memory_space<hbm>>) dst(%dma_wait3A_790 : memref<1x64xf32, #tpu.memory_space<vmem>>)
      %dma_wait3A_793 = arith.constant 24 : i32
      %dma_wait3A_794 = arith.constant 0 : i32
      %dma_wait3A_795 = tpu.memref_slice %arg8[%dma_wait3A_793, %dma_wait3A_794] : memref<128x64xf32, #tpu.memory_space<vmem>> -> memref<1x64xf32, #tpu.memory_space<vmem>>
      %dma_wait3A_796 = arith.constant 0 : i32
      %dma_wait3A_797 = tpu.memref_slice %arg4[%get3A_237, %dma_wait3A_796] : memref<1000000x64xf32, #tpu.memory_space<hbm>> -> memref<1x64xf32, #tpu.memory_space<hbm>>
      tpu.wait_dma2 semaphore(%arg9 : memref<!tpu.dma_semaphore, #tpu.memory_space<semaphore_mem>>) src(%dma_wait3A_797 : memref<1x64xf32, #tpu.memory_space<hbm>>) dst(%dma_wait3A_795 : memref<1x64xf32, #tpu.memory_space<vmem>>)
      %dma_wait3A_798 = arith.constant 25 : i32
      %dma_wait3A_799 = arith.constant 0 : i32
      %dma_wait3A_800 = tpu.memref_slice %arg8[%dma_wait3A_798, %dma_wait3A_799] : memref<128x64xf32, #tpu.memory_space<vmem>> -> memref<1x64xf32, #tpu.memory_space<vmem>>
      %dma_wait3A_801 = arith.constant 0 : i32
      %dma_wait3A_802 = tpu.memref_slice %arg4[%get3A_240, %dma_wait3A_801] : memref<1000000x64xf32, #tpu.memory_space<hbm>> -> memref<1x64xf32, #tpu.memory_space<hbm>>
      tpu.wait_dma2 semaphore(%arg9 : memref<!tpu.dma_semaphore, #tpu.memory_space<semaphore_mem>>) src(%dma_wait3A_802 : memref<1x64xf32, #tpu.memory_space<hbm>>) dst(%dma_wait3A_800 : memref<1x64xf32, #tpu.memory_space<vmem>>)
      %dma_wait3A_803 = arith.constant 26 : i32
      %dma_wait3A_804 = arith.constant 0 : i32
      %dma_wait3A_805 = tpu.memref_slice %arg8[%dma_wait3A_803, %dma_wait3A_804] : memref<128x64xf32, #tpu.memory_space<vmem>> -> memref<1x64xf32, #tpu.memory_space<vmem>>
      %dma_wait3A_806 = arith.constant 0 : i32
      %dma_wait3A_807 = tpu.memref_slice %arg4[%get3A_243, %dma_wait3A_806] : memref<1000000x64xf32, #tpu.memory_space<hbm>> -> memref<1x64xf32, #tpu.memory_space<hbm>>
      tpu.wait_dma2 semaphore(%arg9 : memref<!tpu.dma_semaphore, #tpu.memory_space<semaphore_mem>>) src(%dma_wait3A_807 : memref<1x64xf32, #tpu.memory_space<hbm>>) dst(%dma_wait3A_805 : memref<1x64xf32, #tpu.memory_space<vmem>>)
      %dma_wait3A_808 = arith.constant 27 : i32
      %dma_wait3A_809 = arith.constant 0 : i32
      %dma_wait3A_810 = tpu.memref_slice %arg8[%dma_wait3A_808, %dma_wait3A_809] : memref<128x64xf32, #tpu.memory_space<vmem>> -> memref<1x64xf32, #tpu.memory_space<vmem>>
      %dma_wait3A_811 = arith.constant 0 : i32
      %dma_wait3A_812 = tpu.memref_slice %arg4[%get3A_246, %dma_wait3A_811] : memref<1000000x64xf32, #tpu.memory_space<hbm>> -> memref<1x64xf32, #tpu.memory_space<hbm>>
      tpu.wait_dma2 semaphore(%arg9 : memref<!tpu.dma_semaphore, #tpu.memory_space<semaphore_mem>>) src(%dma_wait3A_812 : memref<1x64xf32, #tpu.memory_space<hbm>>) dst(%dma_wait3A_810 : memref<1x64xf32, #tpu.memory_space<vmem>>)
      %dma_wait3A_813 = arith.constant 28 : i32
      %dma_wait3A_814 = arith.constant 0 : i32
      %dma_wait3A_815 = tpu.memref_slice %arg8[%dma_wait3A_813, %dma_wait3A_814] : memref<128x64xf32, #tpu.memory_space<vmem>> -> memref<1x64xf32, #tpu.memory_space<vmem>>
      %dma_wait3A_816 = arith.constant 0 : i32
      %dma_wait3A_817 = tpu.memref_slice %arg4[%get3A_249, %dma_wait3A_816] : memref<1000000x64xf32, #tpu.memory_space<hbm>> -> memref<1x64xf32, #tpu.memory_space<hbm>>
      tpu.wait_dma2 semaphore(%arg9 : memref<!tpu.dma_semaphore, #tpu.memory_space<semaphore_mem>>) src(%dma_wait3A_817 : memref<1x64xf32, #tpu.memory_space<hbm>>) dst(%dma_wait3A_815 : memref<1x64xf32, #tpu.memory_space<vmem>>)
      %dma_wait3A_818 = arith.constant 29 : i32
      %dma_wait3A_819 = arith.constant 0 : i32
      %dma_wait3A_820 = tpu.memref_slice %arg8[%dma_wait3A_818, %dma_wait3A_819] : memref<128x64xf32, #tpu.memory_space<vmem>> -> memref<1x64xf32, #tpu.memory_space<vmem>>
      %dma_wait3A_821 = arith.constant 0 : i32
      %dma_wait3A_822 = tpu.memref_slice %arg4[%get3A_252, %dma_wait3A_821] : memref<1000000x64xf32, #tpu.memory_space<hbm>> -> memref<1x64xf32, #tpu.memory_space<hbm>>
      tpu.wait_dma2 semaphore(%arg9 : memref<!tpu.dma_semaphore, #tpu.memory_space<semaphore_mem>>) src(%dma_wait3A_822 : memref<1x64xf32, #tpu.memory_space<hbm>>) dst(%dma_wait3A_820 : memref<1x64xf32, #tpu.memory_space<vmem>>)
      %dma_wait3A_823 = arith.constant 30 : i32
      %dma_wait3A_824 = arith.constant 0 : i32
      %dma_wait3A_825 = tpu.memref_slice %arg8[%dma_wait3A_823, %dma_wait3A_824] : memref<128x64xf32, #tpu.memory_space<vmem>> -> memref<1x64xf32, #tpu.memory_space<vmem>>
      %dma_wait3A_826 = arith.constant 0 : i32
      %dma_wait3A_827 = tpu.memref_slice %arg4[%get3A_255, %dma_wait3A_826] : memref<1000000x64xf32, #tpu.memory_space<hbm>> -> memref<1x64xf32, #tpu.memory_space<hbm>>
      tpu.wait_dma2 semaphore(%arg9 : memref<!tpu.dma_semaphore, #tpu.memory_space<semaphore_mem>>) src(%dma_wait3A_827 : memref<1x64xf32, #tpu.memory_space<hbm>>) dst(%dma_wait3A_825 : memref<1x64xf32, #tpu.memory_space<vmem>>)
      %dma_wait3A_828 = arith.constant 31 : i32
      %dma_wait3A_829 = arith.constant 0 : i32
      %dma_wait3A_830 = tpu.memref_slice %arg8[%dma_wait3A_828, %dma_wait3A_829] : memref<128x64xf32, #tpu.memory_space<vmem>> -> memref<1x64xf32, #tpu.memory_space<vmem>>
      %dma_wait3A_831 = arith.constant 0 : i32
      %dma_wait3A_832 = tpu.memref_slice %arg4[%get3A_258, %dma_wait3A_831] : memref<1000000x64xf32, #tpu.memory_space<hbm>> -> memref<1x64xf32, #tpu.memory_space<hbm>>
      tpu.wait_dma2 semaphore(%arg9 : memref<!tpu.dma_semaphore, #tpu.memory_space<semaphore_mem>>) src(%dma_wait3A_832 : memref<1x64xf32, #tpu.memory_space<hbm>>) dst(%dma_wait3A_830 : memref<1x64xf32, #tpu.memory_space<vmem>>)
      %dma_wait3A_833 = arith.constant 32 : i32
      %dma_wait3A_834 = arith.constant 0 : i32
      %dma_wait3A_835 = tpu.memref_slice %arg8[%dma_wait3A_833, %dma_wait3A_834] : memref<128x64xf32, #tpu.memory_space<vmem>> -> memref<1x64xf32, #tpu.memory_space<vmem>>
      %dma_wait3A_836 = arith.constant 0 : i32
      %dma_wait3A_837 = tpu.memref_slice %arg4[%get3A_261, %dma_wait3A_836] : memref<1000000x64xf32, #tpu.memory_space<hbm>> -> memref<1x64xf32, #tpu.memory_space<hbm>>
      tpu.wait_dma2 semaphore(%arg9 : memref<!tpu.dma_semaphore, #tpu.memory_space<semaphore_mem>>) src(%dma_wait3A_837 : memref<1x64xf32, #tpu.memory_space<hbm>>) dst(%dma_wait3A_835 : memref<1x64xf32, #tpu.memory_space<vmem>>)
      %dma_wait3A_838 = arith.constant 33 : i32
      %dma_wait3A_839 = arith.constant 0 : i32
      %dma_wait3A_840 = tpu.memref_slice %arg8[%dma_wait3A_838, %dma_wait3A_839] : memref<128x64xf32, #tpu.memory_space<vmem>> -> memref<1x64xf32, #tpu.memory_space<vmem>>
      %dma_wait3A_841 = arith.constant 0 : i32
      %dma_wait3A_842 = tpu.memref_slice %arg4[%get3A_264, %dma_wait3A_841] : memref<1000000x64xf32, #tpu.memory_space<hbm>> -> memref<1x64xf32, #tpu.memory_space<hbm>>
      tpu.wait_dma2 semaphore(%arg9 : memref<!tpu.dma_semaphore, #tpu.memory_space<semaphore_mem>>) src(%dma_wait3A_842 : memref<1x64xf32, #tpu.memory_space<hbm>>) dst(%dma_wait3A_840 : memref<1x64xf32, #tpu.memory_space<vmem>>)
      %dma_wait3A_843 = arith.constant 34 : i32
      %dma_wait3A_844 = arith.constant 0 : i32
      %dma_wait3A_845 = tpu.memref_slice %arg8[%dma_wait3A_843, %dma_wait3A_844] : memref<128x64xf32, #tpu.memory_space<vmem>> -> memref<1x64xf32, #tpu.memory_space<vmem>>
      %dma_wait3A_846 = arith.constant 0 : i32
      %dma_wait3A_847 = tpu.memref_slice %arg4[%get3A_267, %dma_wait3A_846] : memref<1000000x64xf32, #tpu.memory_space<hbm>> -> memref<1x64xf32, #tpu.memory_space<hbm>>
      tpu.wait_dma2 semaphore(%arg9 : memref<!tpu.dma_semaphore, #tpu.memory_space<semaphore_mem>>) src(%dma_wait3A_847 : memref<1x64xf32, #tpu.memory_space<hbm>>) dst(%dma_wait3A_845 : memref<1x64xf32, #tpu.memory_space<vmem>>)
      %dma_wait3A_848 = arith.constant 35 : i32
      %dma_wait3A_849 = arith.constant 0 : i32
      %dma_wait3A_850 = tpu.memref_slice %arg8[%dma_wait3A_848, %dma_wait3A_849] : memref<128x64xf32, #tpu.memory_space<vmem>> -> memref<1x64xf32, #tpu.memory_space<vmem>>
      %dma_wait3A_851 = arith.constant 0 : i32
      %dma_wait3A_852 = tpu.memref_slice %arg4[%get3A_270, %dma_wait3A_851] : memref<1000000x64xf32, #tpu.memory_space<hbm>> -> memref<1x64xf32, #tpu.memory_space<hbm>>
      tpu.wait_dma2 semaphore(%arg9 : memref<!tpu.dma_semaphore, #tpu.memory_space<semaphore_mem>>) src(%dma_wait3A_852 : memref<1x64xf32, #tpu.memory_space<hbm>>) dst(%dma_wait3A_850 : memref<1x64xf32, #tpu.memory_space<vmem>>)
      %dma_wait3A_853 = arith.constant 36 : i32
      %dma_wait3A_854 = arith.constant 0 : i32
      %dma_wait3A_855 = tpu.memref_slice %arg8[%dma_wait3A_853, %dma_wait3A_854] : memref<128x64xf32, #tpu.memory_space<vmem>> -> memref<1x64xf32, #tpu.memory_space<vmem>>
      %dma_wait3A_856 = arith.constant 0 : i32
      %dma_wait3A_857 = tpu.memref_slice %arg4[%get3A_273, %dma_wait3A_856] : memref<1000000x64xf32, #tpu.memory_space<hbm>> -> memref<1x64xf32, #tpu.memory_space<hbm>>
      tpu.wait_dma2 semaphore(%arg9 : memref<!tpu.dma_semaphore, #tpu.memory_space<semaphore_mem>>) src(%dma_wait3A_857 : memref<1x64xf32, #tpu.memory_space<hbm>>) dst(%dma_wait3A_855 : memref<1x64xf32, #tpu.memory_space<vmem>>)
      %dma_wait3A_858 = arith.constant 37 : i32
      %dma_wait3A_859 = arith.constant 0 : i32
      %dma_wait3A_860 = tpu.memref_slice %arg8[%dma_wait3A_858, %dma_wait3A_859] : memref<128x64xf32, #tpu.memory_space<vmem>> -> memref<1x64xf32, #tpu.memory_space<vmem>>
      %dma_wait3A_861 = arith.constant 0 : i32
      %dma_wait3A_862 = tpu.memref_slice %arg4[%get3A_276, %dma_wait3A_861] : memref<1000000x64xf32, #tpu.memory_space<hbm>> -> memref<1x64xf32, #tpu.memory_space<hbm>>
      tpu.wait_dma2 semaphore(%arg9 : memref<!tpu.dma_semaphore, #tpu.memory_space<semaphore_mem>>) src(%dma_wait3A_862 : memref<1x64xf32, #tpu.memory_space<hbm>>) dst(%dma_wait3A_860 : memref<1x64xf32, #tpu.memory_space<vmem>>)
      %dma_wait3A_863 = arith.constant 38 : i32
      %dma_wait3A_864 = arith.constant 0 : i32
      %dma_wait3A_865 = tpu.memref_slice %arg8[%dma_wait3A_863, %dma_wait3A_864] : memref<128x64xf32, #tpu.memory_space<vmem>> -> memref<1x64xf32, #tpu.memory_space<vmem>>
      %dma_wait3A_866 = arith.constant 0 : i32
      %dma_wait3A_867 = tpu.memref_slice %arg4[%get3A_279, %dma_wait3A_866] : memref<1000000x64xf32, #tpu.memory_space<hbm>> -> memref<1x64xf32, #tpu.memory_space<hbm>>
      tpu.wait_dma2 semaphore(%arg9 : memref<!tpu.dma_semaphore, #tpu.memory_space<semaphore_mem>>) src(%dma_wait3A_867 : memref<1x64xf32, #tpu.memory_space<hbm>>) dst(%dma_wait3A_865 : memref<1x64xf32, #tpu.memory_space<vmem>>)
      %dma_wait3A_868 = arith.constant 39 : i32
      %dma_wait3A_869 = arith.constant 0 : i32
      %dma_wait3A_870 = tpu.memref_slice %arg8[%dma_wait3A_868, %dma_wait3A_869] : memref<128x64xf32, #tpu.memory_space<vmem>> -> memref<1x64xf32, #tpu.memory_space<vmem>>
      %dma_wait3A_871 = arith.constant 0 : i32
      %dma_wait3A_872 = tpu.memref_slice %arg4[%get3A_282, %dma_wait3A_871] : memref<1000000x64xf32, #tpu.memory_space<hbm>> -> memref<1x64xf32, #tpu.memory_space<hbm>>
      tpu.wait_dma2 semaphore(%arg9 : memref<!tpu.dma_semaphore, #tpu.memory_space<semaphore_mem>>) src(%dma_wait3A_872 : memref<1x64xf32, #tpu.memory_space<hbm>>) dst(%dma_wait3A_870 : memref<1x64xf32, #tpu.memory_space<vmem>>)
      %dma_wait3A_873 = arith.constant 40 : i32
      %dma_wait3A_874 = arith.constant 0 : i32
      %dma_wait3A_875 = tpu.memref_slice %arg8[%dma_wait3A_873, %dma_wait3A_874] : memref<128x64xf32, #tpu.memory_space<vmem>> -> memref<1x64xf32, #tpu.memory_space<vmem>>
      %dma_wait3A_876 = arith.constant 0 : i32
      %dma_wait3A_877 = tpu.memref_slice %arg4[%get3A_285, %dma_wait3A_876] : memref<1000000x64xf32, #tpu.memory_space<hbm>> -> memref<1x64xf32, #tpu.memory_space<hbm>>
      tpu.wait_dma2 semaphore(%arg9 : memref<!tpu.dma_semaphore, #tpu.memory_space<semaphore_mem>>) src(%dma_wait3A_877 : memref<1x64xf32, #tpu.memory_space<hbm>>) dst(%dma_wait3A_875 : memref<1x64xf32, #tpu.memory_space<vmem>>)
      %dma_wait3A_878 = arith.constant 41 : i32
      %dma_wait3A_879 = arith.constant 0 : i32
      %dma_wait3A_880 = tpu.memref_slice %arg8[%dma_wait3A_878, %dma_wait3A_879] : memref<128x64xf32, #tpu.memory_space<vmem>> -> memref<1x64xf32, #tpu.memory_space<vmem>>
      %dma_wait3A_881 = arith.constant 0 : i32
      %dma_wait3A_882 = tpu.memref_slice %arg4[%get3A_288, %dma_wait3A_881] : memref<1000000x64xf32, #tpu.memory_space<hbm>> -> memref<1x64xf32, #tpu.memory_space<hbm>>
      tpu.wait_dma2 semaphore(%arg9 : memref<!tpu.dma_semaphore, #tpu.memory_space<semaphore_mem>>) src(%dma_wait3A_882 : memref<1x64xf32, #tpu.memory_space<hbm>>) dst(%dma_wait3A_880 : memref<1x64xf32, #tpu.memory_space<vmem>>)
      %dma_wait3A_883 = arith.constant 42 : i32
      %dma_wait3A_884 = arith.constant 0 : i32
      %dma_wait3A_885 = tpu.memref_slice %arg8[%dma_wait3A_883, %dma_wait3A_884] : memref<128x64xf32, #tpu.memory_space<vmem>> -> memref<1x64xf32, #tpu.memory_space<vmem>>
      %dma_wait3A_886 = arith.constant 0 : i32
      %dma_wait3A_887 = tpu.memref_slice %arg4[%get3A_291, %dma_wait3A_886] : memref<1000000x64xf32, #tpu.memory_space<hbm>> -> memref<1x64xf32, #tpu.memory_space<hbm>>
      tpu.wait_dma2 semaphore(%arg9 : memref<!tpu.dma_semaphore, #tpu.memory_space<semaphore_mem>>) src(%dma_wait3A_887 : memref<1x64xf32, #tpu.memory_space<hbm>>) dst(%dma_wait3A_885 : memref<1x64xf32, #tpu.memory_space<vmem>>)
      %dma_wait3A_888 = arith.constant 43 : i32
      %dma_wait3A_889 = arith.constant 0 : i32
      %dma_wait3A_890 = tpu.memref_slice %arg8[%dma_wait3A_888, %dma_wait3A_889] : memref<128x64xf32, #tpu.memory_space<vmem>> -> memref<1x64xf32, #tpu.memory_space<vmem>>
      %dma_wait3A_891 = arith.constant 0 : i32
      %dma_wait3A_892 = tpu.memref_slice %arg4[%get3A_294, %dma_wait3A_891] : memref<1000000x64xf32, #tpu.memory_space<hbm>> -> memref<1x64xf32, #tpu.memory_space<hbm>>
      tpu.wait_dma2 semaphore(%arg9 : memref<!tpu.dma_semaphore, #tpu.memory_space<semaphore_mem>>) src(%dma_wait3A_892 : memref<1x64xf32, #tpu.memory_space<hbm>>) dst(%dma_wait3A_890 : memref<1x64xf32, #tpu.memory_space<vmem>>)
      %dma_wait3A_893 = arith.constant 44 : i32
      %dma_wait3A_894 = arith.constant 0 : i32
      %dma_wait3A_895 = tpu.memref_slice %arg8[%dma_wait3A_893, %dma_wait3A_894] : memref<128x64xf32, #tpu.memory_space<vmem>> -> memref<1x64xf32, #tpu.memory_space<vmem>>
      %dma_wait3A_896 = arith.constant 0 : i32
      %dma_wait3A_897 = tpu.memref_slice %arg4[%get3A_297, %dma_wait3A_896] : memref<1000000x64xf32, #tpu.memory_space<hbm>> -> memref<1x64xf32, #tpu.memory_space<hbm>>
      tpu.wait_dma2 semaphore(%arg9 : memref<!tpu.dma_semaphore, #tpu.memory_space<semaphore_mem>>) src(%dma_wait3A_897 : memref<1x64xf32, #tpu.memory_space<hbm>>) dst(%dma_wait3A_895 : memref<1x64xf32, #tpu.memory_space<vmem>>)
      %dma_wait3A_898 = arith.constant 45 : i32
      %dma_wait3A_899 = arith.constant 0 : i32
      %dma_wait3A_900 = tpu.memref_slice %arg8[%dma_wait3A_898, %dma_wait3A_899] : memref<128x64xf32, #tpu.memory_space<vmem>> -> memref<1x64xf32, #tpu.memory_space<vmem>>
      %dma_wait3A_901 = arith.constant 0 : i32
      %dma_wait3A_902 = tpu.memref_slice %arg4[%get3A_300, %dma_wait3A_901] : memref<1000000x64xf32, #tpu.memory_space<hbm>> -> memref<1x64xf32, #tpu.memory_space<hbm>>
      tpu.wait_dma2 semaphore(%arg9 : memref<!tpu.dma_semaphore, #tpu.memory_space<semaphore_mem>>) src(%dma_wait3A_902 : memref<1x64xf32, #tpu.memory_space<hbm>>) dst(%dma_wait3A_900 : memref<1x64xf32, #tpu.memory_space<vmem>>)
      %dma_wait3A_903 = arith.constant 46 : i32
      %dma_wait3A_904 = arith.constant 0 : i32
      %dma_wait3A_905 = tpu.memref_slice %arg8[%dma_wait3A_903, %dma_wait3A_904] : memref<128x64xf32, #tpu.memory_space<vmem>> -> memref<1x64xf32, #tpu.memory_space<vmem>>
      %dma_wait3A_906 = arith.constant 0 : i32
      %dma_wait3A_907 = tpu.memref_slice %arg4[%get3A_303, %dma_wait3A_906] : memref<1000000x64xf32, #tpu.memory_space<hbm>> -> memref<1x64xf32, #tpu.memory_space<hbm>>
      tpu.wait_dma2 semaphore(%arg9 : memref<!tpu.dma_semaphore, #tpu.memory_space<semaphore_mem>>) src(%dma_wait3A_907 : memref<1x64xf32, #tpu.memory_space<hbm>>) dst(%dma_wait3A_905 : memref<1x64xf32, #tpu.memory_space<vmem>>)
      %dma_wait3A_908 = arith.constant 47 : i32
      %dma_wait3A_909 = arith.constant 0 : i32
      %dma_wait3A_910 = tpu.memref_slice %arg8[%dma_wait3A_908, %dma_wait3A_909] : memref<128x64xf32, #tpu.memory_space<vmem>> -> memref<1x64xf32, #tpu.memory_space<vmem>>
      %dma_wait3A_911 = arith.constant 0 : i32
      %dma_wait3A_912 = tpu.memref_slice %arg4[%get3A_306, %dma_wait3A_911] : memref<1000000x64xf32, #tpu.memory_space<hbm>> -> memref<1x64xf32, #tpu.memory_space<hbm>>
      tpu.wait_dma2 semaphore(%arg9 : memref<!tpu.dma_semaphore, #tpu.memory_space<semaphore_mem>>) src(%dma_wait3A_912 : memref<1x64xf32, #tpu.memory_space<hbm>>) dst(%dma_wait3A_910 : memref<1x64xf32, #tpu.memory_space<vmem>>)
      %dma_wait3A_913 = arith.constant 48 : i32
      %dma_wait3A_914 = arith.constant 0 : i32
      %dma_wait3A_915 = tpu.memref_slice %arg8[%dma_wait3A_913, %dma_wait3A_914] : memref<128x64xf32, #tpu.memory_space<vmem>> -> memref<1x64xf32, #tpu.memory_space<vmem>>
      %dma_wait3A_916 = arith.constant 0 : i32
      %dma_wait3A_917 = tpu.memref_slice %arg4[%get3A_309, %dma_wait3A_916] : memref<1000000x64xf32, #tpu.memory_space<hbm>> -> memref<1x64xf32, #tpu.memory_space<hbm>>
      tpu.wait_dma2 semaphore(%arg9 : memref<!tpu.dma_semaphore, #tpu.memory_space<semaphore_mem>>) src(%dma_wait3A_917 : memref<1x64xf32, #tpu.memory_space<hbm>>) dst(%dma_wait3A_915 : memref<1x64xf32, #tpu.memory_space<vmem>>)
      %dma_wait3A_918 = arith.constant 49 : i32
      %dma_wait3A_919 = arith.constant 0 : i32
      %dma_wait3A_920 = tpu.memref_slice %arg8[%dma_wait3A_918, %dma_wait3A_919] : memref<128x64xf32, #tpu.memory_space<vmem>> -> memref<1x64xf32, #tpu.memory_space<vmem>>
      %dma_wait3A_921 = arith.constant 0 : i32
      %dma_wait3A_922 = tpu.memref_slice %arg4[%get3A_312, %dma_wait3A_921] : memref<1000000x64xf32, #tpu.memory_space<hbm>> -> memref<1x64xf32, #tpu.memory_space<hbm>>
      tpu.wait_dma2 semaphore(%arg9 : memref<!tpu.dma_semaphore, #tpu.memory_space<semaphore_mem>>) src(%dma_wait3A_922 : memref<1x64xf32, #tpu.memory_space<hbm>>) dst(%dma_wait3A_920 : memref<1x64xf32, #tpu.memory_space<vmem>>)
      %dma_wait3A_923 = arith.constant 50 : i32
      %dma_wait3A_924 = arith.constant 0 : i32
      %dma_wait3A_925 = tpu.memref_slice %arg8[%dma_wait3A_923, %dma_wait3A_924] : memref<128x64xf32, #tpu.memory_space<vmem>> -> memref<1x64xf32, #tpu.memory_space<vmem>>
      %dma_wait3A_926 = arith.constant 0 : i32
      %dma_wait3A_927 = tpu.memref_slice %arg4[%get3A_315, %dma_wait3A_926] : memref<1000000x64xf32, #tpu.memory_space<hbm>> -> memref<1x64xf32, #tpu.memory_space<hbm>>
      tpu.wait_dma2 semaphore(%arg9 : memref<!tpu.dma_semaphore, #tpu.memory_space<semaphore_mem>>) src(%dma_wait3A_927 : memref<1x64xf32, #tpu.memory_space<hbm>>) dst(%dma_wait3A_925 : memref<1x64xf32, #tpu.memory_space<vmem>>)
      %dma_wait3A_928 = arith.constant 51 : i32
      %dma_wait3A_929 = arith.constant 0 : i32
      %dma_wait3A_930 = tpu.memref_slice %arg8[%dma_wait3A_928, %dma_wait3A_929] : memref<128x64xf32, #tpu.memory_space<vmem>> -> memref<1x64xf32, #tpu.memory_space<vmem>>
      %dma_wait3A_931 = arith.constant 0 : i32
      %dma_wait3A_932 = tpu.memref_slice %arg4[%get3A_318, %dma_wait3A_931] : memref<1000000x64xf32, #tpu.memory_space<hbm>> -> memref<1x64xf32, #tpu.memory_space<hbm>>
      tpu.wait_dma2 semaphore(%arg9 : memref<!tpu.dma_semaphore, #tpu.memory_space<semaphore_mem>>) src(%dma_wait3A_932 : memref<1x64xf32, #tpu.memory_space<hbm>>) dst(%dma_wait3A_930 : memref<1x64xf32, #tpu.memory_space<vmem>>)
      %dma_wait3A_933 = arith.constant 52 : i32
      %dma_wait3A_934 = arith.constant 0 : i32
      %dma_wait3A_935 = tpu.memref_slice %arg8[%dma_wait3A_933, %dma_wait3A_934] : memref<128x64xf32, #tpu.memory_space<vmem>> -> memref<1x64xf32, #tpu.memory_space<vmem>>
      %dma_wait3A_936 = arith.constant 0 : i32
      %dma_wait3A_937 = tpu.memref_slice %arg4[%get3A_321, %dma_wait3A_936] : memref<1000000x64xf32, #tpu.memory_space<hbm>> -> memref<1x64xf32, #tpu.memory_space<hbm>>
      tpu.wait_dma2 semaphore(%arg9 : memref<!tpu.dma_semaphore, #tpu.memory_space<semaphore_mem>>) src(%dma_wait3A_937 : memref<1x64xf32, #tpu.memory_space<hbm>>) dst(%dma_wait3A_935 : memref<1x64xf32, #tpu.memory_space<vmem>>)
      %dma_wait3A_938 = arith.constant 53 : i32
      %dma_wait3A_939 = arith.constant 0 : i32
      %dma_wait3A_940 = tpu.memref_slice %arg8[%dma_wait3A_938, %dma_wait3A_939] : memref<128x64xf32, #tpu.memory_space<vmem>> -> memref<1x64xf32, #tpu.memory_space<vmem>>
      %dma_wait3A_941 = arith.constant 0 : i32
      %dma_wait3A_942 = tpu.memref_slice %arg4[%get3A_324, %dma_wait3A_941] : memref<1000000x64xf32, #tpu.memory_space<hbm>> -> memref<1x64xf32, #tpu.memory_space<hbm>>
      tpu.wait_dma2 semaphore(%arg9 : memref<!tpu.dma_semaphore, #tpu.memory_space<semaphore_mem>>) src(%dma_wait3A_942 : memref<1x64xf32, #tpu.memory_space<hbm>>) dst(%dma_wait3A_940 : memref<1x64xf32, #tpu.memory_space<vmem>>)
      %dma_wait3A_943 = arith.constant 54 : i32
      %dma_wait3A_944 = arith.constant 0 : i32
      %dma_wait3A_945 = tpu.memref_slice %arg8[%dma_wait3A_943, %dma_wait3A_944] : memref<128x64xf32, #tpu.memory_space<vmem>> -> memref<1x64xf32, #tpu.memory_space<vmem>>
      %dma_wait3A_946 = arith.constant 0 : i32
      %dma_wait3A_947 = tpu.memref_slice %arg4[%get3A_327, %dma_wait3A_946] : memref<1000000x64xf32, #tpu.memory_space<hbm>> -> memref<1x64xf32, #tpu.memory_space<hbm>>
      tpu.wait_dma2 semaphore(%arg9 : memref<!tpu.dma_semaphore, #tpu.memory_space<semaphore_mem>>) src(%dma_wait3A_947 : memref<1x64xf32, #tpu.memory_space<hbm>>) dst(%dma_wait3A_945 : memref<1x64xf32, #tpu.memory_space<vmem>>)
      %dma_wait3A_948 = arith.constant 55 : i32
      %dma_wait3A_949 = arith.constant 0 : i32
      %dma_wait3A_950 = tpu.memref_slice %arg8[%dma_wait3A_948, %dma_wait3A_949] : memref<128x64xf32, #tpu.memory_space<vmem>> -> memref<1x64xf32, #tpu.memory_space<vmem>>
      %dma_wait3A_951 = arith.constant 0 : i32
      %dma_wait3A_952 = tpu.memref_slice %arg4[%get3A_330, %dma_wait3A_951] : memref<1000000x64xf32, #tpu.memory_space<hbm>> -> memref<1x64xf32, #tpu.memory_space<hbm>>
      tpu.wait_dma2 semaphore(%arg9 : memref<!tpu.dma_semaphore, #tpu.memory_space<semaphore_mem>>) src(%dma_wait3A_952 : memref<1x64xf32, #tpu.memory_space<hbm>>) dst(%dma_wait3A_950 : memref<1x64xf32, #tpu.memory_space<vmem>>)
      %dma_wait3A_953 = arith.constant 56 : i32
      %dma_wait3A_954 = arith.constant 0 : i32
      %dma_wait3A_955 = tpu.memref_slice %arg8[%dma_wait3A_953, %dma_wait3A_954] : memref<128x64xf32, #tpu.memory_space<vmem>> -> memref<1x64xf32, #tpu.memory_space<vmem>>
      %dma_wait3A_956 = arith.constant 0 : i32
      %dma_wait3A_957 = tpu.memref_slice %arg4[%get3A_333, %dma_wait3A_956] : memref<1000000x64xf32, #tpu.memory_space<hbm>> -> memref<1x64xf32, #tpu.memory_space<hbm>>
      tpu.wait_dma2 semaphore(%arg9 : memref<!tpu.dma_semaphore, #tpu.memory_space<semaphore_mem>>) src(%dma_wait3A_957 : memref<1x64xf32, #tpu.memory_space<hbm>>) dst(%dma_wait3A_955 : memref<1x64xf32, #tpu.memory_space<vmem>>)
      %dma_wait3A_958 = arith.constant 57 : i32
      %dma_wait3A_959 = arith.constant 0 : i32
      %dma_wait3A_960 = tpu.memref_slice %arg8[%dma_wait3A_958, %dma_wait3A_959] : memref<128x64xf32, #tpu.memory_space<vmem>> -> memref<1x64xf32, #tpu.memory_space<vmem>>
      %dma_wait3A_961 = arith.constant 0 : i32
      %dma_wait3A_962 = tpu.memref_slice %arg4[%get3A_336, %dma_wait3A_961] : memref<1000000x64xf32, #tpu.memory_space<hbm>> -> memref<1x64xf32, #tpu.memory_space<hbm>>
      tpu.wait_dma2 semaphore(%arg9 : memref<!tpu.dma_semaphore, #tpu.memory_space<semaphore_mem>>) src(%dma_wait3A_962 : memref<1x64xf32, #tpu.memory_space<hbm>>) dst(%dma_wait3A_960 : memref<1x64xf32, #tpu.memory_space<vmem>>)
      %dma_wait3A_963 = arith.constant 58 : i32
      %dma_wait3A_964 = arith.constant 0 : i32
      %dma_wait3A_965 = tpu.memref_slice %arg8[%dma_wait3A_963, %dma_wait3A_964] : memref<128x64xf32, #tpu.memory_space<vmem>> -> memref<1x64xf32, #tpu.memory_space<vmem>>
      %dma_wait3A_966 = arith.constant 0 : i32
      %dma_wait3A_967 = tpu.memref_slice %arg4[%get3A_339, %dma_wait3A_966] : memref<1000000x64xf32, #tpu.memory_space<hbm>> -> memref<1x64xf32, #tpu.memory_space<hbm>>
      tpu.wait_dma2 semaphore(%arg9 : memref<!tpu.dma_semaphore, #tpu.memory_space<semaphore_mem>>) src(%dma_wait3A_967 : memref<1x64xf32, #tpu.memory_space<hbm>>) dst(%dma_wait3A_965 : memref<1x64xf32, #tpu.memory_space<vmem>>)
      %dma_wait3A_968 = arith.constant 59 : i32
      %dma_wait3A_969 = arith.constant 0 : i32
      %dma_wait3A_970 = tpu.memref_slice %arg8[%dma_wait3A_968, %dma_wait3A_969] : memref<128x64xf32, #tpu.memory_space<vmem>> -> memref<1x64xf32, #tpu.memory_space<vmem>>
      %dma_wait3A_971 = arith.constant 0 : i32
      %dma_wait3A_972 = tpu.memref_slice %arg4[%get3A_342, %dma_wait3A_971] : memref<1000000x64xf32, #tpu.memory_space<hbm>> -> memref<1x64xf32, #tpu.memory_space<hbm>>
      tpu.wait_dma2 semaphore(%arg9 : memref<!tpu.dma_semaphore, #tpu.memory_space<semaphore_mem>>) src(%dma_wait3A_972 : memref<1x64xf32, #tpu.memory_space<hbm>>) dst(%dma_wait3A_970 : memref<1x64xf32, #tpu.memory_space<vmem>>)
      %dma_wait3A_973 = arith.constant 60 : i32
      %dma_wait3A_974 = arith.constant 0 : i32
      %dma_wait3A_975 = tpu.memref_slice %arg8[%dma_wait3A_973, %dma_wait3A_974] : memref<128x64xf32, #tpu.memory_space<vmem>> -> memref<1x64xf32, #tpu.memory_space<vmem>>
      %dma_wait3A_976 = arith.constant 0 : i32
      %dma_wait3A_977 = tpu.memref_slice %arg4[%get3A_345, %dma_wait3A_976] : memref<1000000x64xf32, #tpu.memory_space<hbm>> -> memref<1x64xf32, #tpu.memory_space<hbm>>
      tpu.wait_dma2 semaphore(%arg9 : memref<!tpu.dma_semaphore, #tpu.memory_space<semaphore_mem>>) src(%dma_wait3A_977 : memref<1x64xf32, #tpu.memory_space<hbm>>) dst(%dma_wait3A_975 : memref<1x64xf32, #tpu.memory_space<vmem>>)
      %dma_wait3A_978 = arith.constant 61 : i32
      %dma_wait3A_979 = arith.constant 0 : i32
      %dma_wait3A_980 = tpu.memref_slice %arg8[%dma_wait3A_978, %dma_wait3A_979] : memref<128x64xf32, #tpu.memory_space<vmem>> -> memref<1x64xf32, #tpu.memory_space<vmem>>
      %dma_wait3A_981 = arith.constant 0 : i32
      %dma_wait3A_982 = tpu.memref_slice %arg4[%get3A_348, %dma_wait3A_981] : memref<1000000x64xf32, #tpu.memory_space<hbm>> -> memref<1x64xf32, #tpu.memory_space<hbm>>
      tpu.wait_dma2 semaphore(%arg9 : memref<!tpu.dma_semaphore, #tpu.memory_space<semaphore_mem>>) src(%dma_wait3A_982 : memref<1x64xf32, #tpu.memory_space<hbm>>) dst(%dma_wait3A_980 : memref<1x64xf32, #tpu.memory_space<vmem>>)
      %dma_wait3A_983 = arith.constant 62 : i32
      %dma_wait3A_984 = arith.constant 0 : i32
      %dma_wait3A_985 = tpu.memref_slice %arg8[%dma_wait3A_983, %dma_wait3A_984] : memref<128x64xf32, #tpu.memory_space<vmem>> -> memref<1x64xf32, #tpu.memory_space<vmem>>
      %dma_wait3A_986 = arith.constant 0 : i32
      %dma_wait3A_987 = tpu.memref_slice %arg4[%get3A_351, %dma_wait3A_986] : memref<1000000x64xf32, #tpu.memory_space<hbm>> -> memref<1x64xf32, #tpu.memory_space<hbm>>
      tpu.wait_dma2 semaphore(%arg9 : memref<!tpu.dma_semaphore, #tpu.memory_space<semaphore_mem>>) src(%dma_wait3A_987 : memref<1x64xf32, #tpu.memory_space<hbm>>) dst(%dma_wait3A_985 : memref<1x64xf32, #tpu.memory_space<vmem>>)
      %dma_wait3A_988 = arith.constant 63 : i32
      %dma_wait3A_989 = arith.constant 0 : i32
      %dma_wait3A_990 = tpu.memref_slice %arg8[%dma_wait3A_988, %dma_wait3A_989] : memref<128x64xf32, #tpu.memory_space<vmem>> -> memref<1x64xf32, #tpu.memory_space<vmem>>
      %dma_wait3A_991 = arith.constant 0 : i32
      %dma_wait3A_992 = tpu.memref_slice %arg4[%get3A_354, %dma_wait3A_991] : memref<1000000x64xf32, #tpu.memory_space<hbm>> -> memref<1x64xf32, #tpu.memory_space<hbm>>
      tpu.wait_dma2 semaphore(%arg9 : memref<!tpu.dma_semaphore, #tpu.memory_space<semaphore_mem>>) src(%dma_wait3A_992 : memref<1x64xf32, #tpu.memory_space<hbm>>) dst(%dma_wait3A_990 : memref<1x64xf32, #tpu.memory_space<vmem>>)
      %get3A_993 = arith.constant 50 : index
      %get3A_994 = arith.constant 0 : index
      %get3A_995 = vector.load %arg3[%get3A_993, %get3A_994] : memref<64x64xf32, #tpu.memory_space<vmem>>, vector<1x64xf32>
      %swap3A_996 = arith.constant 64 : index
      %swap3A_997 = arith.constant 0 : index
      %swap3A_998 = vector.load %arg8[%swap3A_996, %swap3A_997] : memref<128x64xf32, #tpu.memory_space<vmem>>, vector<1x64xf32>
      tpu.vector_store %arg8[%swap3A_996, %swap3A_997], %get3A_995 {strides = array<i32>} : memref<128x64xf32, #tpu.memory_space<vmem>>, vector<1x64xf32>,
      %get3A_999 = arith.constant 0 : index
      %get3A_1000 = arith.constant 0 : index
      %get3A_1001 = vector.load %arg8[%get3A_999, %get3A_1000] : memref<128x64xf32, #tpu.memory_space<vmem>>, vector<128x64xf32>
      %get3A_1002 = arith.constant 0 : index
      %get3A_1003 = arith.constant 0 : index
      %get3A_1004 = vector.load %arg3[%get3A_1002, %get3A_1003] : memref<64x64xf32, #tpu.memory_space<vmem>>, vector<64x64xf32>
      %dot_general3A = arith.constant dense<0.000000e+00> : vector<128x64xf32>
      %dot_general3A_1005 = tpu.matmul %get3A_1001, %get3A_1004, %dot_general3A {dimension_numbers = #tpu.dot_dimension_numbers<[1], [1], [0], [0], [0, 0, 1, 0], [], []>, transpose_lhs_hint = false} : vector<128x64xf32>, vector<64x64xf32>, vector<128x64xf32> -> vector<128x64xf32>
      %iota3A_1006 = tpu.iota {dimensions = array<i32: 0>} : vector<128x64xi32>
      %iota3A_1007 = tpu.iota {dimensions = array<i32: 1>} : vector<128x64xi32>
      %lt3A_1008 = arith.constant 50 : i32
      %lt3A_1009 = vector.broadcast %lt3A_1008 : i32 to vector<128x64xi32>
      %lt3A_1010 = arith.cmpi slt, %iota3A_1007, %lt3A_1009 : vector<128x64xi32>
      %neg3A_1011 = arith.constant 0.000000e+00 : f32
      %neg3A_1012 = vector.broadcast %neg3A_1011 : f32 to vector<128x64xf32>
      %neg3A_1013 = arith.subf %neg3A_1012, %dot_general3A_1005 : vector<128x64xf32>
      %exp3A = math.exp %neg3A_1013 : vector<128x64xf32>
      %add3A_1014 = arith.constant 1.000000e+00 : f32
      %add3A_1015 = vector.broadcast %add3A_1014 : f32 to vector<128x64xf32>
      %add3A_1016 = arith.addf %add3A_1015, %exp3A : vector<128x64xf32>
      %div3A_1017 = arith.constant 1.000000e+00 : f32
      %div3A_1018 = vector.broadcast %div3A_1017 : f32 to vector<128x64xf32>
      %div3A_1019 = arith.divf %div3A_1018, %add3A_1016 : vector<128x64xf32>
      %eq3A_1020 = arith.constant 64 : i32
      %eq3A_1021 = vector.broadcast %eq3A_1020 : i32 to vector<128x64xi32>
      %eq3A_1022 = arith.cmpi eq, %iota3A_1006, %eq3A_1021 : vector<128x64xi32>
      %and3A_1023 = arith.andi %lt3A_1010, %eq3A_1022 : vector<128x64xi1>
      %log3A_1024 = math.log %div3A_1019 : vector<128x64xf32>
      %jit3A_1025 = arith.constant 0.000000e+00 : f32
      %broadcast_in_dim3A_1026 = vector.broadcast %jit3A_1025 : f32 to vector<128x64xf32>
      %select_n3A_1027 = arith.select %and3A_1023, %log3A_1024, %broadcast_in_dim3A_1026 : vector<128x64xi1>, vector<128x64xf32>
      %lt3A_1028 = arith.constant 64 : i32
      %lt3A_1029 = vector.broadcast %lt3A_1028 : i32 to vector<128x64xi32>
      %lt3A_1030 = arith.cmpi slt, %iota3A_1006, %lt3A_1029 : vector<128x64xi32>
      %and3A_1031 = arith.andi %lt3A_1010, %lt3A_1030 : vector<128x64xi1>
      %sub3A = arith.constant 1.000000e+00 : f32
      %sub3A_1032 = vector.broadcast %sub3A : f32 to vector<128x64xf32>
      %sub3A_1033 = arith.subf %sub3A_1032, %div3A_1019 : vector<128x64xf32>
      %log3A_1034 = math.log %sub3A_1033 : vector<128x64xf32>
      %jit3A_1035 = arith.constant 0.000000e+00 : f32
      %broadcast_in_dim3A_1036 = vector.broadcast %jit3A_1035 : f32 to vector<128x64xf32>
      %select_n3A_1037 = arith.select %and3A_1031, %log3A_1034, %broadcast_in_dim3A_1036 : vector<128x64xi1>, vector<128x64xf32>
      %reduce_sum3A = vector.shape_cast %select_n3A_1027 : vector<128x64xf32> to vector<1x128x64xf32>
      %reduce_sum3A_1038 = arith.constant dense<0.000000e+00> : vector<1xf32>
      %reduce_sum3A_1039 = vector.multi_reduction <add>, %reduce_sum3A, %reduce_sum3A_1038 [1, 2] : vector<1x128x64xf32> to vector<1xf32>
      %reduce_sum3A_1040 = vector.shape_cast %reduce_sum3A_1039 : vector<1xf32> to vector<1x1x1xf32>
      %reduce_sum3A_1041 = vector.extract %reduce_sum3A_1040[0, 0, 0] : f32 from vector<1x1x1xf32>
      %reduce_sum3A_1042 = vector.shape_cast %select_n3A_1037 : vector<128x64xf32> to vector<1x128x64xf32>
      %reduce_sum3A_1043 = arith.constant dense<0.000000e+00> : vector<1xf32>
      %reduce_sum3A_1044 = vector.multi_reduction <add>, %reduce_sum3A_1042, %reduce_sum3A_1043 [1, 2] : vector<1x128x64xf32> to vector<1xf32>
      %reduce_sum3A_1045 = vector.shape_cast %reduce_sum3A_1044 : vector<1xf32> to vector<1x1x1xf32>
      %reduce_sum3A_1046 = vector.extract %reduce_sum3A_1045[0, 0, 0] : f32 from vector<1x1x1xf32>
      %add3A_1047 = arith.addf %reduce_sum3A_1041, %reduce_sum3A_1046 : f32
      %swap3A_1048 = arith.constant 0 : index
      %swap3A_1049 = arith.constant 0 : index
      %swap3A_1050 = memref.load %arg5[%swap3A_1048, %swap3A_1049] : memref<1x1xf32, #tpu.memory_space<smem>>
      memref.store %add3A_1047, %arg5[%swap3A_1048, %swap3A_1049] : memref<1x1xf32, #tpu.memory_space<smem>>
    } else {
    }
    return
  }
  func.func @transform_0(%arg0: i32) -> (i32, i32) {
    %c0_i32 = arith.constant 0 : i32
    %c0_i32_0 = arith.constant 0 : i32
    %c0_i32_1 = arith.constant 0 : i32
    return %c0_i32, %c0_i32_0 : i32, i32
  }
  func.func @transform_1(%arg0: i32) -> i32 {
    %c0_i32 = arith.constant 0 : i32
    return %arg0 : i32
  }
  func.func @transform_2(%arg0: i32) -> (i32, i32) {
    %c0_i32 = arith.constant 0 : i32
    %c0_i32_0 = arith.constant 0 : i32
    %c0_i32_1 = arith.constant 0 : i32
    return %c0_i32, %c0_i32_0 : i32, i32
  }
  func.func @transform_4(%arg0: i32) -> (i32, i32) {
    %c0_i32 = arith.constant 0 : i32
    %c0_i32_0 = arith.constant 0 : i32
    %c0_i32_1 = arith.constant 0 : i32
    return %c0_i32, %c0_i32_0 : i32, i32
  }
}

</mosaic_0001>

<sc_bundles>
// kernel: kernel.4.cloned.1.call-start
scs
__scs_entry_jumppad:
0x0: {  	(pc) =	sbr.rel $0x88, $3  }
0x1: {  	(tag) =	ssettag $0x0;
	lr =	simm.s32 $0x1  }
0x2: {  	[smem:$0x3F9C] =	sst lr;
	_ =	strace $0xD0000000  }
0x3: {  	_ = 	snop  }
0x4: {  	_ = 	snop  }
0x5: {  	_ = 	snop  }
0x6: {  	_ = 	snop  }
0x7: {  	_ = 	snop  }
__scs_overlays_trampoline_lowered:
0x8: {  	[smem:$0x3FAB] =	sst s0  }
0x9: {  	[smem:$0x3FAC] =	sst s1  }
0xa: {  	[smem:$0x3FAD] =	sst s2  }
0xb: {  	[smem:$0x3FAE] =	sst s3  }
0xc: {  	[smem:$0x3FAF] =	sst s4  }
0xd: {  	[smem:$0x3FB0] =	sst s5  }
0xe: {  	[smem:$0x3FB1] =	sst s6  }
0xf: {  	[smem:$0x3FB2] =	sst s7  }
0x10: {  	[smem:$0x3FB3] =	sst s8  }
0x11: {  	[smem:$0x3FB4] =	sst s9;
	s0 =	simm.s32 @!p0 $0x0  }
0x12: {  	s1 =	sld [smem:$0x3F9A];
	s0 =	simm.s32 @p0 $0x1  }
0x13: {  	[smem:$0x3FB5] =	sst s0;
	s0 =	simm.s32 @!p1 $0x0  }
0x14: {  	s2 =	sld [smem:$0x3F99];
	s0 =	simm.s32 @p1 $0x1  }
0x15: {  	[smem:$0x3FB6] =	sst s0;
	s0 =	simm.s32 @!p2 $0x0  }
0x16: {  	s3 =	sld [smem:$0x3FDB];
	s0 =	simm.s32 @p2 $0x1  }
0x17: {  	s4 =	simm.s32 $0x1BF5;
	[smem:$0x3FB8] =	sst s0  }
0x18: {  	s0 =	sld [smem:$0x3F9B];
	_ =	swait.ge [sflag:s4], $0x0  }
0x19: {  	s7 =	sld [smem:$0x3F9C]  }
0x1a: {  	s8 =	sadd.s32 $0xFFFFE003, lr  }
0x1b: {  	s9 =	sadd.s32 $0xFFFFFEF7, lr;
	s5 =	simm.s32 $0xFFFFFFFF;
	p2 =	slt.u32 s8, $0xFFFFF086  }
0x1c: {  	p1 =	slt.u32 s9, $0xF7A;
	s5 =	simm.s32 @!p2 $0x0  }
0x1d: {  	s5 =	simm.s32 @p1 $0x1;
	p0 =	seq.s32 s7, s2  }
0x1e: {  	s7 =	smul.u32 @!p0 $0xF7A, s2;
	p2 =	seq.s32 @!p0 s5, $0x0  }
0x1f: {  	s9 =	smul.u32 $0xF7A, s1;
	s8 =	simm.s32 @!p0 $0x1BF5;
	p2 =	por !p2, p0  }
0x20: {  	[sflag:s8] =	ssyncset.s32 @!p0 $0xFFFFF086;
	s6 =	sadd.s32 @!p0 s3, s7;
	s7 =	simm.s32 @!p0 $0x108  }
0x21: {  	s3 =	sadd.s32 s3, s9;
	s6 =	sadd.s32 @!p0 $0x88, s6;
	s7 =	simm.s32 @p2 $0x1082  }
0x22: {  	[simem:s7], [sflag:s8] =	dma.local @!p0 [hbm:s6], $0xF7A  }
0x23: {  	s9 =	sor.u32 $0xD0000000, s2;
	s6 =	simm.s32 $0x108;
	_ =	swait.ge @!p0 [sflag:s8], $0x0  }
0x24: {  	s3 =	sadd.s32 $0x88, s3;
	s6 =	simm.s32 @!p1 $0x1082;
	[sflag:s4] =	ssyncset.s32 $0xFFFFF086  }
0x25: {  	[simem:s6], [sflag:s4] =	dma.local [hbm:s3], $0xF7A  }
0x26: {  	[smem:$0x3F9C] =	sst s1;
	(tag) =	ssettag s2;
	_ =	strace s9  }
0x27: {  	s1 =	sld [smem:$0x3FAC]  }
0x28: {  	s2 =	sld [smem:$0x3FAD]  }
0x29: {  	s4 =	sld [smem:$0x3FAF]  }
0x2a: {  	p0 =	seq.s32 s5, $0x0;
	s5 =	sld [smem:$0x3FB0]  }
0x2b: {  	s6 =	sld [smem:$0x3FB1]  }
0x2c: {  	s7 =	sld [smem:$0x3FB2]  }
0x2d: {  	s3 =	simm.s32 $0x108;
	s8 =	sld [smem:$0x3FB3]  }
0x2e: {  	s3 =	simm.s32 @!p0 $0x1082;
	s9 =	sld [smem:$0x3FB4]  }
0x2f: {  	lr =	sadd.s32 s0, s3;
	s0 =	sld [smem:$0x3FAB]  }
0x30: {  	s3 =	sld [smem:$0x3FAE]  }
0x31: {  	[smem:$0x3FB7] =	sst s10  }
0x32: {  	s10 =	sld [smem:$0x3FB5];
	_ =	sdelay $0x3  }
0x33: {  	p0 =	seq.s32 s10, $0x1;
	s10 =	sld [smem:$0x3FB7];
	_ =	sdelay $0x3  }
0x34: {  	[smem:$0x3FB7] =	sst s10  }
0x35: {  	s10 =	sld [smem:$0x3FB6];
	_ =	sdelay $0x3  }
0x36: {  	p1 =	seq.s32 s10, $0x1;
	s10 =	sld [smem:$0x3FB7];
	_ =	sdelay $0x3  }
0x37: {  	[smem:$0x3FB7] =	sst s10  }
0x38: {  	s10 =	sld [smem:$0x3FB8]  }
0x39: {  	_ = 	snop;
	(pc) =	sbr.ind lr, $3  }
0x3a: {  	_ = 	snop  }
0x3b: {  	_ = 	snop  }
0x3c: {  	p2 =	seq.s32 s10, $0x1;
	s10 =	sld [smem:$0x3FB7]  }
0x3d: {  	_ =	shalt  }
0x3e: {  	_ =	shalt  }
0x3f: {  	_ =	shalt  }
0x40: {  	_ =	shalt  }
0x41: {  	_ =	shalt  }
0x42: {  	_ =	shalt  }
0x43: {  	_ =	shalt  }
0x44: {  	_ =	shalt  }
0x45: {  	_ =	shalt  }
0x46: {  	_ =	shalt  }
0x47: {  	_ =	shalt  }
0x48: {  	_ =	shalt  }
0x49: {  	_ =	shalt  }
0x4a: {  	_ =	shalt  }
0x4b: {  	_ =	shalt  }
0x4c: {  	_ =	shalt  }
0x4d: {  	_ =	shalt  }
0x4e: {  	_ =	shalt  }
0x4f: {  	_ =	shalt  }
0x50: {  	_ =	shalt  }
0x51: {  	_ =	shalt  }
0x52: {  	_ =	shalt  }
0x53: {  	_ =	shalt  }
0x54: {  	_ =	shalt  }
0x55: {  	_ =	shalt  }
0x56: {  	_ =	shalt  }
0x57: {  	_ =	shalt  }
0x58: {  	_ =	shalt  }
0x59: {  	_ =	shalt  }
0x5a: {  	_ =	shalt  }
0x5b: {  	_ =	shalt  }
0x5c: {  	_ =	shalt  }
0x5d: {  	_ =	shalt  }
0x5e: {  	_ =	shalt  }
0x5f: {  	_ =	shalt  }
0x60: {  	_ =	shalt  }
0x61: {  	_ =	shalt  }
0x62: {  	_ =	shalt  }
0x63: {  	_ =	shalt  }
0x64: {  	_ =	shalt  }
0x65: {  	_ =	shalt  }
0x66: {  	_ =	shalt  }
0x67: {  	_ =	shalt  }
0x68: {  	_ =	shalt  }
0x69: {  	_ =	shalt  }
0x6a: {  	_ =	shalt  }
0x6b: {  	_ =	shalt  }
0x6c: {  	_ =	shalt  }
0x6d: {  	_ =	shalt  }
0x6e: {  	_ =	shalt  }
0x6f: {  	_ =	shalt  }
0x70: {  	_ =	shalt  }
0x71: {  	_ =	shalt  }
0x72: {  	_ =	shalt  }
0x73: {  	_ =	shalt  }
0x74: {  	_ =	shalt  }
0x75: {  	_ =	shalt  }
0x76: {  	_ =	shalt  }
0x77: {  	_ =	shalt  }
0x78: {  	_ =	shalt  }
0x79: {  	_ =	shalt  }
0x7a: {  	_ =	shalt  }
0x7b: {  	_ =	shalt  }
0x7c: {  	_ =	shalt  }
0x7d: {  	_ =	shalt  }
0x7e: {  	_ =	shalt  }
0x7f: {  	_ =	shalt  }
0x80: {  	_ =	shalt  }
0x81: {  	_ =	shalt  }
0x82: {  	_ =	shalt  }
0x83: {  	_ =	shalt  }
0x84: {  	_ =	shalt  }
0x85: {  	_ =	shalt  }
0x86: {  	_ =	shalt  }
0x87: {  	_ =	shalt  }
.Lfunc_end0:
.L_simem_size_0:
called_computation_lowered:
.L_overlay_start_0:
0x88: {  	s2 =	sld [smem:$0x3FD9]  }
0x89: {  	s3 =	sld [smem:$0x3FFE];
	_ =	sdelay $0x1  }
0x8a: {  	s1 =	srdreg.scid  }
0x8b: {  	s0 =	sand.u32 $0x1, s1  }
0x8c: {  	s25 =	sshll.u32 s0, $0xA;
	s2 =	sadd.s32 s3, s2  }
0x8d: {  	s2 =	sadd.s32 s2, s25  }
0x8e: {  	s28 =	simm.s32 $0x0;
	[smem:$0x3FC3] =	sst s2  }
0x8f: {  	[smem:$0xF] =	sst s28  }
0x90: {  	s26 =	sld [smem:$0x3FD0];
	(tm) =	ssettm $0x1  }
0x91: {  	s29 =	sld [smem:$0x3FFB];
	_ =	sdelay $0x3  }
0x92: {  	_ =	strace s29  }
0x93: {  	s2 =	sld [smem:$0x3FFC];
	_ =	sdelay $0x3  }
0x94: {  	_ =	strace s2  }
0x95: {  	s2 =	sld [smem:$0x3FFD];
	_ =	sdelay $0x3  }
0x96: {  	_ =	strace s2  }
0x97: {  	s30 =	simm.s32 $0x1B8B;
	_ =	strace $0x8FFFFFFF  }
0x98: {  	_ =	swait.ge [sflag:s30], $0x1  }
0x99: {  	[sflag:s30] =	ssyncset.done $0x0  }
0x9a: {  	s4 =	simm.s32 $0x1B8E;
	[sflag:s30] =	ssyncadd.s32 $0xFFFFFFFF  }
0x9b: {  	s31 =	simm.s32 $0xA;
	s5 =	simm.s32 $0x10;
	[smem:$0x3FD2] =	sst s4  }
0x9c: {  	p0 =	seq.s32 s0, $0x1;
	s2 =	sld [smem:$0x3FFE];
	_ =	strace $0x80000046  }
0x9d: {  	[smem:s5], [sflag:s31] =	dma.local [hbm:s26], $0x10  }
.Ltmp0:
0x9e: {  	_ = 	snop;
	(pc) =	sbr.rel @p0 .LBB1_2-.Ltmp0, $3  }
0x9f: {  	_ =	swait.ge [sflag:s31], $0x10  }
0xa0: {  	[sflag:s31] =	ssyncset.done $0x0  }
0xa1: {  	s3 =	sadd.s32 $0x1E85400, s2;
	[sflag:s31] =	ssyncadd.s32 $0xFFFFFFF0  }
0xa2: {  	s4 =	sld [smem:$0x10];
	_ =	sdelay $0x3  }
0xa3: {  	s4 =	sshll.u32 s4, $0x4  }
0xa4: {  	s5 =	sadd.s32 $0xF43000, s2;
	s4 =	sand.u32 $0x1FFFFFF0, s4  }
0xa5: {  	s6 =	sadd.s32 s5, s4;
	s4 =	simm.s32 $0x9  }
0xa6: {  	[hbm:s3], [sflag:s4] =	dma.local [hbm:s6], $0x10  }
0xa7: {  	s6 =	sld [smem:$0x11];
	_ =	sdelay $0x3  }
0xa8: {  	s6 =	sshll.u32 s6, $0x4  }
0xa9: {  	s6 =	sand.u32 $0x1FFFFFF0, s6  }
0xaa: {  	s7 =	sadd.s32 $0x10, s3;
	s6 =	sadd.s32 s5, s6  }
0xab: {  	[hbm:s7], [sflag:s4] =	dma.local [hbm:s6], $0x10  }
0xac: {  	s6 =	sld [smem:$0x12];
	_ =	sdelay $0x3  }
0xad: {  	s6 =	sshll.u32 s6, $0x4  }
0xae: {  	s6 =	sand.u32 $0x1FFFFFF0, s6  }
0xaf: {  	s30 =	sadd.s32 $0x20, s3;
	s6 =	sadd.s32 s5, s6  }
0xb0: {  	[hbm:s30], [sflag:s4] =	dma.local [hbm:s6], $0x10  }
0xb1: {  	s6 =	sld [smem:$0x13];
	_ =	sdelay $0x3  }
0xb2: {  	s6 =	sshll.u32 s6, $0x4  }
0xb3: {  	s6 =	sand.u32 $0x1FFFFFF0, s6  }
0xb4: {  	s31 =	sadd.s32 $0x30, s3;
	s6 =	sadd.s32 s5, s6  }
0xb5: {  	[hbm:s31], [sflag:s4] =	dma.local [hbm:s6], $0x10  }
0xb6: {  	s6 =	sld [smem:$0x14];
	_ =	sdelay $0x3  }
0xb7: {  	s6 =	sshll.u32 s6, $0x4  }
0xb8: {  	s6 =	sand.u32 $0x1FFFFFF0, s6  }
0xb9: {  	s8 =	sadd.s32 $0x40, s3;
	s6 =	sadd.s32 s5, s6  }
0xba: {  	[hbm:s8], [sflag:s4] =	dma.local [hbm:s6], $0x10  }
0xbb: {  	s6 =	sld [smem:$0x15];
	_ =	sdelay $0x3  }
0xbc: {  	s6 =	sshll.u32 s6, $0x4  }
0xbd: {  	s6 =	sand.u32 $0x1FFFFFF0, s6  }
0xbe: {  	s9 =	sadd.s32 $0x50, s3;
	s6 =	sadd.s32 s5, s6  }
0xbf: {  	[hbm:s9], [sflag:s4] =	dma.local [hbm:s6], $0x10  }
0xc0: {  	s6 =	sld [smem:$0x16];
	_ =	sdelay $0x3  }
0xc1: {  	s6 =	sshll.u32 s6, $0x4  }
0xc2: {  	s6 =	sand.u32 $0x1FFFFFF0, s6  }
0xc3: {  	s10 =	sadd.s32 $0x60, s3;
	s6 =	sadd.s32 s5, s6  }
0xc4: {  	[hbm:s10], [sflag:s4] =	dma.local [hbm:s6], $0x10  }
0xc5: {  	s6 =	sld [smem:$0x17];
	_ =	sdelay $0x3  }
0xc6: {  	s6 =	sshll.u32 s6, $0x4  }
0xc7: {  	s6 =	sand.u32 $0x1FFFFFF0, s6  }
0xc8: {  	s11 =	sadd.s32 $0x70, s3;
	s6 =	sadd.s32 s5, s6  }
0xc9: {  	[hbm:s11], [sflag:s4] =	dma.local [hbm:s6], $0x10  }
0xca: {  	s6 =	sld [smem:$0x18];
	_ =	sdelay $0x3  }
0xcb: {  	s6 =	sshll.u32 s6, $0x4  }
0xcc: {  	s6 =	sand.u32 $0x1FFFFFF0, s6  }
0xcd: {  	s12 =	sadd.s32 $0x80, s3;
	s6 =	sadd.s32 s5, s6  }
0xce: {  	[hbm:s12], [sflag:s4] =	dma.local [hbm:s6], $0x10  }
0xcf: {  	s6 =	sld [smem:$0x19];
	_ =	sdelay $0x3  }
0xd0: {  	s6 =	sshll.u32 s6, $0x4  }
0xd1: {  	s6 =	sand.u32 $0x1FFFFFF0, s6  }
0xd2: {  	s13 =	sadd.s32 $0x90, s3;
	s6 =	sadd.s32 s5, s6  }
0xd3: {  	[hbm:s13], [sflag:s4] =	dma.local [hbm:s6], $0x10  }
0xd4: {  	s6 =	sld [smem:$0x1A];
	_ =	sdelay $0x3  }
0xd5: {  	s6 =	sshll.u32 s6, $0x4  }
0xd6: {  	s6 =	sand.u32 $0x1FFFFFF0, s6  }
0xd7: {  	s14 =	sadd.s32 $0xA0, s3;
	s6 =	sadd.s32 s5, s6  }
0xd8: {  	[hbm:s14], [sflag:s4] =	dma.local [hbm:s6], $0x10  }
0xd9: {  	s6 =	sld [smem:$0x1B];
	_ =	sdelay $0x3  }
0xda: {  	s6 =	sshll.u32 s6, $0x4  }
0xdb: {  	s6 =	sand.u32 $0x1FFFFFF0, s6  }
0xdc: {  	s15 =	sadd.s32 $0xB0, s3;
	s6 =	sadd.s32 s5, s6  }
0xdd: {  	[hbm:s15], [sflag:s4] =	dma.local [hbm:s6], $0x10  }
0xde: {  	s6 =	sld [smem:$0x1C];
	_ =	sdelay $0x3  }
0xdf: {  	s6 =	sshll.u32 s6, $0x4  }
0xe0: {  	s6 =	sand.u32 $0x1FFFFFF0, s6  }
0xe1: {  	s16 =	sadd.s32 $0xC0, s3;
	s6 =	sadd.s32 s5, s6  }
0xe2: {  	[hbm:s16], [sflag:s4] =	dma.local [hbm:s6], $0x10  }
0xe3: {  	s6 =	sld [smem:$0x1D];
	_ =	sdelay $0x3  }
0xe4: {  	s6 =	sshll.u32 s6, $0x4  }
0xe5: {  	s6 =	sand.u32 $0x1FFFFFF0, s6  }
0xe6: {  	s17 =	sadd.s32 $0xD0, s3;
	s6 =	sadd.s32 s5, s6  }
0xe7: {  	[hbm:s17], [sflag:s4] =	dma.local [hbm:s6], $0x10  }
0xe8: {  	s6 =	sld [smem:$0x1E];
	_ =	sdelay $0x3  }
0xe9: {  	s6 =	sshll.u32 s6, $0x4  }
0xea: {  	s6 =	sand.u32 $0x1FFFFFF0, s6  }
0xeb: {  	s18 =	sadd.s32 $0xE0, s3;
	s6 =	sadd.s32 s5, s6  }
0xec: {  	[hbm:s18], [sflag:s4] =	dma.local [hbm:s6], $0x10  }
0xed: {  	s6 =	sld [smem:$0x1F];
	_ =	sdelay $0x3  }
0xee: {  	s6 =	sshll.u32 s6, $0x4  }
0xef: {  	s6 =	sand.u32 $0x1FFFFFF0, s6  }
0xf0: {  	s19 =	sadd.s32 $0xF0, s3;
	s6 =	sadd.s32 s5, s6  }
0xf1: {  	[hbm:s19], [sflag:s4] =	dma.local [hbm:s6], $0x10  }
0xf2: {  	s6 =	sld [smem:$0x20];
	_ =	sdelay $0x3  }
0xf3: {  	s6 =	sshll.u32 s6, $0x4  }
0xf4: {  	s6 =	sand.u32 $0x1FFFFFF0, s6  }
0xf5: {  	s20 =	sadd.s32 $0x100, s3;
	s6 =	sadd.s32 s5, s6  }
0xf6: {  	[hbm:s20], [sflag:s4] =	dma.local [hbm:s6], $0x10  }
0xf7: {  	s6 =	sld [smem:$0x21];
	_ =	sdelay $0x3  }
0xf8: {  	s6 =	sshll.u32 s6, $0x4  }
0xf9: {  	s6 =	sand.u32 $0x1FFFFFF0, s6  }
0xfa: {  	s21 =	sadd.s32 $0x110, s3;
	s6 =	sadd.s32 s5, s6  }
0xfb: {  	[hbm:s21], [sflag:s4] =	dma.local [hbm:s6], $0x10  }
0xfc: {  	s6 =	sld [smem:$0x22];
	_ =	sdelay $0x3  }
0xfd: {  	s6 =	sshll.u32 s6, $0x4  }
0xfe: {  	s6 =	sand.u32 $0x1FFFFFF0, s6  }
0xff: {  	s22 =	sadd.s32 $0x120, s3;
	s6 =	sadd.s32 s5, s6  }
0x100: {  	[hbm:s22], [sflag:s4] =	dma.local [hbm:s6], $0x10  }
0x101: {  	s6 =	sld [smem:$0x23];
	_ =	sdelay $0x3  }
0x102: {  	s6 =	sshll.u32 s6, $0x4  }
0x103: {  	s6 =	sand.u32 $0x1FFFFFF0, s6  }
0x104: {  	s23 =	sadd.s32 $0x130, s3;
	s6 =	sadd.s32 s5, s6  }
0x105: {  	[hbm:s23], [sflag:s4] =	dma.local [hbm:s6], $0x10  }
0x106: {  	s6 =	sld [smem:$0x24];
	_ =	sdelay $0x3  }
0x107: {  	s6 =	sshll.u32 s6, $0x4  }
0x108: {  	s6 =	sand.u32 $0x1FFFFFF0, s6  }
0x109: {  	s24 =	sadd.s32 $0x140, s3;
	s6 =	sadd.s32 s5, s6  }
0x10a: {  	[hbm:s24], [sflag:s4] =	dma.local [hbm:s6], $0x10  }
0x10b: {  	s6 =	sld [smem:$0x25];
	_ =	sdelay $0x3  }
0x10c: {  	s6 =	sshll.u32 s6, $0x4  }
0x10d: {  	s6 =	sand.u32 $0x1FFFFFF0, s6  }
0x10e: {  	s25 =	sadd.s32 $0x150, s3;
	s6 =	sadd.s32 s5, s6  }
0x10f: {  	[hbm:s25], [sflag:s4] =	dma.local [hbm:s6], $0x10  }
0x110: {  	s6 =	sld [smem:$0x26];
	_ =	sdelay $0x3  }
0x111: {  	s6 =	sshll.u32 s6, $0x4  }
0x112: {  	s6 =	sand.u32 $0x1FFFFFF0, s6  }
0x113: {  	s26 =	sadd.s32 $0x160, s3;
	s6 =	sadd.s32 s5, s6  }
0x114: {  	[hbm:s26], [sflag:s4] =	dma.local [hbm:s6], $0x10  }
0x115: {  	s6 =	sld [smem:$0x27];
	_ =	sdelay $0x3  }
0x116: {  	s6 =	sshll.u32 s6, $0x4  }
0x117: {  	s6 =	sand.u32 $0x1FFFFFF0, s6  }
0x118: {  	s28 =	sadd.s32 $0x170, s3;
	s6 =	sadd.s32 s5, s6  }
0x119: {  	[hbm:s28], [sflag:s4] =	dma.local [hbm:s6], $0x10  }
0x11a: {  	s6 =	sld [smem:$0x28];
	_ =	sdelay $0x3  }
0x11b: {  	s6 =	sshll.u32 s6, $0x4  }
0x11c: {  	s6 =	sand.u32 $0x1FFFFFF0, s6  }
0x11d: {  	s29 =	sadd.s32 $0x180, s3;
	s6 =	sadd.s32 s5, s6  }
0x11e: {  	[hbm:s29], [sflag:s4] =	dma.local [hbm:s6], $0x10  }
0x11f: {  	s6 =	sld [smem:$0x29];
	_ =	sdelay $0x3  }
0x120: {  	s6 =	sshll.u32 s6, $0x4  }
0x121: {  	s6 =	sand.u32 $0x1FFFFFF0, s6  }
0x122: {  	s30 =	sadd.s32 $0x190, s3;
	s6 =	sadd.s32 s5, s6  }
0x123: {  	[hbm:s30], [sflag:s4] =	dma.local [hbm:s6], $0x10  }
0x124: {  	s6 =	sld [smem:$0x2A];
	_ =	sdelay $0x3  }
0x125: {  	s6 =	sshll.u32 s6, $0x4  }
0x126: {  	s6 =	sand.u32 $0x1FFFFFF0, s6  }
0x127: {  	s31 =	sadd.s32 $0x1A0, s3;
	s6 =	sadd.s32 s5, s6  }
0x128: {  	[hbm:s31], [sflag:s4] =	dma.local [hbm:s6], $0x10  }
0x129: {  	s6 =	sld [smem:$0x2B];
	_ =	sdelay $0x3  }
0x12a: {  	s6 =	sshll.u32 s6, $0x4  }
0x12b: {  	s6 =	sand.u32 $0x1FFFFFF0, s6  }
0x12c: {  	s8 =	sadd.s32 $0x1B0, s3;
	s6 =	sadd.s32 s5, s6  }
0x12d: {  	[hbm:s8], [sflag:s4] =	dma.local [hbm:s6], $0x10  }
0x12e: {  	s6 =	sld [smem:$0x2C];
	_ =	sdelay $0x3  }
0x12f: {  	s6 =	sshll.u32 s6, $0x4  }
0x130: {  	s6 =	sand.u32 $0x1FFFFFF0, s6  }
0x131: {  	s9 =	sadd.s32 $0x1C0, s3;
	s6 =	sadd.s32 s5, s6  }
0x132: {  	[hbm:s9], [sflag:s4] =	dma.local [hbm:s6], $0x10  }
0x133: {  	s6 =	sld [smem:$0x2D];
	_ =	sdelay $0x3  }
0x134: {  	s6 =	sshll.u32 s6, $0x4  }
0x135: {  	s6 =	sand.u32 $0x1FFFFFF0, s6  }
0x136: {  	s10 =	sadd.s32 $0x1D0, s3;
	s6 =	sadd.s32 s5, s6  }
0x137: {  	[hbm:s10], [sflag:s4] =	dma.local [hbm:s6], $0x10  }
0x138: {  	s6 =	sld [smem:$0x2E];
	_ =	sdelay $0x3  }
0x139: {  	s6 =	sshll.u32 s6, $0x4  }
0x13a: {  	s6 =	sand.u32 $0x1FFFFFF0, s6  }
0x13b: {  	s11 =	sadd.s32 $0x1E0, s3;
	s6 =	sadd.s32 s5, s6  }
0x13c: {  	[hbm:s11], [sflag:s4] =	dma.local [hbm:s6], $0x10  }
0x13d: {  	s6 =	sld [smem:$0x2F];
	_ =	sdelay $0x3  }
0x13e: {  	s6 =	sshll.u32 s6, $0x4  }
0x13f: {  	s6 =	sand.u32 $0x1FFFFFF0, s6  }
0x140: {  	s12 =	sadd.s32 $0x1F0, s3;
	s6 =	sadd.s32 s5, s6  }
0x141: {  	[hbm:s12], [sflag:s4] =	dma.local [hbm:s6], $0x10  }
0x142: {  	s6 =	sld [smem:$0x30];
	_ =	sdelay $0x3  }
0x143: {  	s6 =	sshll.u32 s6, $0x4  }
0x144: {  	s6 =	sand.u32 $0x1FFFFFF0, s6  }
0x145: {  	s13 =	sadd.s32 $0x200, s3;
	s6 =	sadd.s32 s5, s6  }
0x146: {  	[hbm:s13], [sflag:s4] =	dma.local [hbm:s6], $0x10  }
0x147: {  	s6 =	sld [smem:$0x31];
	_ =	sdelay $0x3  }
0x148: {  	s6 =	sshll.u32 s6, $0x4  }
0x149: {  	s6 =	sand.u32 $0x1FFFFFF0, s6  }
0x14a: {  	s14 =	sadd.s32 $0x210, s3;
	s6 =	sadd.s32 s5, s6  }
0x14b: {  	[hbm:s14], [sflag:s4] =	dma.local [hbm:s6], $0x10  }
0x14c: {  	s6 =	sld [smem:$0x32];
	_ =	sdelay $0x3  }
0x14d: {  	s6 =	sshll.u32 s6, $0x4  }
0x14e: {  	s6 =	sand.u32 $0x1FFFFFF0, s6  }
0x14f: {  	s15 =	sadd.s32 $0x220, s3;
	s6 =	sadd.s32 s5, s6  }
0x150: {  	[hbm:s15], [sflag:s4] =	dma.local [hbm:s6], $0x10  }
0x151: {  	s6 =	sld [smem:$0x33];
	_ =	sdelay $0x3  }
0x152: {  	s6 =	sshll.u32 s6, $0x4  }
0x153: {  	s6 =	sand.u32 $0x1FFFFFF0, s6  }
0x154: {  	s16 =	sadd.s32 $0x230, s3;
	s6 =	sadd.s32 s5, s6  }
0x155: {  	[hbm:s16], [sflag:s4] =	dma.local [hbm:s6], $0x10  }
0x156: {  	s6 =	sld [smem:$0x34];
	_ =	sdelay $0x3  }
0x157: {  	s6 =	sshll.u32 s6, $0x4  }
0x158: {  	s6 =	sand.u32 $0x1FFFFFF0, s6  }
0x159: {  	s17 =	sadd.s32 $0x240, s3;
	s6 =	sadd.s32 s5, s6  }
0x15a: {  	[hbm:s17], [sflag:s4] =	dma.local [hbm:s6], $0x10  }
0x15b: {  	s6 =	sld [smem:$0x35];
	_ =	sdelay $0x3  }
0x15c: {  	s6 =	sshll.u32 s6, $0x4  }
0x15d: {  	s6 =	sand.u32 $0x1FFFFFF0, s6  }
0x15e: {  	s18 =	sadd.s32 $0x250, s3;
	s6 =	sadd.s32 s5, s6  }
0x15f: {  	[hbm:s18], [sflag:s4] =	dma.local [hbm:s6], $0x10  }
0x160: {  	s6 =	sld [smem:$0x36];
	_ =	sdelay $0x3  }
0x161: {  	s6 =	sshll.u32 s6, $0x4  }
0x162: {  	s6 =	sand.u32 $0x1FFFFFF0, s6  }
0x163: {  	s19 =	sadd.s32 $0x260, s3;
	s6 =	sadd.s32 s5, s6  }
0x164: {  	[hbm:s19], [sflag:s4] =	dma.local [hbm:s6], $0x10  }
0x165: {  	s6 =	sld [smem:$0x37];
	_ =	sdelay $0x3  }
0x166: {  	s6 =	sshll.u32 s6, $0x4  }
0x167: {  	s6 =	sand.u32 $0x1FFFFFF0, s6  }
0x168: {  	s20 =	sadd.s32 $0x270, s3;
	s6 =	sadd.s32 s5, s6  }
0x169: {  	[hbm:s20], [sflag:s4] =	dma.local [hbm:s6], $0x10  }
0x16a: {  	s6 =	sld [smem:$0x38];
	_ =	sdelay $0x3  }
0x16b: {  	s6 =	sshll.u32 s6, $0x4  }
0x16c: {  	s6 =	sand.u32 $0x1FFFFFF0, s6  }
0x16d: {  	s21 =	sadd.s32 $0x280, s3;
	s6 =	sadd.s32 s5, s6  }
0x16e: {  	[hbm:s21], [sflag:s4] =	dma.local [hbm:s6], $0x10  }
0x16f: {  	s6 =	sld [smem:$0x39];
	_ =	sdelay $0x3  }
0x170: {  	s6 =	sshll.u32 s6, $0x4  }
0x171: {  	s6 =	sand.u32 $0x1FFFFFF0, s6  }
0x172: {  	s22 =	sadd.s32 $0x290, s3;
	s6 =	sadd.s32 s5, s6  }
0x173: {  	[hbm:s22], [sflag:s4] =	dma.local [hbm:s6], $0x10  }
0x174: {  	s6 =	sld [smem:$0x3A];
	_ =	sdelay $0x3  }
0x175: {  	s6 =	sshll.u32 s6, $0x4  }
0x176: {  	s6 =	sand.u32 $0x1FFFFFF0, s6  }
0x177: {  	s23 =	sadd.s32 $0x2A0, s3;
	s6 =	sadd.s32 s5, s6  }
0x178: {  	[hbm:s23], [sflag:s4] =	dma.local [hbm:s6], $0x10  }
0x179: {  	s6 =	sld [smem:$0x3B];
	_ =	sdelay $0x3  }
0x17a: {  	s6 =	sshll.u32 s6, $0x4  }
0x17b: {  	s6 =	sand.u32 $0x1FFFFFF0, s6  }
0x17c: {  	s24 =	sadd.s32 $0x2B0, s3;
	s6 =	sadd.s32 s5, s6  }
0x17d: {  	[hbm:s24], [sflag:s4] =	dma.local [hbm:s6], $0x10  }
0x17e: {  	s6 =	sld [smem:$0x3C];
	_ =	sdelay $0x3  }
0x17f: {  	s6 =	sshll.u32 s6, $0x4  }
0x180: {  	s6 =	sand.u32 $0x1FFFFFF0, s6  }
0x181: {  	s25 =	sadd.s32 $0x2C0, s3;
	s6 =	sadd.s32 s5, s6  }
0x182: {  	[hbm:s25], [sflag:s4] =	dma.local [hbm:s6], $0x10  }
0x183: {  	s6 =	sld [smem:$0x3D];
	_ =	sdelay $0x3  }
0x184: {  	s6 =	sshll.u32 s6, $0x4  }
0x185: {  	s6 =	sand.u32 $0x1FFFFFF0, s6  }
0x186: {  	s26 =	sadd.s32 $0x2D0, s3;
	s6 =	sadd.s32 s5, s6  }
0x187: {  	[hbm:s26], [sflag:s4] =	dma.local [hbm:s6], $0x10  }
0x188: {  	s6 =	sld [smem:$0x3E];
	_ =	sdelay $0x3  }
0x189: {  	s6 =	sshll.u32 s6, $0x4  }
0x18a: {  	s6 =	sand.u32 $0x1FFFFFF0, s6  }
0x18b: {  	s28 =	sadd.s32 $0x2E0, s3;
	s6 =	sadd.s32 s5, s6  }
0x18c: {  	[hbm:s28], [sflag:s4] =	dma.local [hbm:s6], $0x10  }
0x18d: {  	s6 =	sld [smem:$0x3F];
	_ =	sdelay $0x3  }
0x18e: {  	s6 =	sshll.u32 s6, $0x4  }
0x18f: {  	s6 =	sand.u32 $0x1FFFFFF0, s6  }
0x190: {  	s29 =	sadd.s32 $0x2F0, s3;
	s6 =	sadd.s32 s5, s6  }
0x191: {  	[hbm:s29], [sflag:s4] =	dma.local [hbm:s6], $0x10  }
0x192: {  	s6 =	sld [smem:$0x40];
	_ =	sdelay $0x3  }
0x193: {  	s6 =	sshll.u32 s6, $0x4  }
0x194: {  	s6 =	sand.u32 $0x1FFFFFF0, s6  }
0x195: {  	s30 =	sadd.s32 $0x300, s3;
	s6 =	sadd.s32 s5, s6  }
0x196: {  	[hbm:s30], [sflag:s4] =	dma.local [hbm:s6], $0x10  }
0x197: {  	s6 =	sld [smem:$0x41];
	_ =	sdelay $0x3  }
0x198: {  	s6 =	sshll.u32 s6, $0x4  }
0x199: {  	s6 =	sand.u32 $0x1FFFFFF0, s6  }
0x19a: {  	s31 =	sadd.s32 $0x310, s3;
	s5 =	sadd.s32 s5, s6  }
0x19b: {  	[hbm:s31], [sflag:s4] =	dma.local [hbm:s5], $0x10  }
0x19c: {  	_ =	swait.ge [sflag:s4], $0x10  }
0x19d: {  	[sflag:s4] =	ssyncset.done $0x0  }
0x19e: {  	[sflag:s4] =	ssyncadd.s32 $0xFFFFFFF0;
	_ =	sdelay $0x2  }
0x19f: {  	_ =	swait.ge [sflag:s4], $0x10  }
0x1a0: {  	[sflag:s4] =	ssyncset.done $0x0  }
0x1a1: {  	[sflag:s4] =	ssyncadd.s32 $0xFFFFFFF0;
	_ =	sdelay $0x2  }
0x1a2: {  	_ =	swait.ge [sflag:s4], $0x10  }
0x1a3: {  	[sflag:s4] =	ssyncset.done $0x0  }
0x1a4: {  	[sflag:s4] =	ssyncadd.s32 $0xFFFFFFF0;
	_ =	sdelay $0x2  }
0x1a5: {  	_ =	swait.ge [sflag:s4], $0x10  }
0x1a6: {  	[sflag:s4] =	ssyncset.done $0x0  }
0x1a7: {  	[sflag:s4] =	ssyncadd.s32 $0xFFFFFFF0;
	_ =	sdelay $0x2  }
0x1a8: {  	_ =	swait.ge [sflag:s4], $0x10  }
0x1a9: {  	[sflag:s4] =	ssyncset.done $0x0  }
0x1aa: {  	[sflag:s4] =	ssyncadd.s32 $0xFFFFFFF0;
	_ =	sdelay $0x2  }
0x1ab: {  	_ =	swait.ge [sflag:s4], $0x10  }
0x1ac: {  	[sflag:s4] =	ssyncset.done $0x0  }
0x1ad: {  	[sflag:s4] =	ssyncadd.s32 $0xFFFFFFF0;
	_ =	sdelay $0x2  }
0x1ae: {  	_ =	swait.ge [sflag:s4], $0x10  }
0x1af: {  	[sflag:s4] =	ssyncset.done $0x0  }
0x1b0: {  	[sflag:s4] =	ssyncadd.s32 $0xFFFFFFF0;
	_ =	sdelay $0x2  }
0x1b1: {  	_ =	swait.ge [sflag:s4], $0x10  }
0x1b2: {  	[sflag:s4] =	ssyncset.done $0x0  }
0x1b3: {  	[sflag:s4] =	ssyncadd.s32 $0xFFFFFFF0;
	_ =	sdelay $0x2  }
0x1b4: {  	_ =	swait.ge [sflag:s4], $0x10  }
0x1b5: {  	[sflag:s4] =	ssyncset.done $0x0  }
0x1b6: {  	[sflag:s4] =	ssyncadd.s32 $0xFFFFFFF0;
	_ =	sdelay $0x2  }
0x1b7: {  	_ =	swait.ge [sflag:s4], $0x10  }
0x1b8: {  	[sflag:s4] =	ssyncset.done $0x0  }
0x1b9: {  	[sflag:s4] =	ssyncadd.s32 $0xFFFFFFF0;
	_ =	sdelay $0x2  }
0x1ba: {  	_ =	swait.ge [sflag:s4], $0x10  }
0x1bb: {  	[sflag:s4] =	ssyncset.done $0x0  }
0x1bc: {  	[sflag:s4] =	ssyncadd.s32 $0xFFFFFFF0;
	_ =	sdelay $0x2  }
0x1bd: {  	_ =	swait.ge [sflag:s4], $0x10  }
0x1be: {  	[sflag:s4] =	ssyncset.done $0x0  }
0x1bf: {  	[sflag:s4] =	ssyncadd.s32 $0xFFFFFFF0;
	_ =	sdelay $0x2  }
0x1c0: {  	_ =	swait.ge [sflag:s4], $0x10  }
0x1c1: {  	[sflag:s4] =	ssyncset.done $0x0  }
0x1c2: {  	[sflag:s4] =	ssyncadd.s32 $0xFFFFFFF0;
	_ =	sdelay $0x2  }
0x1c3: {  	_ =	swait.ge [sflag:s4], $0x10  }
0x1c4: {  	[sflag:s4] =	ssyncset.done $0x0  }
0x1c5: {  	[sflag:s4] =	ssyncadd.s32 $0xFFFFFFF0;
	_ =	sdelay $0x2  }
0x1c6: {  	_ =	swait.ge [sflag:s4], $0x10  }
0x1c7: {  	[sflag:s4] =	ssyncset.done $0x0  }
0x1c8: {  	[sflag:s4] =	ssyncadd.s32 $0xFFFFFFF0;
	_ =	sdelay $0x2  }
0x1c9: {  	_ =	swait.ge [sflag:s4], $0x10  }
0x1ca: {  	[sflag:s4] =	ssyncset.done $0x0  }
0x1cb: {  	[sflag:s4] =	ssyncadd.s32 $0xFFFFFFF0;
	_ =	sdelay $0x2  }
0x1cc: {  	_ =	swait.ge [sflag:s4], $0x10  }
0x1cd: {  	[sflag:s4] =	ssyncset.done $0x0  }
0x1ce: {  	[sflag:s4] =	ssyncadd.s32 $0xFFFFFFF0;
	_ =	sdelay $0x2  }
0x1cf: {  	_ =	swait.ge [sflag:s4], $0x10  }
0x1d0: {  	[sflag:s4] =	ssyncset.done $0x0  }
0x1d1: {  	[sflag:s4] =	ssyncadd.s32 $0xFFFFFFF0;
	_ =	sdelay $0x2  }
0x1d2: {  	_ =	swait.ge [sflag:s4], $0x10  }
0x1d3: {  	[sflag:s4] =	ssyncset.done $0x0  }
0x1d4: {  	[sflag:s4] =	ssyncadd.s32 $0xFFFFFFF0;
	_ =	sdelay $0x2  }
0x1d5: {  	_ =	swait.ge [sflag:s4], $0x10  }
0x1d6: {  	[sflag:s4] =	ssyncset.done $0x0  }
0x1d7: {  	[sflag:s4] =	ssyncadd.s32 $0xFFFFFFF0;
	_ =	sdelay $0x2  }
0x1d8: {  	_ =	swait.ge [sflag:s4], $0x10  }
0x1d9: {  	[sflag:s4] =	ssyncset.done $0x0  }
0x1da: {  	[sflag:s4] =	ssyncadd.s32 $0xFFFFFFF0;
	_ =	sdelay $0x2  }
0x1db: {  	_ =	swait.ge [sflag:s4], $0x10  }
0x1dc: {  	[sflag:s4] =	ssyncset.done $0x0  }
0x1dd: {  	[sflag:s4] =	ssyncadd.s32 $0xFFFFFFF0;
	_ =	sdelay $0x2  }
0x1de: {  	_ =	swait.ge [sflag:s4], $0x10  }
0x1df: {  	[sflag:s4] =	ssyncset.done $0x0  }
0x1e0: {  	[sflag:s4] =	ssyncadd.s32 $0xFFFFFFF0;
	_ =	sdelay $0x2  }
0x1e1: {  	_ =	swait.ge [sflag:s4], $0x10  }
0x1e2: {  	[sflag:s4] =	ssyncset.done $0x0  }
0x1e3: {  	[sflag:s4] =	ssyncadd.s32 $0xFFFFFFF0;
	_ =	sdelay $0x2  }
0x1e4: {  	_ =	swait.ge [sflag:s4], $0x10  }
0x1e5: {  	[sflag:s4] =	ssyncset.done $0x0  }
0x1e6: {  	[sflag:s4] =	ssyncadd.s32 $0xFFFFFFF0;
	_ =	sdelay $0x2  }
0x1e7: {  	_ =	swait.ge [sflag:s4], $0x10  }
0x1e8: {  	[sflag:s4] =	ssyncset.done $0x0  }
0x1e9: {  	[sflag:s4] =	ssyncadd.s32 $0xFFFFFFF0;
	_ =	sdelay $0x2  }
0x1ea: {  	_ =	swait.ge [sflag:s4], $0x10  }
0x1eb: {  	[sflag:s4] =	ssyncset.done $0x0  }
0x1ec: {  	[sflag:s4] =	ssyncadd.s32 $0xFFFFFFF0;
	_ =	sdelay $0x2  }
0x1ed: {  	_ =	swait.ge [sflag:s4], $0x10  }
0x1ee: {  	[sflag:s4] =	ssyncset.done $0x0  }
0x1ef: {  	[sflag:s4] =	ssyncadd.s32 $0xFFFFFFF0;
	_ =	sdelay $0x2  }
0x1f0: {  	_ =	swait.ge [sflag:s4], $0x10  }
0x1f1: {  	[sflag:s4] =	ssyncset.done $0x0  }
0x1f2: {  	[sflag:s4] =	ssyncadd.s32 $0xFFFFFFF0;
	_ =	sdelay $0x2  }
0x1f3: {  	_ =	swait.ge [sflag:s4], $0x10  }
0x1f4: {  	[sflag:s4] =	ssyncset.done $0x0  }
0x1f5: {  	[sflag:s4] =	ssyncadd.s32 $0xFFFFFFF0;
	_ =	sdelay $0x2  }
0x1f6: {  	_ =	swait.ge [sflag:s4], $0x10  }
0x1f7: {  	[sflag:s4] =	ssyncset.done $0x0  }
0x1f8: {  	[sflag:s4] =	ssyncadd.s32 $0xFFFFFFF0;
	_ =	sdelay $0x2  }
0x1f9: {  	_ =	swait.ge [sflag:s4], $0x10  }
0x1fa: {  	[sflag:s4] =	ssyncset.done $0x0  }
0x1fb: {  	[sflag:s4] =	ssyncadd.s32 $0xFFFFFFF0;
	_ =	sdelay $0x2  }
0x1fc: {  	_ =	swait.ge [sflag:s4], $0x10  }
0x1fd: {  	[sflag:s4] =	ssyncset.done $0x0  }
0x1fe: {  	[sflag:s4] =	ssyncadd.s32 $0xFFFFFFF0;
	_ =	sdelay $0x2  }
0x1ff: {  	_ =	swait.ge [sflag:s4], $0x10  }
0x200: {  	[sflag:s4] =	ssyncset.done $0x0  }
0x201: {  	[sflag:s4] =	ssyncadd.s32 $0xFFFFFFF0;
	_ =	sdelay $0x2  }
0x202: {  	_ =	swait.ge [sflag:s4], $0x10  }
0x203: {  	[sflag:s4] =	ssyncset.done $0x0  }
0x204: {  	[sflag:s4] =	ssyncadd.s32 $0xFFFFFFF0;
	_ =	sdelay $0x2  }
0x205: {  	_ =	swait.ge [sflag:s4], $0x10  }
0x206: {  	[sflag:s4] =	ssyncset.done $0x0  }
0x207: {  	[sflag:s4] =	ssyncadd.s32 $0xFFFFFFF0;
	_ =	sdelay $0x2  }
0x208: {  	_ =	swait.ge [sflag:s4], $0x10  }
0x209: {  	[sflag:s4] =	ssyncset.done $0x0  }
0x20a: {  	[sflag:s4] =	ssyncadd.s32 $0xFFFFFFF0;
	_ =	sdelay $0x2  }
0x20b: {  	_ =	swait.ge [sflag:s4], $0x10  }
0x20c: {  	[sflag:s4] =	ssyncset.done $0x0  }
0x20d: {  	[sflag:s4] =	ssyncadd.s32 $0xFFFFFFF0;
	_ =	sdelay $0x2  }
0x20e: {  	_ =	swait.ge [sflag:s4], $0x10  }
0x20f: {  	[sflag:s4] =	ssyncset.done $0x0  }
0x210: {  	[sflag:s4] =	ssyncadd.s32 $0xFFFFFFF0;
	_ =	sdelay $0x2  }
0x211: {  	_ =	swait.ge [sflag:s4], $0x10  }
0x212: {  	[sflag:s4] =	ssyncset.done $0x0  }
0x213: {  	[sflag:s4] =	ssyncadd.s32 $0xFFFFFFF0;
	_ =	sdelay $0x2  }
0x214: {  	_ =	swait.ge [sflag:s4], $0x10  }
0x215: {  	[sflag:s4] =	ssyncset.done $0x0  }
0x216: {  	[sflag:s4] =	ssyncadd.s32 $0xFFFFFFF0;
	_ =	sdelay $0x2  }
0x217: {  	_ =	swait.ge [sflag:s4], $0x10  }
0x218: {  	[sflag:s4] =	ssyncset.done $0x0  }
0x219: {  	[sflag:s4] =	ssyncadd.s32 $0xFFFFFFF0;
	_ =	sdelay $0x2  }
0x21a: {  	_ =	swait.ge [sflag:s4], $0x10  }
0x21b: {  	[sflag:s4] =	ssyncset.done $0x0  }
0x21c: {  	[sflag:s4] =	ssyncadd.s32 $0xFFFFFFF0;
	_ =	sdelay $0x2  }
0x21d: {  	_ =	swait.ge [sflag:s4], $0x10  }
0x21e: {  	[sflag:s4] =	ssyncset.done $0x0  }
0x21f: {  	[sflag:s4] =	ssyncadd.s32 $0xFFFFFFF0;
	_ =	sdelay $0x2  }
0x220: {  	_ =	swait.ge [sflag:s4], $0x10  }
0x221: {  	[sflag:s4] =	ssyncset.done $0x0  }
0x222: {  	[sflag:s4] =	ssyncadd.s32 $0xFFFFFFF0;
	_ =	sdelay $0x2  }
0x223: {  	_ =	swait.ge [sflag:s4], $0x10  }
0x224: {  	[sflag:s4] =	ssyncset.done $0x0  }
0x225: {  	[sflag:s4] =	ssyncadd.s32 $0xFFFFFFF0;
	_ =	sdelay $0x2  }
0x226: {  	_ =	swait.ge [sflag:s4], $0x10  }
0x227: {  	[sflag:s4] =	ssyncset.done $0x0  }
0x228: {  	[sflag:s4] =	ssyncadd.s32 $0xFFFFFFF0;
	_ =	sdelay $0x2  }
0x229: {  	_ =	swait.ge [sflag:s4], $0x10  }
0x22a: {  	[sflag:s4] =	ssyncset.done $0x0  }
0x22b: {  	[sflag:s4] =	ssyncadd.s32 $0xFFFFFFF0;
	_ =	sdelay $0x2  }
0x22c: {  	_ =	swait.ge [sflag:s4], $0x10  }
0x22d: {  	[sflag:s4] =	ssyncset.done $0x0  }
0x22e: {  	[sflag:s4] =	ssyncadd.s32 $0xFFFFFFF0  }
0x22f: {  	p0 =	seq.s32 s0, $0x0  }
.Ltmp1:
0x230: {  	_ = 	snop;
	(pc) =	sbr.rel @p0 .LBB1_3-.Ltmp1, $3  }
0x231: {  	_ =	swait.ge [sflag:s4], $0x10  }
0x232: {  	[sflag:s4] =	ssyncset.done $0x0  }
0x233: {  	[sflag:s4] =	ssyncadd.s32 $0xFFFFFFF0  }
.LBB1_2:
0x234: {  	s4 =	sld [smem:$0x42];
	_ =	sdelay $0x3  }
0x235: {  	s4 =	sshll.u32 s4, $0x4  }
0x236: {  	s2 =	sadd.s32 $0xC00, s2;
	s4 =	sand.u32 $0x1FFFFFF0, s4  }
0x237: {  	s3 =	sadd.s32 $0x320, s3;
	s31 =	simm.s32 $0x9;
	s2 =	sadd.s32 s2, s4  }
0x238: {  	[hbm:s3], [sflag:s31] =	dma.local [hbm:s2], $0x10  }
0x239: {  	_ =	swait.ge [sflag:s31], $0x10  }
0x23a: {  	[sflag:s31] =	ssyncset.done $0x0  }
0x23b: {  	[sflag:s31] =	ssyncadd.s32 $0xFFFFFFF0  }
.LBB1_3:
0x23c: {  	_ =	strace $0x90000046  }
0x23d: {  	_ =	sfence  }
0x23e: {  	s2 =	sld [smem:$0x0];
	_ =	sdelay $0x2  }
0x23f: {  	s3 =	sshll.u32 s1, $0xD;
	s31 =	sshrl.u32 s1, $0x2  }
0x240: {  	s3 =	sand.u32 $0x4000, s3;
	s1 =	sadd.s32 s31, s2  }
0x241: {  	s0 =	sor.u32 s3, s0;
	s1 =	sshll.u32 s1, $0x11  }
0x242: {  	s0 =	sor.u32 s1, s0  }
0x243: {  	s0 =	sadd.s32 $0x8F2B, s0;
	(pc) =	sbr.abs _section_cstart, $3  }
0x244: {  	[sflag:s0] =	ssyncadd.remote.s32 $0x1  }
0x245: {  	_ =	strace $0x9FFFFFFF  }
0x246: {  	(tm) =	ssettm $0x7FFFFFFF  }
0x247: {  	_ =	shalt  }

</sc_bundles>
